<compile_context>
chip_gen: v7x
topology: tpu7x:2x2x1
jax: 0.10.2.dev20260603
libtpu: 0.0.44.dev20260713+nightly
codegen_flags: <defaults>
</compile_context>

<pallas_src>
import dataclasses
import functools

import jax
import jax.numpy as jnp
from jax import lax
from jax.experimental import pallas as pl
from jax.experimental.pallas import tpu as pltpu
from jax.experimental.pallas import tpu_sc as plsc

_N_NODES = 10000
_N_EDGES = 320000
_D = 128

_NW = 32
_ROWS_PER_W = 320
_N_PAD = _NW * _ROWS_PER_W
_CH = 6400
_NCHUNK = _N_EDGES // _CH
_NGRP = _CH // 16
_CROWS = _CH // 128
_GW = 64
_TRASH = _ROWS_PER_W

_SCORE_W = 128


def _mesh():
    return plsc.VectorSubcoreMesh(core_axis_name="core", subcore_axis_name="subcore")


def _sc_params():
    cp = pltpu.CompilerParams()
    if "needs_layout_passes" in pltpu.CompilerParams.__dataclass_fields__:
        cp = dataclasses.replace(cp, needs_layout_passes=False)
    return cp



def _pool_body(x_ref, w_ref, b_ref, o_ref):
    acc = jnp.dot(x_ref[...], w_ref[...], precision=lax.Precision.HIGHEST,
                  preferred_element_type=jnp.float32)
    o_ref[...] = jnp.maximum(acc + b_ref[...], 0.0)


def _pool_tc(x, W_pool, b_pool):
    n, d = x.shape
    blk = 2000
    return pl.pallas_call(
        _pool_body,
        grid=(n // blk,),
        in_specs=[
            pl.BlockSpec((blk, d), lambda i: (i, 0)),
            pl.BlockSpec((d, d), lambda i: (0, 0)),
            pl.BlockSpec((1, d), lambda i: (0, 0)),
        ],
        out_specs=pl.BlockSpec((blk, d), lambda i: (i, 0)),
        out_shape=jax.ShapeDtypeStruct((n, d), jnp.float32),
    )(x, W_pool, b_pool.reshape(1, d))


def _combine_body(x_ref, n_ref, ws_ref, wn_ref, b_ref, o_ref):
    a = jnp.dot(x_ref[...], ws_ref[...], precision=lax.Precision.HIGHEST,
                preferred_element_type=jnp.float32)
    c = jnp.dot(n_ref[...], wn_ref[...], precision=lax.Precision.HIGHEST,
                preferred_element_type=jnp.float32)
    o_ref[...] = a + c + b_ref[...]


def _combine_tc(x, neigh, W_self, W_neigh, b):
    n, d = x.shape
    blk = 2000
    return pl.pallas_call(
        _combine_body,
        grid=(n // blk,),
        in_specs=[
            pl.BlockSpec((blk, d), lambda i: (i, 0)),
            pl.BlockSpec((blk, d), lambda i: (i, 0)),
            pl.BlockSpec((d, d), lambda i: (0, 0)),
            pl.BlockSpec((d, d), lambda i: (0, 0)),
            pl.BlockSpec((1, d), lambda i: (0, 0)),
        ],
        out_specs=pl.BlockSpec((blk, d), lambda i: (i, 0)),
        out_shape=jax.ShapeDtypeStruct((n, d), jnp.float32),
    )(x, neigh, W_self, W_neigh, b.reshape(1, d))



def _segmax_body(hpool_hbm, src_hbm, dst_hbm, out_hbm,
                 acc, dstbuf, srcbuf, mdst, msrc, msgbuf, ssem, gsem):
    wid = lax.axis_index("core") * 16 + lax.axis_index("subcore")
    lo = wid * _ROWS_PER_W
    iota = lax.broadcasted_iota(jnp.int32, (16,), 0)
    zf16 = jnp.zeros((16,), jnp.float32)
    zi16 = jnp.zeros((16,), jnp.int32)

    @pl.loop(0, _ROWS_PER_W)
    def _(r):
        for jv in range(_D // 16):
            acc[r, pl.ds(jv * 16, 16)] = zf16

    @pl.loop(0, (_CH + _GW) // 16)
    def _(i):
        plsc.store_scatter(msrc, [i * 16 + iota], zi16)

    def issue_scan(c, k):
        pltpu.async_copy(dst_hbm.at[c], dstbuf.at[pl.ds(k * _CROWS, _CROWS)],
                         ssem.at[k])
        pltpu.async_copy(src_hbm.at[c], srcbuf.at[pl.ds(k * _CROWS, _CROWS)],
                         ssem.at[k])

    def wait_scan(c, k):
        pltpu.make_async_copy(dst_hbm.at[c], dstbuf.at[pl.ds(k * _CROWS, _CROWS)],
                              ssem.at[k]).wait()
        pltpu.make_async_copy(src_hbm.at[c], srcbuf.at[pl.ds(k * _CROWS, _CROWS)],
                              ssem.at[k]).wait()

    def issue_gather(s, j):
        pltpu.async_copy(hpool_hbm.at[msrc.at[pl.ds(s * _GW, _GW)]],
                         msgbuf.at[pl.ds(j * _GW, _GW)], gsem.at[j])

    def wait_gather(s, j):
        pltpu.make_async_copy(hpool_hbm.at[msrc.at[pl.ds(s * _GW, _GW)]],
                              msgbuf.at[pl.ds(j * _GW, _GW)], gsem.at[j]).wait()

    issue_scan(0, 0)

    def do_chunk(c, _):
        k = lax.rem(c, 2)

        @pl.when(c + 1 < _NCHUNK)
        def _():
            issue_scan(c + 1, 1 - k)

        wait_scan(c, k)

        def filt(g, moff):
            row = k * _CROWS + g
            dl, sv, mk, cnts = [], [], [], []
            for jj in range(128 // 16):
                dvec = dstbuf[row, pl.ds(jj * 16, 16)] - lo
                svec = srcbuf[row, pl.ds(jj * 16, 16)]
                mask = (dvec >= 0) & (dvec < _ROWS_PER_W)
                dl.append(dvec)
                sv.append(svec)
                mk.append(mask)
                cnts.append(jnp.sum(mask.astype(jnp.int32)))
            for jj in range(128 // 16):
                plsc.store_compressed(mdst.at[pl.ds(moff, 16)], dl[jj],
                                      mask=mk[jj])
                plsc.store_compressed(msrc.at[pl.ds(moff, 16)], sv[jj],
                                      mask=mk[jj])
                moff = moff + cnts[jj]
            return moff

        with jax.named_scope("segmax_filt"):
            mo = lax.fori_loop(0, _CROWS, filt, jnp.int32(0))

        plsc.store_scatter(mdst, [mo + iota], jnp.full((16,), _TRASH, jnp.int32))
        plsc.store_scatter(msrc, [mo + iota], zi16)

        nsub = (mo + _GW - 1) // _GW

        for sp in range(5):
            @pl.when(sp < nsub)
            def _():
                issue_gather(sp, sp)

        def do_sub(s, _):
            j = lax.rem(s, 6)

            @pl.when(s + 5 < nsub)
            def _():
                issue_gather(s + 5, lax.rem(s + 5, 6))

            wait_gather(s, j)
            base = s * _GW
            cnt = jnp.minimum(_GW, mo - base)

            def rmw1(q, _):
                p = base + q
                r0 = j * _GW + q
                d0 = plsc.load_gather(mdst, [jnp.full((16,), p, jnp.int32)])
                ds = jnp.max(d0)
                for jv in range(_D // 16):
                    sl = pl.ds(jv * 16, 16)
                    acc[ds, sl] = jnp.maximum(acc[ds, sl], msgbuf[r0, sl])
                return 0

            lax.fori_loop(0, cnt, rmw1, 0)
            return 0

        with jax.named_scope("segmax_rmw"):
            lax.fori_loop(0, nsub, do_sub, 0)
        return 0

    lax.fori_loop(0, _NCHUNK, do_chunk, 0)

    pltpu.sync_copy(acc.at[pl.ds(0, _ROWS_PER_W)],
                    out_hbm.at[pl.ds(lo, _ROWS_PER_W)])


def _segmax_sc(h_pool, src, dst):
    dst3 = dst.reshape(_NCHUNK, _CROWS, 128)
    src3 = src.reshape(_NCHUNK, _CROWS, 128)
    kfn = pl.kernel(
        _segmax_body,
        out_type=jax.ShapeDtypeStruct((_N_PAD, _D), jnp.float32),
        mesh=_mesh(),
        scratch_types=[
            pltpu.VMEM((_ROWS_PER_W + 8, _D), jnp.float32),
            pltpu.VMEM((2 * _CROWS, 128), jnp.int32),
            pltpu.VMEM((2 * _CROWS, 128), jnp.int32),
            pltpu.VMEM((_CH + _GW,), jnp.int32),
            pltpu.VMEM((_CH + _GW,), jnp.int32),
            pltpu.VMEM((6 * _GW, _D), jnp.float32),
            pltpu.SemaphoreType.DMA((2,)),
            pltpu.SemaphoreType.DMA((6,)),
        ],
        compiler_params=_sc_params(),
    )
    return kfn(h_pool, src3, dst3)



def _score_body(h_hbm, src_hbm, dst_hbm, out_hbm, sbuf, gsem):
    def body(s_ref, d_ref, o_ref):
        pltpu.async_copy(h_hbm.at[s_ref.at[0]], sbuf, gsem.at[0])
        pltpu.async_copy(h_hbm.at[d_ref.at[0]], o_ref, gsem.at[1])
        pltpu.make_async_copy(h_hbm.at[s_ref.at[0]], sbuf, gsem.at[0]).wait()
        pltpu.make_async_copy(h_hbm.at[d_ref.at[0]], o_ref, gsem.at[1]).wait()

        @pl.loop(0, _SCORE_W)
        def _(r):
            for jv in range(_D // 16):
                sl = pl.ds(jv * 16, 16)
                o_ref[r, sl] = o_ref[r, sl] * sbuf[r, sl]

    pltpu.emit_pipeline(
        body,
        grid=(_N_EDGES // _SCORE_W,),
        in_specs=[
            pl.BlockSpec((1, _SCORE_W), lambda i: (0, i)),
            pl.BlockSpec((1, _SCORE_W), lambda i: (0, i)),
        ],
        out_specs=[pl.BlockSpec((_SCORE_W, _D), lambda i: (i, 0))],
        core_axis_name=("core", "subcore"),
        dimension_semantics=(pltpu.PARALLEL,),
    )(src_hbm, dst_hbm, out_hbm)


def _score_sc(h, src, dst):
    kfn = pl.kernel(
        _score_body,
        out_type=jax.ShapeDtypeStruct((_N_EDGES, _D), jnp.float32),
        mesh=_mesh(),
        scratch_types=[pltpu.VMEM((_SCORE_W, _D), jnp.float32),
                       pltpu.SemaphoreType.DMA((2,))],
        compiler_params=_sc_params(),
    )
    return kfn(h, src.reshape(1, _N_EDGES), dst.reshape(1, _N_EDGES))



def kernel(x, edge_index, W_pool, b_pool, W_self, W_neigh, b):
    src = edge_index[0].astype(jnp.int32)
    dst = edge_index[1].astype(jnp.int32)
    h_pool = _pool_tc(x, W_pool, b_pool)
    neigh = _segmax_sc(h_pool, src, dst)[:_N_NODES]
    h = _combine_tc(x, neigh, W_self, W_neigh, b)
    return _score_sc(h, src, dst)

# --- scband reference (transcript-rebuilt; emitter-appended) ---
"""Pipeline reference for scband-model-14946486190730 (READ-ONLY COPY).

The authoritative reference and input builder live on the scoring server;
editing this copy changes nothing except your own understanding.
"""

import jax, jax.numpy as jnp
import numpy as np

N_NODES = 10000
N_EDGES = 320000
D = 128

def setup_inputs(seed: int = 0) -> dict:
    key = jax.random.key(seed)
    ks = jax.random.split(key, 8)
    x = jax.random.normal(ks[0], (N_NODES, D), dtype=jnp.float32)
    edge_index = jax.random.randint(ks[1], (2, N_EDGES), 0, N_NODES, dtype=jnp.int64)
    # SAGEConv 'pool' aggregator parameters (single conv layer used per flag branch)
    W_pool = jax.random.normal(ks[2], (D, D), dtype=jnp.float32) * (1.0 / np.sqrt(D))
    b_pool = jnp.zeros((D,), dtype=jnp.float32)
    W_self = jax.random.normal(ks[3], (D, D), dtype=jnp.float32) * (1.0 / np.sqrt(D))
    W_neigh = jax.random.normal(ks[4], (D, D), dtype=jnp.float32) * (1.0 / np.sqrt(D))
    b = jnp.zeros((D,), dtype=jnp.float32)
    return {"x": x, "edge_index": edge_index, "W_pool": W_pool, "b_pool": b_pool,
            "W_self": W_self, "W_neigh": W_neigh, "b": b}

def reference(x, edge_index, W_pool, b_pool, W_self, W_neigh, b):
    src = edge_index[0]
    dst = edge_index[1]
    # SAGEConv with 'pool' aggregation: h_pool = relu(fc_pool(x))
    h_pool = jax.nn.relu(x @ W_pool + b_pool)
    # gather messages from src, max-reduce onto dst
    msgs = jnp.take(h_pool, src, axis=0)
    neigh = jax.ops.segment_max(msgs, dst, num_segments=N_NODES)
    # nodes with no in-edges get -inf from segment_max; DGL yields zeros there
    neigh = jnp.where(jnp.isfinite(neigh), neigh, 0.0)
    # rst = fc_self(h_dst) + fc_neigh(h_neigh) + bias
    h = x @ W_self + neigh @ W_neigh + b
    # DotProductPredictor: per-edge elementwise u_mul_v score
    score = jnp.take(h, src, axis=0) * jnp.take(h, dst, axis=0)
    return score

if __name__ == "__main__":
    import jax
    _d = setup_inputs()
    print(jax.jit(kernel)(*tuple(_d.values())))

</pallas_src>

<mosaic_0001>
#map = affine_map<(d0, d1) -> (0, 0)>
#map1 = affine_map<(d0, d1) -> (0, 0, 0)>
module attributes {stable_mosaic.version = 14 : i64} {
  func.func @_segmax_body(%arg0: i32, %arg1: i32, %arg2: memref<10000x128xf32, #tpu.memory_space<hbm>>, %arg3: memref<50x50x128xi32, #tpu.memory_space<hbm>>, %arg4: memref<50x50x128xi32, #tpu.memory_space<hbm>>, %arg5: memref<10240x128xf32, #tpu.memory_space<hbm>>, %arg6: memref<328x128xf32, #tpu.memory_space<vmem>>, %arg7: memref<100x128xi32, #tpu.memory_space<vmem>>, %arg8: memref<100x128xi32, #tpu.memory_space<vmem>>, %arg9: memref<6464xi32, #tpu.memory_space<vmem>>, %arg10: memref<6464xi32, #tpu.memory_space<vmem>>, %arg11: memref<384x128xf32, #tpu.memory_space<vmem>>, %arg12: memref<2x!tpu.dma_semaphore, #tpu.memory_space<semaphore_mem>>, %arg13: memref<6x!tpu.dma_semaphore, #tpu.memory_space<semaphore_mem>>) attributes {dimension_semantics = [#tpu.dimension_semantics<core_parallel>, #tpu.dimension_semantics<subcore_parallel>], iteration_bounds = array<i64: 2, 16>, scalar_prefetch = 0 : i64, scratch_operands = 8 : i64, tpu.core_type = #tpu.core_type<sc_vector_subcore>, window_params = [{transform_indices = #map}, {transform_indices = #map1}, {transform_indices = #map1}, {transform_indices = #map}]} {
    %mul3A = arith.constant 16 : i32
    %mul3A_0 = arith.muli %arg0, %mul3A : i32
    %add3A = arith.addi %mul3A_0, %arg1 : i32
    %mul3A_1 = arith.constant 320 : i32
    %mul3A_2 = arith.muli %add3A, %mul3A_1 : i32
    %iota3A = tpu.iota {dimensions = array<i32: 0>} : vector<16xi32>
    %broadcast_in_dim3A = arith.constant 0.000000e+00 : f32
    %broadcast_in_dim3A_3 = vector.broadcast %broadcast_in_dim3A : f32 to vector<16xf32>
    %broadcast_in_dim3A_4 = arith.constant 0 : i32
    %broadcast_in_dim3A_5 = vector.broadcast %broadcast_in_dim3A_4 : i32 to vector<16xi32>
    %scan3A = arith.constant 0 : i32
    %scan3A_6 = arith.constant 320 : i32
    %scan3A_7 = arith.addi %scan3A, %scan3A_6 : i32
    %scan3A_8 = arith.constant 1 : i32
    scf.for %scan3A_57 = %scan3A to %scan3A_7 step %scan3A_8  : i32 {
      %mul3A_58 = arith.constant 1 : i32
      %mul3A_59 = arith.muli %scan3A_57, %mul3A_58 : i32
      %add3A_60 = arith.constant 0 : i32
      %add3A_61 = arith.addi %add3A_60, %mul3A_59 : i32
      %swap3A = arith.index_cast %add3A_61 : i32 to index
      %swap3A_62 = arith.constant 0 : index
      %swap3A_63 = tpu.vector_load %arg6[%swap3A, %swap3A_62] {strides = array<i32>} : memref<328x128xf32, #tpu.memory_space<vmem>>, vector<16xf32>,
      tpu.vector_store %arg6[%swap3A, %swap3A_62], %broadcast_in_dim3A_3 {strides = array<i32>} : memref<328x128xf32, #tpu.memory_space<vmem>>, vector<16xf32>,
      %swap3A_64 = arith.index_cast %add3A_61 : i32 to index
      %swap3A_65 = arith.constant 16 : index
      %swap3A_66 = tpu.vector_load %arg6[%swap3A_64, %swap3A_65] {strides = array<i32>} : memref<328x128xf32, #tpu.memory_space<vmem>>, vector<16xf32>,
      tpu.vector_store %arg6[%swap3A_64, %swap3A_65], %broadcast_in_dim3A_3 {strides = array<i32>} : memref<328x128xf32, #tpu.memory_space<vmem>>, vector<16xf32>,
      %swap3A_67 = arith.index_cast %add3A_61 : i32 to index
      %swap3A_68 = arith.constant 32 : index
      %swap3A_69 = tpu.vector_load %arg6[%swap3A_67, %swap3A_68] {strides = array<i32>} : memref<328x128xf32, #tpu.memory_space<vmem>>, vector<16xf32>,
      tpu.vector_store %arg6[%swap3A_67, %swap3A_68], %broadcast_in_dim3A_3 {strides = array<i32>} : memref<328x128xf32, #tpu.memory_space<vmem>>, vector<16xf32>,
      %swap3A_70 = arith.index_cast %add3A_61 : i32 to index
      %swap3A_71 = arith.constant 48 : index
      %swap3A_72 = tpu.vector_load %arg6[%swap3A_70, %swap3A_71] {strides = array<i32>} : memref<328x128xf32, #tpu.memory_space<vmem>>, vector<16xf32>,
      tpu.vector_store %arg6[%swap3A_70, %swap3A_71], %broadcast_in_dim3A_3 {strides = array<i32>} : memref<328x128xf32, #tpu.memory_space<vmem>>, vector<16xf32>,
      %swap3A_73 = arith.index_cast %add3A_61 : i32 to index
      %swap3A_74 = arith.constant 64 : index
      %swap3A_75 = tpu.vector_load %arg6[%swap3A_73, %swap3A_74] {strides = array<i32>} : memref<328x128xf32, #tpu.memory_space<vmem>>, vector<16xf32>,
      tpu.vector_store %arg6[%swap3A_73, %swap3A_74], %broadcast_in_dim3A_3 {strides = array<i32>} : memref<328x128xf32, #tpu.memory_space<vmem>>, vector<16xf32>,
      %swap3A_76 = arith.index_cast %add3A_61 : i32 to index
      %swap3A_77 = arith.constant 80 : index
      %swap3A_78 = tpu.vector_load %arg6[%swap3A_76, %swap3A_77] {strides = array<i32>} : memref<328x128xf32, #tpu.memory_space<vmem>>, vector<16xf32>,
      tpu.vector_store %arg6[%swap3A_76, %swap3A_77], %broadcast_in_dim3A_3 {strides = array<i32>} : memref<328x128xf32, #tpu.memory_space<vmem>>, vector<16xf32>,
      %swap3A_79 = arith.index_cast %add3A_61 : i32 to index
      %swap3A_80 = arith.constant 96 : index
      %swap3A_81 = tpu.vector_load %arg6[%swap3A_79, %swap3A_80] {strides = array<i32>} : memref<328x128xf32, #tpu.memory_space<vmem>>, vector<16xf32>,
      tpu.vector_store %arg6[%swap3A_79, %swap3A_80], %broadcast_in_dim3A_3 {strides = array<i32>} : memref<328x128xf32, #tpu.memory_space<vmem>>, vector<16xf32>,
      %swap3A_82 = arith.index_cast %add3A_61 : i32 to index
      %swap3A_83 = arith.constant 112 : index
      %swap3A_84 = tpu.vector_load %arg6[%swap3A_82, %swap3A_83] {strides = array<i32>} : memref<328x128xf32, #tpu.memory_space<vmem>>, vector<16xf32>,
      tpu.vector_store %arg6[%swap3A_82, %swap3A_83], %broadcast_in_dim3A_3 {strides = array<i32>} : memref<328x128xf32, #tpu.memory_space<vmem>>, vector<16xf32>,
    }
    %scan3A_9 = arith.constant 320 : i32
    %scan3A_10 = arith.constant 0 : i32
    %scan3A_11 = arith.constant 404 : i32
    %scan3A_12 = arith.addi %scan3A_10, %scan3A_11 : i32
    %scan3A_13 = arith.constant 1 : i32
    scf.for %scan3A_57 = %scan3A_10 to %scan3A_12 step %scan3A_13  : i32 {
      %mul3A_58 = arith.constant 1 : i32
      %mul3A_59 = arith.muli %scan3A_57, %mul3A_58 : i32
      %add3A_60 = arith.constant 0 : i32
      %add3A_61 = arith.addi %add3A_60, %mul3A_59 : i32
      %mul3A_62 = arith.constant 16 : i32
      %mul3A_63 = arith.muli %add3A_61, %mul3A_62 : i32
      %add3A_64 = vector.broadcast %mul3A_63 : i32 to vector<16xi32>
      %add3A_65 = arith.addi %add3A_64, %iota3A : vector<16xi32>
      tpu.vector_store_idx %arg10[%add3A_65], %broadcast_in_dim3A_5 : memref<6464xi32, #tpu.memory_space<vmem>>[vector<16xi32>], vector<16xi32>,
    }
    %scan3A_14 = arith.constant 404 : i32
    %dma_start3A = arith.constant 0 : i32
    %dma_start3A_15 = arith.constant 0 : i32
    %dma_start3A_16 = arith.constant 0 : i32
    %dma_start3A_17 = arith.constant 0 : i32
    %dma_start3A_18 = tpu.memref_slice %arg7[%dma_start3A_16, %dma_start3A_17] : memref<100x128xi32, #tpu.memory_space<vmem>> -> memref<50x128xi32, #tpu.memory_space<vmem>>
    %dma_start3A_19 = arith.constant 0 : i32
    %dma_start3A_20 = arith.constant 0 : i32
    %dma_start3A_21 = tpu.memref_slice %arg4[%dma_start3A, %dma_start3A_19, %dma_start3A_20] : memref<50x50x128xi32, #tpu.memory_space<hbm>> -> memref<1x50x128xi32, #tpu.memory_space<hbm>>
    %dma_start3A_22 = tpu.memref_squeeze %dma_start3A_21 : memref<1x50x128xi32, #tpu.memory_space<hbm>> -> memref<50x128xi32, #tpu.memory_space<hbm>>
    %dma_start3A_23 = tpu.memref_slice %arg12[%dma_start3A_15] : memref<2x!tpu.dma_semaphore, #tpu.memory_space<semaphore_mem>> -> memref<1x!tpu.dma_semaphore, #tpu.memory_space<semaphore_mem>>
    %dma_start3A_24 = tpu.memref_squeeze %dma_start3A_23 : memref<1x!tpu.dma_semaphore, #tpu.memory_space<semaphore_mem>> -> memref<!tpu.dma_semaphore, #tpu.memory_space<semaphore_mem>>
    %dma_start3A_25 = arith.constant 0 : i32
    %dma_start3A_26 = arith.constant 0 : i32
    %dma_start3A_27 = tpu.memref_slice %arg7[%dma_start3A_25, %dma_start3A_26] : memref<100x128xi32, #tpu.memory_space<vmem>> -> memref<50x128xi32, #tpu.memory_space<vmem>>
    %dma_start3A_28 = arith.constant 0 : i32
    %dma_start3A_29 = arith.constant 0 : i32
    %dma_start3A_30 = tpu.memref_slice %arg4[%dma_start3A, %dma_start3A_28, %dma_start3A_29] : memref<50x50x128xi32, #tpu.memory_space<hbm>> -> memref<1x50x128xi32, #tpu.memory_space<hbm>>
    %dma_start3A_31 = tpu.memref_squeeze %dma_start3A_30 : memref<1x50x128xi32, #tpu.memory_space<hbm>> -> memref<50x128xi32, #tpu.memory_space<hbm>>
    tpu.enqueue_dma source(%dma_start3A_31 : memref<50x128xi32, #tpu.memory_space<hbm>>) target(%dma_start3A_27 : memref<50x128xi32, #tpu.memory_space<vmem>>) target_semaphore(%dma_start3A_24 : memref<!tpu.dma_semaphore, #tpu.memory_space<semaphore_mem>>)
    %dma_start3A_32 = arith.constant 0 : i32
    %dma_start3A_33 = arith.constant 0 : i32
    %dma_start3A_34 = arith.constant 0 : i32
    %dma_start3A_35 = arith.constant 0 : i32
    %dma_start3A_36 = tpu.memref_slice %arg8[%dma_start3A_34, %dma_start3A_35] : memref<100x128xi32, #tpu.memory_space<vmem>> -> memref<50x128xi32, #tpu.memory_space<vmem>>
    %dma_start3A_37 = arith.constant 0 : i32
    %dma_start3A_38 = arith.constant 0 : i32
    %dma_start3A_39 = tpu.memref_slice %arg3[%dma_start3A_32, %dma_start3A_37, %dma_start3A_38] : memref<50x50x128xi32, #tpu.memory_space<hbm>> -> memref<1x50x128xi32, #tpu.memory_space<hbm>>
    %dma_start3A_40 = tpu.memref_squeeze %dma_start3A_39 : memref<1x50x128xi32, #tpu.memory_space<hbm>> -> memref<50x128xi32, #tpu.memory_space<hbm>>
    %dma_start3A_41 = tpu.memref_slice %arg12[%dma_start3A_33] : memref<2x!tpu.dma_semaphore, #tpu.memory_space<semaphore_mem>> -> memref<1x!tpu.dma_semaphore, #tpu.memory_space<semaphore_mem>>
    %dma_start3A_42 = tpu.memref_squeeze %dma_start3A_41 : memref<1x!tpu.dma_semaphore, #tpu.memory_space<semaphore_mem>> -> memref<!tpu.dma_semaphore, #tpu.memory_space<semaphore_mem>>
    %dma_start3A_43 = arith.constant 0 : i32
    %dma_start3A_44 = arith.constant 0 : i32
    %dma_start3A_45 = tpu.memref_slice %arg8[%dma_start3A_43, %dma_start3A_44] : memref<100x128xi32, #tpu.memory_space<vmem>> -> memref<50x128xi32, #tpu.memory_space<vmem>>
    %dma_start3A_46 = arith.constant 0 : i32
    %dma_start3A_47 = arith.constant 0 : i32
    %dma_start3A_48 = tpu.memref_slice %arg3[%dma_start3A_32, %dma_start3A_46, %dma_start3A_47] : memref<50x50x128xi32, #tpu.memory_space<hbm>> -> memref<1x50x128xi32, #tpu.memory_space<hbm>>
    %dma_start3A_49 = tpu.memref_squeeze %dma_start3A_48 : memref<1x50x128xi32, #tpu.memory_space<hbm>> -> memref<50x128xi32, #tpu.memory_space<hbm>>
    tpu.enqueue_dma source(%dma_start3A_49 : memref<50x128xi32, #tpu.memory_space<hbm>>) target(%dma_start3A_45 : memref<50x128xi32, #tpu.memory_space<vmem>>) target_semaphore(%dma_start3A_42 : memref<!tpu.dma_semaphore, #tpu.memory_space<semaphore_mem>>)
    %scan3A_50 = arith.constant 0 : i32
    %scan3A_51 = arith.constant 0 : i32
    %scan3A_52 = arith.constant 50 : i32
    %scan3A_53 = arith.addi %scan3A_51, %scan3A_52 : i32
    %scan3A_54 = arith.constant 1 : i32
    %scan3A_55 = scf.for %scan3A_57 = %scan3A_51 to %scan3A_53 step %scan3A_54 iter_args(%scan3A_58 = %scan3A_50) -> (i32)  : i32 {
      %rem3A = arith.constant 2 : i32
      %rem3A_59 = arith.remsi %scan3A_57, %rem3A : i32
      %add3A_60 = arith.constant 1 : i32
      %add3A_61 = arith.addi %scan3A_57, %add3A_60 : i32
      %lt3A = arith.constant 50 : i32
      %lt3A_62 = arith.cmpi slt, %add3A_61, %lt3A : i32
      %convert_element_type3A = arith.extui %lt3A_62 : i1 to i32
      %cond3A = arith.constant 0 : i32
      %cond3A_63 = arith.cmpi ne, %convert_element_type3A, %cond3A : i32
      scf.if %cond3A_63 {
        %add3A_165 = arith.constant 1 : i32
        %add3A_166 = arith.addi %scan3A_57, %add3A_165 : i32
        %sub3A_167 = arith.constant 1 : i32
        %sub3A_168 = arith.subi %sub3A_167, %rem3A_59 : i32
        %mul3A_169 = arith.constant 50 : i32
        %mul3A_170 = arith.muli %sub3A_168, %mul3A_169 : i32
        %dma_start3A_171 = arith.constant 0 : i32
        %dma_start3A_172 = tpu.memref_slice %arg7[%mul3A_170, %dma_start3A_171] : memref<100x128xi32, #tpu.memory_space<vmem>> -> memref<50x128xi32, #tpu.memory_space<vmem>>
        %dma_start3A_173 = arith.constant 0 : i32
        %dma_start3A_174 = arith.constant 0 : i32
        %dma_start3A_175 = tpu.memref_slice %arg4[%add3A_166, %dma_start3A_173, %dma_start3A_174] : memref<50x50x128xi32, #tpu.memory_space<hbm>> -> memref<1x50x128xi32, #tpu.memory_space<hbm>>
        %dma_start3A_176 = tpu.memref_squeeze %dma_start3A_175 : memref<1x50x128xi32, #tpu.memory_space<hbm>> -> memref<50x128xi32, #tpu.memory_space<hbm>>
        %dma_start3A_177 = tpu.memref_slice %arg12[%sub3A_168] : memref<2x!tpu.dma_semaphore, #tpu.memory_space<semaphore_mem>> -> memref<1x!tpu.dma_semaphore, #tpu.memory_space<semaphore_mem>>
        %dma_start3A_178 = tpu.memref_squeeze %dma_start3A_177 : memref<1x!tpu.dma_semaphore, #tpu.memory_space<semaphore_mem>> -> memref<!tpu.dma_semaphore, #tpu.memory_space<semaphore_mem>>
        %dma_start3A_179 = arith.constant 0 : i32
        %dma_start3A_180 = tpu.memref_slice %arg7[%mul3A_170, %dma_start3A_179] : memref<100x128xi32, #tpu.memory_space<vmem>> -> memref<50x128xi32, #tpu.memory_space<vmem>>
        %dma_start3A_181 = arith.constant 0 : i32
        %dma_start3A_182 = arith.constant 0 : i32
        %dma_start3A_183 = tpu.memref_slice %arg4[%add3A_166, %dma_start3A_181, %dma_start3A_182] : memref<50x50x128xi32, #tpu.memory_space<hbm>> -> memref<1x50x128xi32, #tpu.memory_space<hbm>>
        %dma_start3A_184 = tpu.memref_squeeze %dma_start3A_183 : memref<1x50x128xi32, #tpu.memory_space<hbm>> -> memref<50x128xi32, #tpu.memory_space<hbm>>
        tpu.enqueue_dma source(%dma_start3A_184 : memref<50x128xi32, #tpu.memory_space<hbm>>) target(%dma_start3A_180 : memref<50x128xi32, #tpu.memory_space<vmem>>) target_semaphore(%dma_start3A_178 : memref<!tpu.dma_semaphore, #tpu.memory_space<semaphore_mem>>)
        %mul3A_185 = arith.constant 50 : i32
        %mul3A_186 = arith.muli %sub3A_168, %mul3A_185 : i32
        %dma_start3A_187 = arith.constant 0 : i32
        %dma_start3A_188 = tpu.memref_slice %arg8[%mul3A_186, %dma_start3A_187] : memref<100x128xi32, #tpu.memory_space<vmem>> -> memref<50x128xi32, #tpu.memory_space<vmem>>
        %dma_start3A_189 = arith.constant 0 : i32
        %dma_start3A_190 = arith.constant 0 : i32
        %dma_start3A_191 = tpu.memref_slice %arg3[%add3A_166, %dma_start3A_189, %dma_start3A_190] : memref<50x50x128xi32, #tpu.memory_space<hbm>> -> memref<1x50x128xi32, #tpu.memory_space<hbm>>
        %dma_start3A_192 = tpu.memref_squeeze %dma_start3A_191 : memref<1x50x128xi32, #tpu.memory_space<hbm>> -> memref<50x128xi32, #tpu.memory_space<hbm>>
        %dma_start3A_193 = tpu.memref_slice %arg12[%sub3A_168] : memref<2x!tpu.dma_semaphore, #tpu.memory_space<semaphore_mem>> -> memref<1x!tpu.dma_semaphore, #tpu.memory_space<semaphore_mem>>
        %dma_start3A_194 = tpu.memref_squeeze %dma_start3A_193 : memref<1x!tpu.dma_semaphore, #tpu.memory_space<semaphore_mem>> -> memref<!tpu.dma_semaphore, #tpu.memory_space<semaphore_mem>>
        %dma_start3A_195 = arith.constant 0 : i32
        %dma_start3A_196 = tpu.memref_slice %arg8[%mul3A_186, %dma_start3A_195] : memref<100x128xi32, #tpu.memory_space<vmem>> -> memref<50x128xi32, #tpu.memory_space<vmem>>
        %dma_start3A_197 = arith.constant 0 : i32
        %dma_start3A_198 = arith.constant 0 : i32
        %dma_start3A_199 = tpu.memref_slice %arg3[%add3A_166, %dma_start3A_197, %dma_start3A_198] : memref<50x50x128xi32, #tpu.memory_space<hbm>> -> memref<1x50x128xi32, #tpu.memory_space<hbm>>
        %dma_start3A_200 = tpu.memref_squeeze %dma_start3A_199 : memref<1x50x128xi32, #tpu.memory_space<hbm>> -> memref<50x128xi32, #tpu.memory_space<hbm>>
        tpu.enqueue_dma source(%dma_start3A_200 : memref<50x128xi32, #tpu.memory_space<hbm>>) target(%dma_start3A_196 : memref<50x128xi32, #tpu.memory_space<vmem>>) target_semaphore(%dma_start3A_194 : memref<!tpu.dma_semaphore, #tpu.memory_space<semaphore_mem>>)
      } else {
      }
      %mul3A_64 = arith.constant 50 : i32
      %mul3A_65 = arith.muli %rem3A_59, %mul3A_64 : i32
      %dma_wait3A = arith.constant 0 : i32
      %dma_wait3A_66 = tpu.memref_slice %arg7[%mul3A_65, %dma_wait3A] : memref<100x128xi32, #tpu.memory_space<vmem>> -> memref<50x128xi32, #tpu.memory_space<vmem>>
      %dma_wait3A_67 = arith.constant 0 : i32
      %dma_wait3A_68 = arith.constant 0 : i32
      %dma_wait3A_69 = tpu.memref_slice %arg4[%scan3A_57, %dma_wait3A_67, %dma_wait3A_68] : memref<50x50x128xi32, #tpu.memory_space<hbm>> -> memref<1x50x128xi32, #tpu.memory_space<hbm>>
      %dma_wait3A_70 = tpu.memref_squeeze %dma_wait3A_69 : memref<1x50x128xi32, #tpu.memory_space<hbm>> -> memref<50x128xi32, #tpu.memory_space<hbm>>
      %dma_wait3A_71 = tpu.memref_slice %arg12[%rem3A_59] : memref<2x!tpu.dma_semaphore, #tpu.memory_space<semaphore_mem>> -> memref<1x!tpu.dma_semaphore, #tpu.memory_space<semaphore_mem>>
      %dma_wait3A_72 = tpu.memref_squeeze %dma_wait3A_71 : memref<1x!tpu.dma_semaphore, #tpu.memory_space<semaphore_mem>> -> memref<!tpu.dma_semaphore, #tpu.memory_space<semaphore_mem>>
      %dma_wait3A_73 = arith.constant 0 : i32
      %dma_wait3A_74 = tpu.memref_slice %arg7[%mul3A_65, %dma_wait3A_73] : memref<100x128xi32, #tpu.memory_space<vmem>> -> memref<50x128xi32, #tpu.memory_space<vmem>>
      %dma_wait3A_75 = arith.constant 0 : i32
      %dma_wait3A_76 = arith.constant 0 : i32
      %dma_wait3A_77 = tpu.memref_slice %arg4[%scan3A_57, %dma_wait3A_75, %dma_wait3A_76] : memref<50x50x128xi32, #tpu.memory_space<hbm>> -> memref<1x50x128xi32, #tpu.memory_space<hbm>>
      %dma_wait3A_78 = tpu.memref_squeeze %dma_wait3A_77 : memref<1x50x128xi32, #tpu.memory_space<hbm>> -> memref<50x128xi32, #tpu.memory_space<hbm>>
      tpu.wait_dma2 semaphore(%dma_wait3A_72 : memref<!tpu.dma_semaphore, #tpu.memory_space<semaphore_mem>>) src(%dma_wait3A_78 : memref<50x128xi32, #tpu.memory_space<hbm>>) dst(%dma_wait3A_74 : memref<50x128xi32, #tpu.memory_space<vmem>>)
      %mul3A_79 = arith.constant 50 : i32
      %mul3A_80 = arith.muli %rem3A_59, %mul3A_79 : i32
      %dma_wait3A_81 = arith.constant 0 : i32
      %dma_wait3A_82 = tpu.memref_slice %arg8[%mul3A_80, %dma_wait3A_81] : memref<100x128xi32, #tpu.memory_space<vmem>> -> memref<50x128xi32, #tpu.memory_space<vmem>>
      %dma_wait3A_83 = arith.constant 0 : i32
      %dma_wait3A_84 = arith.constant 0 : i32
      %dma_wait3A_85 = tpu.memref_slice %arg3[%scan3A_57, %dma_wait3A_83, %dma_wait3A_84] : memref<50x50x128xi32, #tpu.memory_space<hbm>> -> memref<1x50x128xi32, #tpu.memory_space<hbm>>
      %dma_wait3A_86 = tpu.memref_squeeze %dma_wait3A_85 : memref<1x50x128xi32, #tpu.memory_space<hbm>> -> memref<50x128xi32, #tpu.memory_space<hbm>>
      %dma_wait3A_87 = tpu.memref_slice %arg12[%rem3A_59] : memref<2x!tpu.dma_semaphore, #tpu.memory_space<semaphore_mem>> -> memref<1x!tpu.dma_semaphore, #tpu.memory_space<semaphore_mem>>
      %dma_wait3A_88 = tpu.memref_squeeze %dma_wait3A_87 : memref<1x!tpu.dma_semaphore, #tpu.memory_space<semaphore_mem>> -> memref<!tpu.dma_semaphore, #tpu.memory_space<semaphore_mem>>
      %dma_wait3A_89 = arith.constant 0 : i32
      %dma_wait3A_90 = tpu.memref_slice %arg8[%mul3A_80, %dma_wait3A_89] : memref<100x128xi32, #tpu.memory_space<vmem>> -> memref<50x128xi32, #tpu.memory_space<vmem>>
      %dma_wait3A_91 = arith.constant 0 : i32
      %dma_wait3A_92 = arith.constant 0 : i32
      %dma_wait3A_93 = tpu.memref_slice %arg3[%scan3A_57, %dma_wait3A_91, %dma_wait3A_92] : memref<50x50x128xi32, #tpu.memory_space<hbm>> -> memref<1x50x128xi32, #tpu.memory_space<hbm>>
      %dma_wait3A_94 = tpu.memref_squeeze %dma_wait3A_93 : memref<1x50x128xi32, #tpu.memory_space<hbm>> -> memref<50x128xi32, #tpu.memory_space<hbm>>
      tpu.wait_dma2 semaphore(%dma_wait3A_88 : memref<!tpu.dma_semaphore, #tpu.memory_space<semaphore_mem>>) src(%dma_wait3A_94 : memref<50x128xi32, #tpu.memory_space<hbm>>) dst(%dma_wait3A_90 : memref<50x128xi32, #tpu.memory_space<vmem>>)
      "tpu.trace_start"() <{level = 10 : i32, message = "segmax_filt"}> : () -> ()
      %scan3A_95 = arith.constant 0 : i32
      %scan3A_96 = arith.constant 0 : i32
      %scan3A_97 = arith.constant 50 : i32
      %scan3A_98 = arith.addi %scan3A_96, %scan3A_97 : i32
      %scan3A_99 = arith.constant 1 : i32
      %scan3A_100 = scf.for %scan3A_165 = %scan3A_96 to %scan3A_98 step %scan3A_99 iter_args(%scan3A_166 = %scan3A_95) -> (i32)  : i32 {
        %mul3A_167 = arith.constant 50 : i32
        %mul3A_168 = arith.muli %rem3A_59, %mul3A_167 : i32
        %add3A_169 = arith.addi %mul3A_168, %scan3A_165 : i32
        %get3A = arith.index_cast %add3A_169 : i32 to index
        %get3A_170 = arith.constant 0 : index
        %get3A_171 = tpu.vector_load %arg7[%get3A, %get3A_170] {strides = array<i32>} : memref<100x128xi32, #tpu.memory_space<vmem>>, vector<16xi32>,
        %sub3A_172 = vector.broadcast %mul3A_2 : i32 to vector<16xi32>
        %sub3A_173 = arith.subi %get3A_171, %sub3A_172 : vector<16xi32>
        %get3A_174 = arith.index_cast %add3A_169 : i32 to index
        %get3A_175 = arith.constant 0 : index
        %get3A_176 = tpu.vector_load %arg8[%get3A_174, %get3A_175] {strides = array<i32>} : memref<100x128xi32, #tpu.memory_space<vmem>>, vector<16xi32>,
        %ge3A = arith.constant 0 : i32
        %ge3A_177 = vector.broadcast %ge3A : i32 to vector<16xi32>
        %ge3A_178 = arith.cmpi sge, %sub3A_173, %ge3A_177 : vector<16xi32>
        %lt3A_179 = arith.constant 320 : i32
        %lt3A_180 = vector.broadcast %lt3A_179 : i32 to vector<16xi32>
        %lt3A_181 = arith.cmpi slt, %sub3A_173, %lt3A_180 : vector<16xi32>
        %and3A_182 = arith.andi %ge3A_178, %lt3A_181 : vector<16xi1>
        %convert_element_type3A_183 = arith.extui %and3A_182 : vector<16xi1> to vector<16xi32>
        %reduce_sum3A = arith.constant true
        %reduce_sum3A_184 = vector.broadcast %reduce_sum3A : i1 to vector<16xi1>
        %reduce_sum3A_185 = tpu.scan <sum>, %convert_element_type3A_183 masked %reduce_sum3A_184 : vector<16xi32>, vector<16xi1> -> vector<16xi32>
        %reduce_sum3A_186 = vector.extract %reduce_sum3A_185[15] : i32 from vector<16xi32>
        %get3A_187 = arith.index_cast %add3A_169 : i32 to index
        %get3A_188 = arith.constant 16 : index
        %get3A_189 = tpu.vector_load %arg7[%get3A_187, %get3A_188] {strides = array<i32>} : memref<100x128xi32, #tpu.memory_space<vmem>>, vector<16xi32>,
        %sub3A_190 = vector.broadcast %mul3A_2 : i32 to vector<16xi32>
        %sub3A_191 = arith.subi %get3A_189, %sub3A_190 : vector<16xi32>
        %get3A_192 = arith.index_cast %add3A_169 : i32 to index
        %get3A_193 = arith.constant 16 : index
        %get3A_194 = tpu.vector_load %arg8[%get3A_192, %get3A_193] {strides = array<i32>} : memref<100x128xi32, #tpu.memory_space<vmem>>, vector<16xi32>,
        %ge3A_195 = arith.constant 0 : i32
        %ge3A_196 = vector.broadcast %ge3A_195 : i32 to vector<16xi32>
        %ge3A_197 = arith.cmpi sge, %sub3A_191, %ge3A_196 : vector<16xi32>
        %lt3A_198 = arith.constant 320 : i32
        %lt3A_199 = vector.broadcast %lt3A_198 : i32 to vector<16xi32>
        %lt3A_200 = arith.cmpi slt, %sub3A_191, %lt3A_199 : vector<16xi32>
        %and3A_201 = arith.andi %ge3A_197, %lt3A_200 : vector<16xi1>
        %convert_element_type3A_202 = arith.extui %and3A_201 : vector<16xi1> to vector<16xi32>
        %reduce_sum3A_203 = arith.constant true
        %reduce_sum3A_204 = vector.broadcast %reduce_sum3A_203 : i1 to vector<16xi1>
        %reduce_sum3A_205 = tpu.scan <sum>, %convert_element_type3A_202 masked %reduce_sum3A_204 : vector<16xi32>, vector<16xi1> -> vector<16xi32>
        %reduce_sum3A_206 = vector.extract %reduce_sum3A_205[15] : i32 from vector<16xi32>
        %get3A_207 = arith.index_cast %add3A_169 : i32 to index
        %get3A_208 = arith.constant 32 : index
        %get3A_209 = tpu.vector_load %arg7[%get3A_207, %get3A_208] {strides = array<i32>} : memref<100x128xi32, #tpu.memory_space<vmem>>, vector<16xi32>,
        %sub3A_210 = vector.broadcast %mul3A_2 : i32 to vector<16xi32>
        %sub3A_211 = arith.subi %get3A_209, %sub3A_210 : vector<16xi32>
        %get3A_212 = arith.index_cast %add3A_169 : i32 to index
        %get3A_213 = arith.constant 32 : index
        %get3A_214 = tpu.vector_load %arg8[%get3A_212, %get3A_213] {strides = array<i32>} : memref<100x128xi32, #tpu.memory_space<vmem>>, vector<16xi32>,
        %ge3A_215 = arith.constant 0 : i32
        %ge3A_216 = vector.broadcast %ge3A_215 : i32 to vector<16xi32>
        %ge3A_217 = arith.cmpi sge, %sub3A_211, %ge3A_216 : vector<16xi32>
        %lt3A_218 = arith.constant 320 : i32
        %lt3A_219 = vector.broadcast %lt3A_218 : i32 to vector<16xi32>
        %lt3A_220 = arith.cmpi slt, %sub3A_211, %lt3A_219 : vector<16xi32>
        %and3A_221 = arith.andi %ge3A_217, %lt3A_220 : vector<16xi1>
        %convert_element_type3A_222 = arith.extui %and3A_221 : vector<16xi1> to vector<16xi32>
        %reduce_sum3A_223 = arith.constant true
        %reduce_sum3A_224 = vector.broadcast %reduce_sum3A_223 : i1 to vector<16xi1>
        %reduce_sum3A_225 = tpu.scan <sum>, %convert_element_type3A_222 masked %reduce_sum3A_224 : vector<16xi32>, vector<16xi1> -> vector<16xi32>
        %reduce_sum3A_226 = vector.extract %reduce_sum3A_225[15] : i32 from vector<16xi32>
        %get3A_227 = arith.index_cast %add3A_169 : i32 to index
        %get3A_228 = arith.constant 48 : index
        %get3A_229 = tpu.vector_load %arg7[%get3A_227, %get3A_228] {strides = array<i32>} : memref<100x128xi32, #tpu.memory_space<vmem>>, vector<16xi32>,
        %sub3A_230 = vector.broadcast %mul3A_2 : i32 to vector<16xi32>
        %sub3A_231 = arith.subi %get3A_229, %sub3A_230 : vector<16xi32>
        %get3A_232 = arith.index_cast %add3A_169 : i32 to index
        %get3A_233 = arith.constant 48 : index
        %get3A_234 = tpu.vector_load %arg8[%get3A_232, %get3A_233] {strides = array<i32>} : memref<100x128xi32, #tpu.memory_space<vmem>>, vector<16xi32>,
        %ge3A_235 = arith.constant 0 : i32
        %ge3A_236 = vector.broadcast %ge3A_235 : i32 to vector<16xi32>
        %ge3A_237 = arith.cmpi sge, %sub3A_231, %ge3A_236 : vector<16xi32>
        %lt3A_238 = arith.constant 320 : i32
        %lt3A_239 = vector.broadcast %lt3A_238 : i32 to vector<16xi32>
        %lt3A_240 = arith.cmpi slt, %sub3A_231, %lt3A_239 : vector<16xi32>
        %and3A_241 = arith.andi %ge3A_237, %lt3A_240 : vector<16xi1>
        %convert_element_type3A_242 = arith.extui %and3A_241 : vector<16xi1> to vector<16xi32>
        %reduce_sum3A_243 = arith.constant true
        %reduce_sum3A_244 = vector.broadcast %reduce_sum3A_243 : i1 to vector<16xi1>
        %reduce_sum3A_245 = tpu.scan <sum>, %convert_element_type3A_242 masked %reduce_sum3A_244 : vector<16xi32>, vector<16xi1> -> vector<16xi32>
        %reduce_sum3A_246 = vector.extract %reduce_sum3A_245[15] : i32 from vector<16xi32>
        %get3A_247 = arith.index_cast %add3A_169 : i32 to index
        %get3A_248 = arith.constant 64 : index
        %get3A_249 = tpu.vector_load %arg7[%get3A_247, %get3A_248] {strides = array<i32>} : memref<100x128xi32, #tpu.memory_space<vmem>>, vector<16xi32>,
        %sub3A_250 = vector.broadcast %mul3A_2 : i32 to vector<16xi32>
        %sub3A_251 = arith.subi %get3A_249, %sub3A_250 : vector<16xi32>
        %get3A_252 = arith.index_cast %add3A_169 : i32 to index
        %get3A_253 = arith.constant 64 : index
        %get3A_254 = tpu.vector_load %arg8[%get3A_252, %get3A_253] {strides = array<i32>} : memref<100x128xi32, #tpu.memory_space<vmem>>, vector<16xi32>,
        %ge3A_255 = arith.constant 0 : i32
        %ge3A_256 = vector.broadcast %ge3A_255 : i32 to vector<16xi32>
        %ge3A_257 = arith.cmpi sge, %sub3A_251, %ge3A_256 : vector<16xi32>
        %lt3A_258 = arith.constant 320 : i32
        %lt3A_259 = vector.broadcast %lt3A_258 : i32 to vector<16xi32>
        %lt3A_260 = arith.cmpi slt, %sub3A_251, %lt3A_259 : vector<16xi32>
        %and3A_261 = arith.andi %ge3A_257, %lt3A_260 : vector<16xi1>
        %convert_element_type3A_262 = arith.extui %and3A_261 : vector<16xi1> to vector<16xi32>
        %reduce_sum3A_263 = arith.constant true
        %reduce_sum3A_264 = vector.broadcast %reduce_sum3A_263 : i1 to vector<16xi1>
        %reduce_sum3A_265 = tpu.scan <sum>, %convert_element_type3A_262 masked %reduce_sum3A_264 : vector<16xi32>, vector<16xi1> -> vector<16xi32>
        %reduce_sum3A_266 = vector.extract %reduce_sum3A_265[15] : i32 from vector<16xi32>
        %get3A_267 = arith.index_cast %add3A_169 : i32 to index
        %get3A_268 = arith.constant 80 : index
        %get3A_269 = tpu.vector_load %arg7[%get3A_267, %get3A_268] {strides = array<i32>} : memref<100x128xi32, #tpu.memory_space<vmem>>, vector<16xi32>,
        %sub3A_270 = vector.broadcast %mul3A_2 : i32 to vector<16xi32>
        %sub3A_271 = arith.subi %get3A_269, %sub3A_270 : vector<16xi32>
        %get3A_272 = arith.index_cast %add3A_169 : i32 to index
        %get3A_273 = arith.constant 80 : index
        %get3A_274 = tpu.vector_load %arg8[%get3A_272, %get3A_273] {strides = array<i32>} : memref<100x128xi32, #tpu.memory_space<vmem>>, vector<16xi32>,
        %ge3A_275 = arith.constant 0 : i32
        %ge3A_276 = vector.broadcast %ge3A_275 : i32 to vector<16xi32>
        %ge3A_277 = arith.cmpi sge, %sub3A_271, %ge3A_276 : vector<16xi32>
        %lt3A_278 = arith.constant 320 : i32
        %lt3A_279 = vector.broadcast %lt3A_278 : i32 to vector<16xi32>
        %lt3A_280 = arith.cmpi slt, %sub3A_271, %lt3A_279 : vector<16xi32>
        %and3A_281 = arith.andi %ge3A_277, %lt3A_280 : vector<16xi1>
        %convert_element_type3A_282 = arith.extui %and3A_281 : vector<16xi1> to vector<16xi32>
        %reduce_sum3A_283 = arith.constant true
        %reduce_sum3A_284 = vector.broadcast %reduce_sum3A_283 : i1 to vector<16xi1>
        %reduce_sum3A_285 = tpu.scan <sum>, %convert_element_type3A_282 masked %reduce_sum3A_284 : vector<16xi32>, vector<16xi1> -> vector<16xi32>
        %reduce_sum3A_286 = vector.extract %reduce_sum3A_285[15] : i32 from vector<16xi32>
        %get3A_287 = arith.index_cast %add3A_169 : i32 to index
        %get3A_288 = arith.constant 96 : index
        %get3A_289 = tpu.vector_load %arg7[%get3A_287, %get3A_288] {strides = array<i32>} : memref<100x128xi32, #tpu.memory_space<vmem>>, vector<16xi32>,
        %sub3A_290 = vector.broadcast %mul3A_2 : i32 to vector<16xi32>
        %sub3A_291 = arith.subi %get3A_289, %sub3A_290 : vector<16xi32>
        %get3A_292 = arith.index_cast %add3A_169 : i32 to index
        %get3A_293 = arith.constant 96 : index
        %get3A_294 = tpu.vector_load %arg8[%get3A_292, %get3A_293] {strides = array<i32>} : memref<100x128xi32, #tpu.memory_space<vmem>>, vector<16xi32>,
        %ge3A_295 = arith.constant 0 : i32
        %ge3A_296 = vector.broadcast %ge3A_295 : i32 to vector<16xi32>
        %ge3A_297 = arith.cmpi sge, %sub3A_291, %ge3A_296 : vector<16xi32>
        %lt3A_298 = arith.constant 320 : i32
        %lt3A_299 = vector.broadcast %lt3A_298 : i32 to vector<16xi32>
        %lt3A_300 = arith.cmpi slt, %sub3A_291, %lt3A_299 : vector<16xi32>
        %and3A_301 = arith.andi %ge3A_297, %lt3A_300 : vector<16xi1>
        %convert_element_type3A_302 = arith.extui %and3A_301 : vector<16xi1> to vector<16xi32>
        %reduce_sum3A_303 = arith.constant true
        %reduce_sum3A_304 = vector.broadcast %reduce_sum3A_303 : i1 to vector<16xi1>
        %reduce_sum3A_305 = tpu.scan <sum>, %convert_element_type3A_302 masked %reduce_sum3A_304 : vector<16xi32>, vector<16xi1> -> vector<16xi32>
        %reduce_sum3A_306 = vector.extract %reduce_sum3A_305[15] : i32 from vector<16xi32>
        %get3A_307 = arith.index_cast %add3A_169 : i32 to index
        %get3A_308 = arith.constant 112 : index
        %get3A_309 = tpu.vector_load %arg7[%get3A_307, %get3A_308] {strides = array<i32>} : memref<100x128xi32, #tpu.memory_space<vmem>>, vector<16xi32>,
        %sub3A_310 = vector.broadcast %mul3A_2 : i32 to vector<16xi32>
        %sub3A_311 = arith.subi %get3A_309, %sub3A_310 : vector<16xi32>
        %get3A_312 = arith.index_cast %add3A_169 : i32 to index
        %get3A_313 = arith.constant 112 : index
        %get3A_314 = tpu.vector_load %arg8[%get3A_312, %get3A_313] {strides = array<i32>} : memref<100x128xi32, #tpu.memory_space<vmem>>, vector<16xi32>,
        %ge3A_315 = arith.constant 0 : i32
        %ge3A_316 = vector.broadcast %ge3A_315 : i32 to vector<16xi32>
        %ge3A_317 = arith.cmpi sge, %sub3A_311, %ge3A_316 : vector<16xi32>
        %lt3A_318 = arith.constant 320 : i32
        %lt3A_319 = vector.broadcast %lt3A_318 : i32 to vector<16xi32>
        %lt3A_320 = arith.cmpi slt, %sub3A_311, %lt3A_319 : vector<16xi32>
        %and3A_321 = arith.andi %ge3A_317, %lt3A_320 : vector<16xi1>
        %convert_element_type3A_322 = arith.extui %and3A_321 : vector<16xi1> to vector<16xi32>
        %reduce_sum3A_323 = arith.constant true
        %reduce_sum3A_324 = vector.broadcast %reduce_sum3A_323 : i1 to vector<16xi1>
        %reduce_sum3A_325 = tpu.scan <sum>, %convert_element_type3A_322 masked %reduce_sum3A_324 : vector<16xi32>, vector<16xi1> -> vector<16xi32>
        %reduce_sum3A_326 = vector.extract %reduce_sum3A_325[15] : i32 from vector<16xi32>
        %swap3A = arith.index_cast %scan3A_166 : i32 to index
        %swap3A_327 = tpu.vector_load %arg9[%swap3A] masked %and3A_182 {strides = array<i32>} : memref<6464xi32, #tpu.memory_space<vmem>>, vector<16xi32>, vector<16xi1>
        tpu.vector_store %arg9[%swap3A], %sub3A_173 masked %and3A_182 {strides = array<i32>} : memref<6464xi32, #tpu.memory_space<vmem>>, vector<16xi32>, vector<16xi1>
        %swap3A_328 = arith.index_cast %scan3A_166 : i32 to index
        %swap3A_329 = tpu.vector_load %arg10[%swap3A_328] masked %and3A_182 {strides = array<i32>} : memref<6464xi32, #tpu.memory_space<vmem>>, vector<16xi32>, vector<16xi1>
        tpu.vector_store %arg10[%swap3A_328], %get3A_176 masked %and3A_182 {strides = array<i32>} : memref<6464xi32, #tpu.memory_space<vmem>>, vector<16xi32>, vector<16xi1>
        %add3A_330 = arith.addi %scan3A_166, %reduce_sum3A_186 : i32
        %swap3A_331 = arith.index_cast %add3A_330 : i32 to index
        %swap3A_332 = tpu.vector_load %arg9[%swap3A_331] masked %and3A_201 {strides = array<i32>} : memref<6464xi32, #tpu.memory_space<vmem>>, vector<16xi32>, vector<16xi1>
        tpu.vector_store %arg9[%swap3A_331], %sub3A_191 masked %and3A_201 {strides = array<i32>} : memref<6464xi32, #tpu.memory_space<vmem>>, vector<16xi32>, vector<16xi1>
        %swap3A_333 = arith.index_cast %add3A_330 : i32 to index
        %swap3A_334 = tpu.vector_load %arg10[%swap3A_333] masked %and3A_201 {strides = array<i32>} : memref<6464xi32, #tpu.memory_space<vmem>>, vector<16xi32>, vector<16xi1>
        tpu.vector_store %arg10[%swap3A_333], %get3A_194 masked %and3A_201 {strides = array<i32>} : memref<6464xi32, #tpu.memory_space<vmem>>, vector<16xi32>, vector<16xi1>
        %add3A_335 = arith.addi %add3A_330, %reduce_sum3A_206 : i32
        %swap3A_336 = arith.index_cast %add3A_335 : i32 to index
        %swap3A_337 = tpu.vector_load %arg9[%swap3A_336] masked %and3A_221 {strides = array<i32>} : memref<6464xi32, #tpu.memory_space<vmem>>, vector<16xi32>, vector<16xi1>
        tpu.vector_store %arg9[%swap3A_336], %sub3A_211 masked %and3A_221 {strides = array<i32>} : memref<6464xi32, #tpu.memory_space<vmem>>, vector<16xi32>, vector<16xi1>
        %swap3A_338 = arith.index_cast %add3A_335 : i32 to index
        %swap3A_339 = tpu.vector_load %arg10[%swap3A_338] masked %and3A_221 {strides = array<i32>} : memref<6464xi32, #tpu.memory_space<vmem>>, vector<16xi32>, vector<16xi1>
        tpu.vector_store %arg10[%swap3A_338], %get3A_214 masked %and3A_221 {strides = array<i32>} : memref<6464xi32, #tpu.memory_space<vmem>>, vector<16xi32>, vector<16xi1>
        %add3A_340 = arith.addi %add3A_335, %reduce_sum3A_226 : i32
        %swap3A_341 = arith.index_cast %add3A_340 : i32 to index
        %swap3A_342 = tpu.vector_load %arg9[%swap3A_341] masked %and3A_241 {strides = array<i32>} : memref<6464xi32, #tpu.memory_space<vmem>>, vector<16xi32>, vector<16xi1>
        tpu.vector_store %arg9[%swap3A_341], %sub3A_231 masked %and3A_241 {strides = array<i32>} : memref<6464xi32, #tpu.memory_space<vmem>>, vector<16xi32>, vector<16xi1>
        %swap3A_343 = arith.index_cast %add3A_340 : i32 to index
        %swap3A_344 = tpu.vector_load %arg10[%swap3A_343] masked %and3A_241 {strides = array<i32>} : memref<6464xi32, #tpu.memory_space<vmem>>, vector<16xi32>, vector<16xi1>
        tpu.vector_store %arg10[%swap3A_343], %get3A_234 masked %and3A_241 {strides = array<i32>} : memref<6464xi32, #tpu.memory_space<vmem>>, vector<16xi32>, vector<16xi1>
        %add3A_345 = arith.addi %add3A_340, %reduce_sum3A_246 : i32
        %swap3A_346 = arith.index_cast %add3A_345 : i32 to index
        %swap3A_347 = tpu.vector_load %arg9[%swap3A_346] masked %and3A_261 {strides = array<i32>} : memref<6464xi32, #tpu.memory_space<vmem>>, vector<16xi32>, vector<16xi1>
        tpu.vector_store %arg9[%swap3A_346], %sub3A_251 masked %and3A_261 {strides = array<i32>} : memref<6464xi32, #tpu.memory_space<vmem>>, vector<16xi32>, vector<16xi1>
        %swap3A_348 = arith.index_cast %add3A_345 : i32 to index
        %swap3A_349 = tpu.vector_load %arg10[%swap3A_348] masked %and3A_261 {strides = array<i32>} : memref<6464xi32, #tpu.memory_space<vmem>>, vector<16xi32>, vector<16xi1>
        tpu.vector_store %arg10[%swap3A_348], %get3A_254 masked %and3A_261 {strides = array<i32>} : memref<6464xi32, #tpu.memory_space<vmem>>, vector<16xi32>, vector<16xi1>
        %add3A_350 = arith.addi %add3A_345, %reduce_sum3A_266 : i32
        %swap3A_351 = arith.index_cast %add3A_350 : i32 to index
        %swap3A_352 = tpu.vector_load %arg9[%swap3A_351] masked %and3A_281 {strides = array<i32>} : memref<6464xi32, #tpu.memory_space<vmem>>, vector<16xi32>, vector<16xi1>
        tpu.vector_store %arg9[%swap3A_351], %sub3A_271 masked %and3A_281 {strides = array<i32>} : memref<6464xi32, #tpu.memory_space<vmem>>, vector<16xi32>, vector<16xi1>
        %swap3A_353 = arith.index_cast %add3A_350 : i32 to index
        %swap3A_354 = tpu.vector_load %arg10[%swap3A_353] masked %and3A_281 {strides = array<i32>} : memref<6464xi32, #tpu.memory_space<vmem>>, vector<16xi32>, vector<16xi1>
        tpu.vector_store %arg10[%swap3A_353], %get3A_274 masked %and3A_281 {strides = array<i32>} : memref<6464xi32, #tpu.memory_space<vmem>>, vector<16xi32>, vector<16xi1>
        %add3A_355 = arith.addi %add3A_350, %reduce_sum3A_286 : i32
        %swap3A_356 = arith.index_cast %add3A_355 : i32 to index
        %swap3A_357 = tpu.vector_load %arg9[%swap3A_356] masked %and3A_301 {strides = array<i32>} : memref<6464xi32, #tpu.memory_space<vmem>>, vector<16xi32>, vector<16xi1>
        tpu.vector_store %arg9[%swap3A_356], %sub3A_291 masked %and3A_301 {strides = array<i32>} : memref<6464xi32, #tpu.memory_space<vmem>>, vector<16xi32>, vector<16xi1>
        %swap3A_358 = arith.index_cast %add3A_355 : i32 to index
        %swap3A_359 = tpu.vector_load %arg10[%swap3A_358] masked %and3A_301 {strides = array<i32>} : memref<6464xi32, #tpu.memory_space<vmem>>, vector<16xi32>, vector<16xi1>
        tpu.vector_store %arg10[%swap3A_358], %get3A_294 masked %and3A_301 {strides = array<i32>} : memref<6464xi32, #tpu.memory_space<vmem>>, vector<16xi32>, vector<16xi1>
        %add3A_360 = arith.addi %add3A_355, %reduce_sum3A_306 : i32
        %swap3A_361 = arith.index_cast %add3A_360 : i32 to index
        %swap3A_362 = tpu.vector_load %arg9[%swap3A_361] masked %and3A_321 {strides = array<i32>} : memref<6464xi32, #tpu.memory_space<vmem>>, vector<16xi32>, vector<16xi1>
        tpu.vector_store %arg9[%swap3A_361], %sub3A_311 masked %and3A_321 {strides = array<i32>} : memref<6464xi32, #tpu.memory_space<vmem>>, vector<16xi32>, vector<16xi1>
        %swap3A_363 = arith.index_cast %add3A_360 : i32 to index
        %swap3A_364 = tpu.vector_load %arg10[%swap3A_363] masked %and3A_321 {strides = array<i32>} : memref<6464xi32, #tpu.memory_space<vmem>>, vector<16xi32>, vector<16xi1>
        tpu.vector_store %arg10[%swap3A_363], %get3A_314 masked %and3A_321 {strides = array<i32>} : memref<6464xi32, #tpu.memory_space<vmem>>, vector<16xi32>, vector<16xi1>
        %add3A_365 = arith.addi %add3A_360, %reduce_sum3A_326 : i32
        scf.yield %add3A_365 : i32
      }
      %scan3A_101 = arith.constant 50 : i32
      "tpu.trace_stop"() : () -> ()
      %add3A_102 = vector.broadcast %scan3A_100 : i32 to vector<16xi32>
      %add3A_103 = arith.addi %add3A_102, %iota3A : vector<16xi32>
      %broadcast_in_dim3A_104 = arith.constant 320 : i32
      %broadcast_in_dim3A_105 = vector.broadcast %broadcast_in_dim3A_104 : i32 to vector<16xi32>
      tpu.vector_store_idx %arg9[%add3A_103], %broadcast_in_dim3A_105 : memref<6464xi32, #tpu.memory_space<vmem>>[vector<16xi32>], vector<16xi32>,
      %add3A_106 = vector.broadcast %scan3A_100 : i32 to vector<16xi32>
      %add3A_107 = arith.addi %add3A_106, %iota3A : vector<16xi32>
      tpu.vector_store_idx %arg10[%add3A_107], %broadcast_in_dim3A_5 : memref<6464xi32, #tpu.memory_space<vmem>>[vector<16xi32>], vector<16xi32>,
      %add3A_108 = arith.constant 64 : i32
      %add3A_109 = arith.addi %scan3A_100, %add3A_108 : i32
      %sub3A = arith.constant 1 : i32
      %sub3A_110 = arith.subi %add3A_109, %sub3A : i32
      %jit3A = arith.constant 64 : i32
      %div3A = arith.divsi %sub3A_110, %jit3A : i32
      %sign3A = arith.constant 0 : i32
      %sign3A_111 = arith.cmpi sgt, %sub3A_110, %sign3A : i32
      %sign3A_112 = arith.extui %sign3A_111 : i1 to i32
      %sign3A_113 = arith.constant 0 : i32
      %sign3A_114 = arith.cmpi slt, %sub3A_110, %sign3A_113 : i32
      %sign3A_115 = arith.extui %sign3A_114 : i1 to i32
      %sign3A_116 = arith.subi %sign3A_112, %sign3A_115 : i32
      %sign3A_117 = arith.constant 0 : i32
      %sign3A_118 = arith.cmpi sgt, %jit3A, %sign3A_117 : i32
      %sign3A_119 = arith.extui %sign3A_118 : i1 to i32
      %sign3A_120 = arith.constant 0 : i32
      %sign3A_121 = arith.cmpi slt, %jit3A, %sign3A_120 : i32
      %sign3A_122 = arith.extui %sign3A_121 : i1 to i32
      %sign3A_123 = arith.subi %sign3A_119, %sign3A_122 : i32
      %ne3A = arith.cmpi ne, %sign3A_116, %sign3A_123 : i32
      %rem3A_124 = arith.remsi %sub3A_110, %jit3A : i32
      %ne3A_125 = arith.constant 0 : i32
      %ne3A_126 = arith.cmpi ne, %rem3A_124, %ne3A_125 : i32
      %and3A = arith.andi %ne3A, %ne3A_126 : i1
      %sub3A_127 = arith.constant 1 : i32
      %sub3A_128 = arith.subi %div3A, %sub3A_127 : i32
      %select_n3A = arith.select %and3A, %sub3A_128, %div3A : i32
      %gt3A = arith.constant 0 : i32
      %gt3A_129 = arith.cmpi sgt, %select_n3A, %gt3A : i32
      %convert_element_type3A_130 = arith.extui %gt3A_129 : i1 to i32
      %cond3A_131 = arith.constant 0 : i32
      %cond3A_132 = arith.cmpi ne, %convert_element_type3A_130, %cond3A_131 : i32
      scf.if %cond3A_132 {
        %dma_start3A_165 = arith.constant 0 : i32
        %dma_start3A_166 = arith.constant 0 : i32
        %dma_start3A_167 = arith.constant 0 : i32
        %dma_start3A_168 = tpu.memref_slice %arg11[%dma_start3A_166, %dma_start3A_167] : memref<384x128xf32, #tpu.memory_space<vmem>> -> memref<64x128xf32, #tpu.memory_space<vmem>>
        %dma_start3A_169 = arith.constant 0 : i32
        %dma_start3A_170 = tpu.memref_slice %arg10[%dma_start3A_169] : memref<6464xi32, #tpu.memory_space<vmem>> -> memref<64xi32, #tpu.memory_space<vmem>>
        %dma_start3A_171 = arith.constant 0 : i32
        %dma_start3A_172 = arith.constant 0 : i32
        %dma_start3A_173 = tpu.memref_slice %arg2[%dma_start3A_171, %dma_start3A_172] : memref<10000x128xf32, #tpu.memory_space<hbm>> -> memref<10000x128xf32, #tpu.memory_space<hbm>>
        %dma_start3A_174 = tpu.memref_slice %arg13[%dma_start3A_165] : memref<6x!tpu.dma_semaphore, #tpu.memory_space<semaphore_mem>> -> memref<1x!tpu.dma_semaphore, #tpu.memory_space<semaphore_mem>>
        %dma_start3A_175 = tpu.memref_squeeze %dma_start3A_174 : memref<1x!tpu.dma_semaphore, #tpu.memory_space<semaphore_mem>> -> memref<!tpu.dma_semaphore, #tpu.memory_space<semaphore_mem>>
        tpu.enqueue_indirect_dma source(%dma_start3A_173 : memref<10000x128xf32, #tpu.memory_space<hbm>>) target(%dma_start3A_168 : memref<64x128xf32, #tpu.memory_space<vmem>>) offsets(%dma_start3A_170 : memref<64xi32, #tpu.memory_space<vmem>>) semaphore(%dma_start3A_175 : memref<!tpu.dma_semaphore, #tpu.memory_space<semaphore_mem>>)
      } else {
      }
      %gt3A_133 = arith.constant 1 : i32
      %gt3A_134 = arith.cmpi sgt, %select_n3A, %gt3A_133 : i32
      %convert_element_type3A_135 = arith.extui %gt3A_134 : i1 to i32
      %cond3A_136 = arith.constant 0 : i32
      %cond3A_137 = arith.cmpi ne, %convert_element_type3A_135, %cond3A_136 : i32
      scf.if %cond3A_137 {
        %dma_start3A_165 = arith.constant 1 : i32
        %dma_start3A_166 = arith.constant 64 : i32
        %dma_start3A_167 = arith.constant 0 : i32
        %dma_start3A_168 = tpu.memref_slice %arg11[%dma_start3A_166, %dma_start3A_167] : memref<384x128xf32, #tpu.memory_space<vmem>> -> memref<64x128xf32, #tpu.memory_space<vmem>>
        %dma_start3A_169 = arith.constant 64 : i32
        %dma_start3A_170 = tpu.memref_slice %arg10[%dma_start3A_169] : memref<6464xi32, #tpu.memory_space<vmem>> -> memref<64xi32, #tpu.memory_space<vmem>>
        %dma_start3A_171 = arith.constant 0 : i32
        %dma_start3A_172 = arith.constant 0 : i32
        %dma_start3A_173 = tpu.memref_slice %arg2[%dma_start3A_171, %dma_start3A_172] : memref<10000x128xf32, #tpu.memory_space<hbm>> -> memref<10000x128xf32, #tpu.memory_space<hbm>>
        %dma_start3A_174 = tpu.memref_slice %arg13[%dma_start3A_165] : memref<6x!tpu.dma_semaphore, #tpu.memory_space<semaphore_mem>> -> memref<1x!tpu.dma_semaphore, #tpu.memory_space<semaphore_mem>>
        %dma_start3A_175 = tpu.memref_squeeze %dma_start3A_174 : memref<1x!tpu.dma_semaphore, #tpu.memory_space<semaphore_mem>> -> memref<!tpu.dma_semaphore, #tpu.memory_space<semaphore_mem>>
        tpu.enqueue_indirect_dma source(%dma_start3A_173 : memref<10000x128xf32, #tpu.memory_space<hbm>>) target(%dma_start3A_168 : memref<64x128xf32, #tpu.memory_space<vmem>>) offsets(%dma_start3A_170 : memref<64xi32, #tpu.memory_space<vmem>>) semaphore(%dma_start3A_175 : memref<!tpu.dma_semaphore, #tpu.memory_space<semaphore_mem>>)
      } else {
      }
      %gt3A_138 = arith.constant 2 : i32
      %gt3A_139 = arith.cmpi sgt, %select_n3A, %gt3A_138 : i32
      %convert_element_type3A_140 = arith.extui %gt3A_139 : i1 to i32
      %cond3A_141 = arith.constant 0 : i32
      %cond3A_142 = arith.cmpi ne, %convert_element_type3A_140, %cond3A_141 : i32
      scf.if %cond3A_142 {
        %dma_start3A_165 = arith.constant 2 : i32
        %dma_start3A_166 = arith.constant 128 : i32
        %dma_start3A_167 = arith.constant 0 : i32
        %dma_start3A_168 = tpu.memref_slice %arg11[%dma_start3A_166, %dma_start3A_167] : memref<384x128xf32, #tpu.memory_space<vmem>> -> memref<64x128xf32, #tpu.memory_space<vmem>>
        %dma_start3A_169 = arith.constant 128 : i32
        %dma_start3A_170 = tpu.memref_slice %arg10[%dma_start3A_169] : memref<6464xi32, #tpu.memory_space<vmem>> -> memref<64xi32, #tpu.memory_space<vmem>>
        %dma_start3A_171 = arith.constant 0 : i32
        %dma_start3A_172 = arith.constant 0 : i32
        %dma_start3A_173 = tpu.memref_slice %arg2[%dma_start3A_171, %dma_start3A_172] : memref<10000x128xf32, #tpu.memory_space<hbm>> -> memref<10000x128xf32, #tpu.memory_space<hbm>>
        %dma_start3A_174 = tpu.memref_slice %arg13[%dma_start3A_165] : memref<6x!tpu.dma_semaphore, #tpu.memory_space<semaphore_mem>> -> memref<1x!tpu.dma_semaphore, #tpu.memory_space<semaphore_mem>>
        %dma_start3A_175 = tpu.memref_squeeze %dma_start3A_174 : memref<1x!tpu.dma_semaphore, #tpu.memory_space<semaphore_mem>> -> memref<!tpu.dma_semaphore, #tpu.memory_space<semaphore_mem>>
        tpu.enqueue_indirect_dma source(%dma_start3A_173 : memref<10000x128xf32, #tpu.memory_space<hbm>>) target(%dma_start3A_168 : memref<64x128xf32, #tpu.memory_space<vmem>>) offsets(%dma_start3A_170 : memref<64xi32, #tpu.memory_space<vmem>>) semaphore(%dma_start3A_175 : memref<!tpu.dma_semaphore, #tpu.memory_space<semaphore_mem>>)
      } else {
      }
      %gt3A_143 = arith.constant 3 : i32
      %gt3A_144 = arith.cmpi sgt, %select_n3A, %gt3A_143 : i32
      %convert_element_type3A_145 = arith.extui %gt3A_144 : i1 to i32
      %cond3A_146 = arith.constant 0 : i32
      %cond3A_147 = arith.cmpi ne, %convert_element_type3A_145, %cond3A_146 : i32
      scf.if %cond3A_147 {
        %dma_start3A_165 = arith.constant 3 : i32
        %dma_start3A_166 = arith.constant 192 : i32
        %dma_start3A_167 = arith.constant 0 : i32
        %dma_start3A_168 = tpu.memref_slice %arg11[%dma_start3A_166, %dma_start3A_167] : memref<384x128xf32, #tpu.memory_space<vmem>> -> memref<64x128xf32, #tpu.memory_space<vmem>>
        %dma_start3A_169 = arith.constant 192 : i32
        %dma_start3A_170 = tpu.memref_slice %arg10[%dma_start3A_169] : memref<6464xi32, #tpu.memory_space<vmem>> -> memref<64xi32, #tpu.memory_space<vmem>>
        %dma_start3A_171 = arith.constant 0 : i32
        %dma_start3A_172 = arith.constant 0 : i32
        %dma_start3A_173 = tpu.memref_slice %arg2[%dma_start3A_171, %dma_start3A_172] : memref<10000x128xf32, #tpu.memory_space<hbm>> -> memref<10000x128xf32, #tpu.memory_space<hbm>>
        %dma_start3A_174 = tpu.memref_slice %arg13[%dma_start3A_165] : memref<6x!tpu.dma_semaphore, #tpu.memory_space<semaphore_mem>> -> memref<1x!tpu.dma_semaphore, #tpu.memory_space<semaphore_mem>>
        %dma_start3A_175 = tpu.memref_squeeze %dma_start3A_174 : memref<1x!tpu.dma_semaphore, #tpu.memory_space<semaphore_mem>> -> memref<!tpu.dma_semaphore, #tpu.memory_space<semaphore_mem>>
        tpu.enqueue_indirect_dma source(%dma_start3A_173 : memref<10000x128xf32, #tpu.memory_space<hbm>>) target(%dma_start3A_168 : memref<64x128xf32, #tpu.memory_space<vmem>>) offsets(%dma_start3A_170 : memref<64xi32, #tpu.memory_space<vmem>>) semaphore(%dma_start3A_175 : memref<!tpu.dma_semaphore, #tpu.memory_space<semaphore_mem>>)
      } else {
      }
      %gt3A_148 = arith.constant 4 : i32
      %gt3A_149 = arith.cmpi sgt, %select_n3A, %gt3A_148 : i32
      %convert_element_type3A_150 = arith.extui %gt3A_149 : i1 to i32
      %cond3A_151 = arith.constant 0 : i32
      %cond3A_152 = arith.cmpi ne, %convert_element_type3A_150, %cond3A_151 : i32
      scf.if %cond3A_152 {
        %dma_start3A_165 = arith.constant 4 : i32
        %dma_start3A_166 = arith.constant 256 : i32
        %dma_start3A_167 = arith.constant 0 : i32
        %dma_start3A_168 = tpu.memref_slice %arg11[%dma_start3A_166, %dma_start3A_167] : memref<384x128xf32, #tpu.memory_space<vmem>> -> memref<64x128xf32, #tpu.memory_space<vmem>>
        %dma_start3A_169 = arith.constant 256 : i32
        %dma_start3A_170 = tpu.memref_slice %arg10[%dma_start3A_169] : memref<6464xi32, #tpu.memory_space<vmem>> -> memref<64xi32, #tpu.memory_space<vmem>>
        %dma_start3A_171 = arith.constant 0 : i32
        %dma_start3A_172 = arith.constant 0 : i32
        %dma_start3A_173 = tpu.memref_slice %arg2[%dma_start3A_171, %dma_start3A_172] : memref<10000x128xf32, #tpu.memory_space<hbm>> -> memref<10000x128xf32, #tpu.memory_space<hbm>>
        %dma_start3A_174 = tpu.memref_slice %arg13[%dma_start3A_165] : memref<6x!tpu.dma_semaphore, #tpu.memory_space<semaphore_mem>> -> memref<1x!tpu.dma_semaphore, #tpu.memory_space<semaphore_mem>>
        %dma_start3A_175 = tpu.memref_squeeze %dma_start3A_174 : memref<1x!tpu.dma_semaphore, #tpu.memory_space<semaphore_mem>> -> memref<!tpu.dma_semaphore, #tpu.memory_space<semaphore_mem>>
        tpu.enqueue_indirect_dma source(%dma_start3A_173 : memref<10000x128xf32, #tpu.memory_space<hbm>>) target(%dma_start3A_168 : memref<64x128xf32, #tpu.memory_space<vmem>>) offsets(%dma_start3A_170 : memref<64xi32, #tpu.memory_space<vmem>>) semaphore(%dma_start3A_175 : memref<!tpu.dma_semaphore, #tpu.memory_space<semaphore_mem>>)
      } else {
      }
      %while3A = arith.constant 0 : i32
      %while3A_153 = arith.constant 0 : i32
      "tpu.trace_start"() <{level = 10 : i32, message = "segmax_rmw"}> : () -> ()
      %while3A_154 = arith.subi %select_n3A, %while3A : i32
      %while3A_155 = arith.addi %while3A, %while3A_154 : i32
      %while3A_156 = arith.constant 1 : i32
      %while3A_157 = arith.divsi %while3A_154, %while3A_156 : i32
      %while3A_158 = arith.muli %while3A_157, %while3A_156 : i32
      %while3A_159 = arith.addi %while3A, %while3A_158 : i32
      %while3A_160 = arith.constant 1 : i32
      %while3A_161 = scf.for %while3A_165 = %while3A to %while3A_159 step %while3A_160 iter_args(%while3A_166 = %while3A_153) -> (i32)  : i32 {
        %rem3A_167 = arith.constant 6 : i32
        %rem3A_168 = arith.remsi %while3A_165, %rem3A_167 : i32
        %add3A_169 = arith.constant 5 : i32
        %add3A_170 = arith.addi %while3A_165, %add3A_169 : i32
        %lt3A_171 = arith.cmpi slt, %add3A_170, %select_n3A : i32
        %convert_element_type3A_172 = arith.extui %lt3A_171 : i1 to i32
        %cond3A_173 = arith.constant 0 : i32
        %cond3A_174 = arith.cmpi ne, %convert_element_type3A_172, %cond3A_173 : i32
        scf.if %cond3A_174 {
          %add3A_204 = arith.constant 5 : i32
          %add3A_205 = arith.addi %while3A_165, %add3A_204 : i32
          %add3A_206 = arith.constant 5 : i32
          %add3A_207 = arith.addi %while3A_165, %add3A_206 : i32
          %rem3A_208 = arith.constant 6 : i32
          %rem3A_209 = arith.remsi %add3A_207, %rem3A_208 : i32
          %mul3A_210 = arith.constant 64 : i32
          %mul3A_211 = arith.muli %add3A_205, %mul3A_210 : i32
          %mul3A_212 = arith.constant 64 : i32
          %mul3A_213 = arith.muli %rem3A_209, %mul3A_212 : i32
          %dma_start3A_214 = arith.constant 0 : i32
          %dma_start3A_215 = tpu.memref_slice %arg11[%mul3A_213, %dma_start3A_214] : memref<384x128xf32, #tpu.memory_space<vmem>> -> memref<64x128xf32, #tpu.memory_space<vmem>>
          %dma_start3A_216 = tpu.memref_slice %arg10[%mul3A_211] : memref<6464xi32, #tpu.memory_space<vmem>> -> memref<64xi32, #tpu.memory_space<vmem>>
          %dma_start3A_217 = arith.constant 0 : i32
          %dma_start3A_218 = arith.constant 0 : i32
          %dma_start3A_219 = tpu.memref_slice %arg2[%dma_start3A_217, %dma_start3A_218] : memref<10000x128xf32, #tpu.memory_space<hbm>> -> memref<10000x128xf32, #tpu.memory_space<hbm>>
          %dma_start3A_220 = tpu.memref_slice %arg13[%rem3A_209] : memref<6x!tpu.dma_semaphore, #tpu.memory_space<semaphore_mem>> -> memref<1x!tpu.dma_semaphore, #tpu.memory_space<semaphore_mem>>
          %dma_start3A_221 = tpu.memref_squeeze %dma_start3A_220 : memref<1x!tpu.dma_semaphore, #tpu.memory_space<semaphore_mem>> -> memref<!tpu.dma_semaphore, #tpu.memory_space<semaphore_mem>>
          tpu.enqueue_indirect_dma source(%dma_start3A_219 : memref<10000x128xf32, #tpu.memory_space<hbm>>) target(%dma_start3A_215 : memref<64x128xf32, #tpu.memory_space<vmem>>) offsets(%dma_start3A_216 : memref<64xi32, #tpu.memory_space<vmem>>) semaphore(%dma_start3A_221 : memref<!tpu.dma_semaphore, #tpu.memory_space<semaphore_mem>>)
        } else {
        }
        %mul3A_175 = arith.constant 64 : i32
        %mul3A_176 = arith.muli %while3A_165, %mul3A_175 : i32
        %mul3A_177 = arith.constant 64 : i32
        %mul3A_178 = arith.muli %rem3A_168, %mul3A_177 : i32
        %dma_wait3A_179 = arith.constant 0 : i32
        %dma_wait3A_180 = tpu.memref_slice %arg11[%mul3A_178, %dma_wait3A_179] : memref<384x128xf32, #tpu.memory_space<vmem>> -> memref<64x128xf32, #tpu.memory_space<vmem>>
        %dma_wait3A_181 = tpu.memref_slice %arg10[%mul3A_176] : memref<6464xi32, #tpu.memory_space<vmem>> -> memref<64xi32, #tpu.memory_space<vmem>>
        %dma_wait3A_182 = arith.constant 0 : i32
        %dma_wait3A_183 = arith.constant 0 : i32
        %dma_wait3A_184 = tpu.memref_slice %arg2[%dma_wait3A_182, %dma_wait3A_183] : memref<10000x128xf32, #tpu.memory_space<hbm>> -> memref<10000x128xf32, #tpu.memory_space<hbm>>
        %dma_wait3A_185 = tpu.memref_slice %arg13[%rem3A_168] : memref<6x!tpu.dma_semaphore, #tpu.memory_space<semaphore_mem>> -> memref<1x!tpu.dma_semaphore, #tpu.memory_space<semaphore_mem>>
        %dma_wait3A_186 = tpu.memref_squeeze %dma_wait3A_185 : memref<1x!tpu.dma_semaphore, #tpu.memory_space<semaphore_mem>> -> memref<!tpu.dma_semaphore, #tpu.memory_space<semaphore_mem>>
        tpu.wait_indirect_dma semaphore(%dma_wait3A_186 : memref<!tpu.dma_semaphore, #tpu.memory_space<semaphore_mem>>) src(%dma_wait3A_184 : memref<10000x128xf32, #tpu.memory_space<hbm>>) dst(%dma_wait3A_180 : memref<64x128xf32, #tpu.memory_space<vmem>>)
        %mul3A_187 = arith.constant 64 : i32
        %mul3A_188 = arith.muli %while3A_165, %mul3A_187 : i32
        %sub3A_189 = arith.subi %scan3A_100, %mul3A_188 : i32
        %min3A = arith.constant 64 : i32
        %min3A_190 = arith.minsi %min3A, %sub3A_189 : i32
        %while3A_191 = arith.constant 0 : i32
        %while3A_192 = arith.constant 0 : i32
        %while3A_193 = arith.subi %min3A_190, %while3A_191 : i32
        %while3A_194 = arith.addi %while3A_191, %while3A_193 : i32
        %while3A_195 = arith.constant 1 : i32
        %while3A_196 = arith.divsi %while3A_193, %while3A_195 : i32
        %while3A_197 = arith.muli %while3A_196, %while3A_195 : i32
        %while3A_198 = arith.addi %while3A_191, %while3A_197 : i32
        %while3A_199 = arith.constant 1 : i32
        %while3A_200 = scf.for %while3A_204 = %while3A_191 to %while3A_198 step %while3A_199 iter_args(%while3A_205 = %while3A_192) -> (i32)  : i32 {
          %add3A_206 = arith.addi %mul3A_188, %while3A_204 : i32
          %mul3A_207 = arith.constant 64 : i32
          %mul3A_208 = arith.muli %rem3A_168, %mul3A_207 : i32
          %add3A_209 = arith.addi %mul3A_208, %while3A_204 : i32
          %broadcast_in_dim3A_210 = vector.broadcast %add3A_206 : i32 to vector<16xi32>
          %gather3A = tpu.vector_load_idx %arg9[%broadcast_in_dim3A_210] : memref<6464xi32, #tpu.memory_space<vmem>>[vector<16xi32>], vector<16xi32>,
          %reduce_max3A = arith.constant true
          %reduce_max3A_211 = vector.broadcast %reduce_max3A : i1 to vector<16xi1>
          %reduce_max3A_212 = arith.constant -2147483648 : i32
          %reduce_max3A_213 = vector.broadcast %reduce_max3A_212 : i32 to vector<16xi32>
          %reduce_max3A_214 = arith.xori %gather3A, %reduce_max3A_213 : vector<16xi32>
          %reduce_max3A_215 = tpu.scan <max>, %reduce_max3A_214 masked %reduce_max3A_211 : vector<16xi32>, vector<16xi1> -> vector<16xi32>
          %reduce_max3A_216 = arith.xori %reduce_max3A_215, %reduce_max3A_213 : vector<16xi32>
          %reduce_max3A_217 = vector.extract %reduce_max3A_216[15] : i32 from vector<16xi32>
          %get3A = arith.index_cast %reduce_max3A_217 : i32 to index
          %get3A_218 = arith.constant 0 : index
          %get3A_219 = tpu.vector_load %arg6[%get3A, %get3A_218] {strides = array<i32>} : memref<328x128xf32, #tpu.memory_space<vmem>>, vector<16xf32>,
          %get3A_220 = arith.index_cast %add3A_209 : i32 to index
          %get3A_221 = arith.constant 0 : index
          %get3A_222 = tpu.vector_load %arg11[%get3A_220, %get3A_221] {strides = array<i32>} : memref<384x128xf32, #tpu.memory_space<vmem>>, vector<16xf32>,
          %max3A = arith.maximumf %get3A_219, %get3A_222 : vector<16xf32>
          %swap3A = arith.index_cast %reduce_max3A_217 : i32 to index
          %swap3A_223 = arith.constant 0 : index
          %swap3A_224 = tpu.vector_load %arg6[%swap3A, %swap3A_223] {strides = array<i32>} : memref<328x128xf32, #tpu.memory_space<vmem>>, vector<16xf32>,
          tpu.vector_store %arg6[%swap3A, %swap3A_223], %max3A {strides = array<i32>} : memref<328x128xf32, #tpu.memory_space<vmem>>, vector<16xf32>,
          %get3A_225 = arith.index_cast %reduce_max3A_217 : i32 to index
          %get3A_226 = arith.constant 16 : index
          %get3A_227 = tpu.vector_load %arg6[%get3A_225, %get3A_226] {strides = array<i32>} : memref<328x128xf32, #tpu.memory_space<vmem>>, vector<16xf32>,
          %get3A_228 = arith.index_cast %add3A_209 : i32 to index
          %get3A_229 = arith.constant 16 : index
          %get3A_230 = tpu.vector_load %arg11[%get3A_228, %get3A_229] {strides = array<i32>} : memref<384x128xf32, #tpu.memory_space<vmem>>, vector<16xf32>,
          %max3A_231 = arith.maximumf %get3A_227, %get3A_230 : vector<16xf32>
          %swap3A_232 = arith.index_cast %reduce_max3A_217 : i32 to index
          %swap3A_233 = arith.constant 16 : index
          %swap3A_234 = tpu.vector_load %arg6[%swap3A_232, %swap3A_233] {strides = array<i32>} : memref<328x128xf32, #tpu.memory_space<vmem>>, vector<16xf32>,
          tpu.vector_store %arg6[%swap3A_232, %swap3A_233], %max3A_231 {strides = array<i32>} : memref<328x128xf32, #tpu.memory_space<vmem>>, vector<16xf32>,
          %get3A_235 = arith.index_cast %reduce_max3A_217 : i32 to index
          %get3A_236 = arith.constant 32 : index
          %get3A_237 = tpu.vector_load %arg6[%get3A_235, %get3A_236] {strides = array<i32>} : memref<328x128xf32, #tpu.memory_space<vmem>>, vector<16xf32>,
          %get3A_238 = arith.index_cast %add3A_209 : i32 to index
          %get3A_239 = arith.constant 32 : index
          %get3A_240 = tpu.vector_load %arg11[%get3A_238, %get3A_239] {strides = array<i32>} : memref<384x128xf32, #tpu.memory_space<vmem>>, vector<16xf32>,
          %max3A_241 = arith.maximumf %get3A_237, %get3A_240 : vector<16xf32>
          %swap3A_242 = arith.index_cast %reduce_max3A_217 : i32 to index
          %swap3A_243 = arith.constant 32 : index
          %swap3A_244 = tpu.vector_load %arg6[%swap3A_242, %swap3A_243] {strides = array<i32>} : memref<328x128xf32, #tpu.memory_space<vmem>>, vector<16xf32>,
          tpu.vector_store %arg6[%swap3A_242, %swap3A_243], %max3A_241 {strides = array<i32>} : memref<328x128xf32, #tpu.memory_space<vmem>>, vector<16xf32>,
          %get3A_245 = arith.index_cast %reduce_max3A_217 : i32 to index
          %get3A_246 = arith.constant 48 : index
          %get3A_247 = tpu.vector_load %arg6[%get3A_245, %get3A_246] {strides = array<i32>} : memref<328x128xf32, #tpu.memory_space<vmem>>, vector<16xf32>,
          %get3A_248 = arith.index_cast %add3A_209 : i32 to index
          %get3A_249 = arith.constant 48 : index
          %get3A_250 = tpu.vector_load %arg11[%get3A_248, %get3A_249] {strides = array<i32>} : memref<384x128xf32, #tpu.memory_space<vmem>>, vector<16xf32>,
          %max3A_251 = arith.maximumf %get3A_247, %get3A_250 : vector<16xf32>
          %swap3A_252 = arith.index_cast %reduce_max3A_217 : i32 to index
          %swap3A_253 = arith.constant 48 : index
          %swap3A_254 = tpu.vector_load %arg6[%swap3A_252, %swap3A_253] {strides = array<i32>} : memref<328x128xf32, #tpu.memory_space<vmem>>, vector<16xf32>,
          tpu.vector_store %arg6[%swap3A_252, %swap3A_253], %max3A_251 {strides = array<i32>} : memref<328x128xf32, #tpu.memory_space<vmem>>, vector<16xf32>,
          %get3A_255 = arith.index_cast %reduce_max3A_217 : i32 to index
          %get3A_256 = arith.constant 64 : index
          %get3A_257 = tpu.vector_load %arg6[%get3A_255, %get3A_256] {strides = array<i32>} : memref<328x128xf32, #tpu.memory_space<vmem>>, vector<16xf32>,
          %get3A_258 = arith.index_cast %add3A_209 : i32 to index
          %get3A_259 = arith.constant 64 : index
          %get3A_260 = tpu.vector_load %arg11[%get3A_258, %get3A_259] {strides = array<i32>} : memref<384x128xf32, #tpu.memory_space<vmem>>, vector<16xf32>,
          %max3A_261 = arith.maximumf %get3A_257, %get3A_260 : vector<16xf32>
          %swap3A_262 = arith.index_cast %reduce_max3A_217 : i32 to index
          %swap3A_263 = arith.constant 64 : index
          %swap3A_264 = tpu.vector_load %arg6[%swap3A_262, %swap3A_263] {strides = array<i32>} : memref<328x128xf32, #tpu.memory_space<vmem>>, vector<16xf32>,
          tpu.vector_store %arg6[%swap3A_262, %swap3A_263], %max3A_261 {strides = array<i32>} : memref<328x128xf32, #tpu.memory_space<vmem>>, vector<16xf32>,
          %get3A_265 = arith.index_cast %reduce_max3A_217 : i32 to index
          %get3A_266 = arith.constant 80 : index
          %get3A_267 = tpu.vector_load %arg6[%get3A_265, %get3A_266] {strides = array<i32>} : memref<328x128xf32, #tpu.memory_space<vmem>>, vector<16xf32>,
          %get3A_268 = arith.index_cast %add3A_209 : i32 to index
          %get3A_269 = arith.constant 80 : index
          %get3A_270 = tpu.vector_load %arg11[%get3A_268, %get3A_269] {strides = array<i32>} : memref<384x128xf32, #tpu.memory_space<vmem>>, vector<16xf32>,
          %max3A_271 = arith.maximumf %get3A_267, %get3A_270 : vector<16xf32>
          %swap3A_272 = arith.index_cast %reduce_max3A_217 : i32 to index
          %swap3A_273 = arith.constant 80 : index
          %swap3A_274 = tpu.vector_load %arg6[%swap3A_272, %swap3A_273] {strides = array<i32>} : memref<328x128xf32, #tpu.memory_space<vmem>>, vector<16xf32>,
          tpu.vector_store %arg6[%swap3A_272, %swap3A_273], %max3A_271 {strides = array<i32>} : memref<328x128xf32, #tpu.memory_space<vmem>>, vector<16xf32>,
          %get3A_275 = arith.index_cast %reduce_max3A_217 : i32 to index
          %get3A_276 = arith.constant 96 : index
          %get3A_277 = tpu.vector_load %arg6[%get3A_275, %get3A_276] {strides = array<i32>} : memref<328x128xf32, #tpu.memory_space<vmem>>, vector<16xf32>,
          %get3A_278 = arith.index_cast %add3A_209 : i32 to index
          %get3A_279 = arith.constant 96 : index
          %get3A_280 = tpu.vector_load %arg11[%get3A_278, %get3A_279] {strides = array<i32>} : memref<384x128xf32, #tpu.memory_space<vmem>>, vector<16xf32>,
          %max3A_281 = arith.maximumf %get3A_277, %get3A_280 : vector<16xf32>
          %swap3A_282 = arith.index_cast %reduce_max3A_217 : i32 to index
          %swap3A_283 = arith.constant 96 : index
          %swap3A_284 = tpu.vector_load %arg6[%swap3A_282, %swap3A_283] {strides = array<i32>} : memref<328x128xf32, #tpu.memory_space<vmem>>, vector<16xf32>,
          tpu.vector_store %arg6[%swap3A_282, %swap3A_283], %max3A_281 {strides = array<i32>} : memref<328x128xf32, #tpu.memory_space<vmem>>, vector<16xf32>,
          %get3A_285 = arith.index_cast %reduce_max3A_217 : i32 to index
          %get3A_286 = arith.constant 112 : index
          %get3A_287 = tpu.vector_load %arg6[%get3A_285, %get3A_286] {strides = array<i32>} : memref<328x128xf32, #tpu.memory_space<vmem>>, vector<16xf32>,
          %get3A_288 = arith.index_cast %add3A_209 : i32 to index
          %get3A_289 = arith.constant 112 : index
          %get3A_290 = tpu.vector_load %arg11[%get3A_288, %get3A_289] {strides = array<i32>} : memref<384x128xf32, #tpu.memory_space<vmem>>, vector<16xf32>,
          %max3A_291 = arith.maximumf %get3A_287, %get3A_290 : vector<16xf32>
          %swap3A_292 = arith.index_cast %reduce_max3A_217 : i32 to index
          %swap3A_293 = arith.constant 112 : index
          %swap3A_294 = tpu.vector_load %arg6[%swap3A_292, %swap3A_293] {strides = array<i32>} : memref<328x128xf32, #tpu.memory_space<vmem>>, vector<16xf32>,
          tpu.vector_store %arg6[%swap3A_292, %swap3A_293], %max3A_291 {strides = array<i32>} : memref<328x128xf32, #tpu.memory_space<vmem>>, vector<16xf32>,
          %while3A_295 = arith.constant 0 : i32
          scf.yield %while3A_295 : i32
        }
        %while3A_201 = arith.constant 1 : i32
        %while3A_202 = scf.for %while3A_204 = %while3A_198 to %while3A_194 step %while3A_201 iter_args(%while3A_205 = %while3A_200) -> (i32)  : i32 {
          %add3A_206 = arith.addi %mul3A_188, %while3A_204 : i32
          %mul3A_207 = arith.constant 64 : i32
          %mul3A_208 = arith.muli %rem3A_168, %mul3A_207 : i32
          %add3A_209 = arith.addi %mul3A_208, %while3A_204 : i32
          %broadcast_in_dim3A_210 = vector.broadcast %add3A_206 : i32 to vector<16xi32>
          %gather3A = tpu.vector_load_idx %arg9[%broadcast_in_dim3A_210] : memref<6464xi32, #tpu.memory_space<vmem>>[vector<16xi32>], vector<16xi32>,
          %reduce_max3A = arith.constant true
          %reduce_max3A_211 = vector.broadcast %reduce_max3A : i1 to vector<16xi1>
          %reduce_max3A_212 = arith.constant -2147483648 : i32
          %reduce_max3A_213 = vector.broadcast %reduce_max3A_212 : i32 to vector<16xi32>
          %reduce_max3A_214 = arith.xori %gather3A, %reduce_max3A_213 : vector<16xi32>
          %reduce_max3A_215 = tpu.scan <max>, %reduce_max3A_214 masked %reduce_max3A_211 : vector<16xi32>, vector<16xi1> -> vector<16xi32>
          %reduce_max3A_216 = arith.xori %reduce_max3A_215, %reduce_max3A_213 : vector<16xi32>
          %reduce_max3A_217 = vector.extract %reduce_max3A_216[15] : i32 from vector<16xi32>
          %get3A = arith.index_cast %reduce_max3A_217 : i32 to index
          %get3A_218 = arith.constant 0 : index
          %get3A_219 = tpu.vector_load %arg6[%get3A, %get3A_218] {strides = array<i32>} : memref<328x128xf32, #tpu.memory_space<vmem>>, vector<16xf32>,
          %get3A_220 = arith.index_cast %add3A_209 : i32 to index
          %get3A_221 = arith.constant 0 : index
          %get3A_222 = tpu.vector_load %arg11[%get3A_220, %get3A_221] {strides = array<i32>} : memref<384x128xf32, #tpu.memory_space<vmem>>, vector<16xf32>,
          %max3A = arith.maximumf %get3A_219, %get3A_222 : vector<16xf32>
          %swap3A = arith.index_cast %reduce_max3A_217 : i32 to index
          %swap3A_223 = arith.constant 0 : index
          %swap3A_224 = tpu.vector_load %arg6[%swap3A, %swap3A_223] {strides = array<i32>} : memref<328x128xf32, #tpu.memory_space<vmem>>, vector<16xf32>,
          tpu.vector_store %arg6[%swap3A, %swap3A_223], %max3A {strides = array<i32>} : memref<328x128xf32, #tpu.memory_space<vmem>>, vector<16xf32>,
          %get3A_225 = arith.index_cast %reduce_max3A_217 : i32 to index
          %get3A_226 = arith.constant 16 : index
          %get3A_227 = tpu.vector_load %arg6[%get3A_225, %get3A_226] {strides = array<i32>} : memref<328x128xf32, #tpu.memory_space<vmem>>, vector<16xf32>,
          %get3A_228 = arith.index_cast %add3A_209 : i32 to index
          %get3A_229 = arith.constant 16 : index
          %get3A_230 = tpu.vector_load %arg11[%get3A_228, %get3A_229] {strides = array<i32>} : memref<384x128xf32, #tpu.memory_space<vmem>>, vector<16xf32>,
          %max3A_231 = arith.maximumf %get3A_227, %get3A_230 : vector<16xf32>
          %swap3A_232 = arith.index_cast %reduce_max3A_217 : i32 to index
          %swap3A_233 = arith.constant 16 : index
          %swap3A_234 = tpu.vector_load %arg6[%swap3A_232, %swap3A_233] {strides = array<i32>} : memref<328x128xf32, #tpu.memory_space<vmem>>, vector<16xf32>,
          tpu.vector_store %arg6[%swap3A_232, %swap3A_233], %max3A_231 {strides = array<i32>} : memref<328x128xf32, #tpu.memory_space<vmem>>, vector<16xf32>,
          %get3A_235 = arith.index_cast %reduce_max3A_217 : i32 to index
          %get3A_236 = arith.constant 32 : index
          %get3A_237 = tpu.vector_load %arg6[%get3A_235, %get3A_236] {strides = array<i32>} : memref<328x128xf32, #tpu.memory_space<vmem>>, vector<16xf32>,
          %get3A_238 = arith.index_cast %add3A_209 : i32 to index
          %get3A_239 = arith.constant 32 : index
          %get3A_240 = tpu.vector_load %arg11[%get3A_238, %get3A_239] {strides = array<i32>} : memref<384x128xf32, #tpu.memory_space<vmem>>, vector<16xf32>,
          %max3A_241 = arith.maximumf %get3A_237, %get3A_240 : vector<16xf32>
          %swap3A_242 = arith.index_cast %reduce_max3A_217 : i32 to index
          %swap3A_243 = arith.constant 32 : index
          %swap3A_244 = tpu.vector_load %arg6[%swap3A_242, %swap3A_243] {strides = array<i32>} : memref<328x128xf32, #tpu.memory_space<vmem>>, vector<16xf32>,
          tpu.vector_store %arg6[%swap3A_242, %swap3A_243], %max3A_241 {strides = array<i32>} : memref<328x128xf32, #tpu.memory_space<vmem>>, vector<16xf32>,
          %get3A_245 = arith.index_cast %reduce_max3A_217 : i32 to index
          %get3A_246 = arith.constant 48 : index
          %get3A_247 = tpu.vector_load %arg6[%get3A_245, %get3A_246] {strides = array<i32>} : memref<328x128xf32, #tpu.memory_space<vmem>>, vector<16xf32>,
          %get3A_248 = arith.index_cast %add3A_209 : i32 to index
          %get3A_249 = arith.constant 48 : index
          %get3A_250 = tpu.vector_load %arg11[%get3A_248, %get3A_249] {strides = array<i32>} : memref<384x128xf32, #tpu.memory_space<vmem>>, vector<16xf32>,
          %max3A_251 = arith.maximumf %get3A_247, %get3A_250 : vector<16xf32>
          %swap3A_252 = arith.index_cast %reduce_max3A_217 : i32 to index
          %swap3A_253 = arith.constant 48 : index
          %swap3A_254 = tpu.vector_load %arg6[%swap3A_252, %swap3A_253] {strides = array<i32>} : memref<328x128xf32, #tpu.memory_space<vmem>>, vector<16xf32>,
          tpu.vector_store %arg6[%swap3A_252, %swap3A_253], %max3A_251 {strides = array<i32>} : memref<328x128xf32, #tpu.memory_space<vmem>>, vector<16xf32>,
          %get3A_255 = arith.index_cast %reduce_max3A_217 : i32 to index
          %get3A_256 = arith.constant 64 : index
          %get3A_257 = tpu.vector_load %arg6[%get3A_255, %get3A_256] {strides = array<i32>} : memref<328x128xf32, #tpu.memory_space<vmem>>, vector<16xf32>,
          %get3A_258 = arith.index_cast %add3A_209 : i32 to index
          %get3A_259 = arith.constant 64 : index
          %get3A_260 = tpu.vector_load %arg11[%get3A_258, %get3A_259] {strides = array<i32>} : memref<384x128xf32, #tpu.memory_space<vmem>>, vector<16xf32>,
          %max3A_261 = arith.maximumf %get3A_257, %get3A_260 : vector<16xf32>
          %swap3A_262 = arith.index_cast %reduce_max3A_217 : i32 to index
          %swap3A_263 = arith.constant 64 : index
          %swap3A_264 = tpu.vector_load %arg6[%swap3A_262, %swap3A_263] {strides = array<i32>} : memref<328x128xf32, #tpu.memory_space<vmem>>, vector<16xf32>,
          tpu.vector_store %arg6[%swap3A_262, %swap3A_263], %max3A_261 {strides = array<i32>} : memref<328x128xf32, #tpu.memory_space<vmem>>, vector<16xf32>,
          %get3A_265 = arith.index_cast %reduce_max3A_217 : i32 to index
          %get3A_266 = arith.constant 80 : index
          %get3A_267 = tpu.vector_load %arg6[%get3A_265, %get3A_266] {strides = array<i32>} : memref<328x128xf32, #tpu.memory_space<vmem>>, vector<16xf32>,
          %get3A_268 = arith.index_cast %add3A_209 : i32 to index
          %get3A_269 = arith.constant 80 : index
          %get3A_270 = tpu.vector_load %arg11[%get3A_268, %get3A_269] {strides = array<i32>} : memref<384x128xf32, #tpu.memory_space<vmem>>, vector<16xf32>,
          %max3A_271 = arith.maximumf %get3A_267, %get3A_270 : vector<16xf32>
          %swap3A_272 = arith.index_cast %reduce_max3A_217 : i32 to index
          %swap3A_273 = arith.constant 80 : index
          %swap3A_274 = tpu.vector_load %arg6[%swap3A_272, %swap3A_273] {strides = array<i32>} : memref<328x128xf32, #tpu.memory_space<vmem>>, vector<16xf32>,
          tpu.vector_store %arg6[%swap3A_272, %swap3A_273], %max3A_271 {strides = array<i32>} : memref<328x128xf32, #tpu.memory_space<vmem>>, vector<16xf32>,
          %get3A_275 = arith.index_cast %reduce_max3A_217 : i32 to index
          %get3A_276 = arith.constant 96 : index
          %get3A_277 = tpu.vector_load %arg6[%get3A_275, %get3A_276] {strides = array<i32>} : memref<328x128xf32, #tpu.memory_space<vmem>>, vector<16xf32>,
          %get3A_278 = arith.index_cast %add3A_209 : i32 to index
          %get3A_279 = arith.constant 96 : index
          %get3A_280 = tpu.vector_load %arg11[%get3A_278, %get3A_279] {strides = array<i32>} : memref<384x128xf32, #tpu.memory_space<vmem>>, vector<16xf32>,
          %max3A_281 = arith.maximumf %get3A_277, %get3A_280 : vector<16xf32>
          %swap3A_282 = arith.index_cast %reduce_max3A_217 : i32 to index
          %swap3A_283 = arith.constant 96 : index
          %swap3A_284 = tpu.vector_load %arg6[%swap3A_282, %swap3A_283] {strides = array<i32>} : memref<328x128xf32, #tpu.memory_space<vmem>>, vector<16xf32>,
          tpu.vector_store %arg6[%swap3A_282, %swap3A_283], %max3A_281 {strides = array<i32>} : memref<328x128xf32, #tpu.memory_space<vmem>>, vector<16xf32>,
          %get3A_285 = arith.index_cast %reduce_max3A_217 : i32 to index
          %get3A_286 = arith.constant 112 : index
          %get3A_287 = tpu.vector_load %arg6[%get3A_285, %get3A_286] {strides = array<i32>} : memref<328x128xf32, #tpu.memory_space<vmem>>, vector<16xf32>,
          %get3A_288 = arith.index_cast %add3A_209 : i32 to index
          %get3A_289 = arith.constant 112 : index
          %get3A_290 = tpu.vector_load %arg11[%get3A_288, %get3A_289] {strides = array<i32>} : memref<384x128xf32, #tpu.memory_space<vmem>>, vector<16xf32>,
          %max3A_291 = arith.maximumf %get3A_287, %get3A_290 : vector<16xf32>
          %swap3A_292 = arith.index_cast %reduce_max3A_217 : i32 to index
          %swap3A_293 = arith.constant 112 : index
          %swap3A_294 = tpu.vector_load %arg6[%swap3A_292, %swap3A_293] {strides = array<i32>} : memref<328x128xf32, #tpu.memory_space<vmem>>, vector<16xf32>,
          tpu.vector_store %arg6[%swap3A_292, %swap3A_293], %max3A_291 {strides = array<i32>} : memref<328x128xf32, #tpu.memory_space<vmem>>, vector<16xf32>,
          %while3A_295 = arith.constant 0 : i32
          scf.yield %while3A_295 : i32
        }
        %while3A_203 = arith.constant 0 : i32
        scf.yield %while3A_203 : i32
      }
      %while3A_162 = arith.constant 1 : i32
      %while3A_163 = scf.for %while3A_165 = %while3A_159 to %while3A_155 step %while3A_162 iter_args(%while3A_166 = %while3A_161) -> (i32)  : i32 {
        %rem3A_167 = arith.constant 6 : i32
        %rem3A_168 = arith.remsi %while3A_165, %rem3A_167 : i32
        %add3A_169 = arith.constant 5 : i32
        %add3A_170 = arith.addi %while3A_165, %add3A_169 : i32
        %lt3A_171 = arith.cmpi slt, %add3A_170, %select_n3A : i32
        %convert_element_type3A_172 = arith.extui %lt3A_171 : i1 to i32
        %cond3A_173 = arith.constant 0 : i32
        %cond3A_174 = arith.cmpi ne, %convert_element_type3A_172, %cond3A_173 : i32
        scf.if %cond3A_174 {
          %add3A_204 = arith.constant 5 : i32
          %add3A_205 = arith.addi %while3A_165, %add3A_204 : i32
          %add3A_206 = arith.constant 5 : i32
          %add3A_207 = arith.addi %while3A_165, %add3A_206 : i32
          %rem3A_208 = arith.constant 6 : i32
          %rem3A_209 = arith.remsi %add3A_207, %rem3A_208 : i32
          %mul3A_210 = arith.constant 64 : i32
          %mul3A_211 = arith.muli %add3A_205, %mul3A_210 : i32
          %mul3A_212 = arith.constant 64 : i32
          %mul3A_213 = arith.muli %rem3A_209, %mul3A_212 : i32
          %dma_start3A_214 = arith.constant 0 : i32
          %dma_start3A_215 = tpu.memref_slice %arg11[%mul3A_213, %dma_start3A_214] : memref<384x128xf32, #tpu.memory_space<vmem>> -> memref<64x128xf32, #tpu.memory_space<vmem>>
          %dma_start3A_216 = tpu.memref_slice %arg10[%mul3A_211] : memref<6464xi32, #tpu.memory_space<vmem>> -> memref<64xi32, #tpu.memory_space<vmem>>
          %dma_start3A_217 = arith.constant 0 : i32
          %dma_start3A_218 = arith.constant 0 : i32
          %dma_start3A_219 = tpu.memref_slice %arg2[%dma_start3A_217, %dma_start3A_218] : memref<10000x128xf32, #tpu.memory_space<hbm>> -> memref<10000x128xf32, #tpu.memory_space<hbm>>
          %dma_start3A_220 = tpu.memref_slice %arg13[%rem3A_209] : memref<6x!tpu.dma_semaphore, #tpu.memory_space<semaphore_mem>> -> memref<1x!tpu.dma_semaphore, #tpu.memory_space<semaphore_mem>>
          %dma_start3A_221 = tpu.memref_squeeze %dma_start3A_220 : memref<1x!tpu.dma_semaphore, #tpu.memory_space<semaphore_mem>> -> memref<!tpu.dma_semaphore, #tpu.memory_space<semaphore_mem>>
          tpu.enqueue_indirect_dma source(%dma_start3A_219 : memref<10000x128xf32, #tpu.memory_space<hbm>>) target(%dma_start3A_215 : memref<64x128xf32, #tpu.memory_space<vmem>>) offsets(%dma_start3A_216 : memref<64xi32, #tpu.memory_space<vmem>>) semaphore(%dma_start3A_221 : memref<!tpu.dma_semaphore, #tpu.memory_space<semaphore_mem>>)
        } else {
        }
        %mul3A_175 = arith.constant 64 : i32
        %mul3A_176 = arith.muli %while3A_165, %mul3A_175 : i32
        %mul3A_177 = arith.constant 64 : i32
        %mul3A_178 = arith.muli %rem3A_168, %mul3A_177 : i32
        %dma_wait3A_179 = arith.constant 0 : i32
        %dma_wait3A_180 = tpu.memref_slice %arg11[%mul3A_178, %dma_wait3A_179] : memref<384x128xf32, #tpu.memory_space<vmem>> -> memref<64x128xf32, #tpu.memory_space<vmem>>
        %dma_wait3A_181 = tpu.memref_slice %arg10[%mul3A_176] : memref<6464xi32, #tpu.memory_space<vmem>> -> memref<64xi32, #tpu.memory_space<vmem>>
        %dma_wait3A_182 = arith.constant 0 : i32
        %dma_wait3A_183 = arith.constant 0 : i32
        %dma_wait3A_184 = tpu.memref_slice %arg2[%dma_wait3A_182, %dma_wait3A_183] : memref<10000x128xf32, #tpu.memory_space<hbm>> -> memref<10000x128xf32, #tpu.memory_space<hbm>>
        %dma_wait3A_185 = tpu.memref_slice %arg13[%rem3A_168] : memref<6x!tpu.dma_semaphore, #tpu.memory_space<semaphore_mem>> -> memref<1x!tpu.dma_semaphore, #tpu.memory_space<semaphore_mem>>
        %dma_wait3A_186 = tpu.memref_squeeze %dma_wait3A_185 : memref<1x!tpu.dma_semaphore, #tpu.memory_space<semaphore_mem>> -> memref<!tpu.dma_semaphore, #tpu.memory_space<semaphore_mem>>
        tpu.wait_indirect_dma semaphore(%dma_wait3A_186 : memref<!tpu.dma_semaphore, #tpu.memory_space<semaphore_mem>>) src(%dma_wait3A_184 : memref<10000x128xf32, #tpu.memory_space<hbm>>) dst(%dma_wait3A_180 : memref<64x128xf32, #tpu.memory_space<vmem>>)
        %mul3A_187 = arith.constant 64 : i32
        %mul3A_188 = arith.muli %while3A_165, %mul3A_187 : i32
        %sub3A_189 = arith.subi %scan3A_100, %mul3A_188 : i32
        %min3A = arith.constant 64 : i32
        %min3A_190 = arith.minsi %min3A, %sub3A_189 : i32
        %while3A_191 = arith.constant 0 : i32
        %while3A_192 = arith.constant 0 : i32
        %while3A_193 = arith.subi %min3A_190, %while3A_191 : i32
        %while3A_194 = arith.addi %while3A_191, %while3A_193 : i32
        %while3A_195 = arith.constant 1 : i32
        %while3A_196 = arith.divsi %while3A_193, %while3A_195 : i32
        %while3A_197 = arith.muli %while3A_196, %while3A_195 : i32
        %while3A_198 = arith.addi %while3A_191, %while3A_197 : i32
        %while3A_199 = arith.constant 1 : i32
        %while3A_200 = scf.for %while3A_204 = %while3A_191 to %while3A_198 step %while3A_199 iter_args(%while3A_205 = %while3A_192) -> (i32)  : i32 {
          %add3A_206 = arith.addi %mul3A_188, %while3A_204 : i32
          %mul3A_207 = arith.constant 64 : i32
          %mul3A_208 = arith.muli %rem3A_168, %mul3A_207 : i32
          %add3A_209 = arith.addi %mul3A_208, %while3A_204 : i32
          %broadcast_in_dim3A_210 = vector.broadcast %add3A_206 : i32 to vector<16xi32>
          %gather3A = tpu.vector_load_idx %arg9[%broadcast_in_dim3A_210] : memref<6464xi32, #tpu.memory_space<vmem>>[vector<16xi32>], vector<16xi32>,
          %reduce_max3A = arith.constant true
          %reduce_max3A_211 = vector.broadcast %reduce_max3A : i1 to vector<16xi1>
          %reduce_max3A_212 = arith.constant -2147483648 : i32
          %reduce_max3A_213 = vector.broadcast %reduce_max3A_212 : i32 to vector<16xi32>
          %reduce_max3A_214 = arith.xori %gather3A, %reduce_max3A_213 : vector<16xi32>
          %reduce_max3A_215 = tpu.scan <max>, %reduce_max3A_214 masked %reduce_max3A_211 : vector<16xi32>, vector<16xi1> -> vector<16xi32>
          %reduce_max3A_216 = arith.xori %reduce_max3A_215, %reduce_max3A_213 : vector<16xi32>
          %reduce_max3A_217 = vector.extract %reduce_max3A_216[15] : i32 from vector<16xi32>
          %get3A = arith.index_cast %reduce_max3A_217 : i32 to index
          %get3A_218 = arith.constant 0 : index
          %get3A_219 = tpu.vector_load %arg6[%get3A, %get3A_218] {strides = array<i32>} : memref<328x128xf32, #tpu.memory_space<vmem>>, vector<16xf32>,
          %get3A_220 = arith.index_cast %add3A_209 : i32 to index
          %get3A_221 = arith.constant 0 : index
          %get3A_222 = tpu.vector_load %arg11[%get3A_220, %get3A_221] {strides = array<i32>} : memref<384x128xf32, #tpu.memory_space<vmem>>, vector<16xf32>,
          %max3A = arith.maximumf %get3A_219, %get3A_222 : vector<16xf32>
          %swap3A = arith.index_cast %reduce_max3A_217 : i32 to index
          %swap3A_223 = arith.constant 0 : index
          %swap3A_224 = tpu.vector_load %arg6[%swap3A, %swap3A_223] {strides = array<i32>} : memref<328x128xf32, #tpu.memory_space<vmem>>, vector<16xf32>,
          tpu.vector_store %arg6[%swap3A, %swap3A_223], %max3A {strides = array<i32>} : memref<328x128xf32, #tpu.memory_space<vmem>>, vector<16xf32>,
          %get3A_225 = arith.index_cast %reduce_max3A_217 : i32 to index
          %get3A_226 = arith.constant 16 : index
          %get3A_227 = tpu.vector_load %arg6[%get3A_225, %get3A_226] {strides = array<i32>} : memref<328x128xf32, #tpu.memory_space<vmem>>, vector<16xf32>,
          %get3A_228 = arith.index_cast %add3A_209 : i32 to index
          %get3A_229 = arith.constant 16 : index
          %get3A_230 = tpu.vector_load %arg11[%get3A_228, %get3A_229] {strides = array<i32>} : memref<384x128xf32, #tpu.memory_space<vmem>>, vector<16xf32>,
          %max3A_231 = arith.maximumf %get3A_227, %get3A_230 : vector<16xf32>
          %swap3A_232 = arith.index_cast %reduce_max3A_217 : i32 to index
          %swap3A_233 = arith.constant 16 : index
          %swap3A_234 = tpu.vector_load %arg6[%swap3A_232, %swap3A_233] {strides = array<i32>} : memref<328x128xf32, #tpu.memory_space<vmem>>, vector<16xf32>,
          tpu.vector_store %arg6[%swap3A_232, %swap3A_233], %max3A_231 {strides = array<i32>} : memref<328x128xf32, #tpu.memory_space<vmem>>, vector<16xf32>,
          %get3A_235 = arith.index_cast %reduce_max3A_217 : i32 to index
          %get3A_236 = arith.constant 32 : index
          %get3A_237 = tpu.vector_load %arg6[%get3A_235, %get3A_236] {strides = array<i32>} : memref<328x128xf32, #tpu.memory_space<vmem>>, vector<16xf32>,
          %get3A_238 = arith.index_cast %add3A_209 : i32 to index
          %get3A_239 = arith.constant 32 : index
          %get3A_240 = tpu.vector_load %arg11[%get3A_238, %get3A_239] {strides = array<i32>} : memref<384x128xf32, #tpu.memory_space<vmem>>, vector<16xf32>,
          %max3A_241 = arith.maximumf %get3A_237, %get3A_240 : vector<16xf32>
          %swap3A_242 = arith.index_cast %reduce_max3A_217 : i32 to index
          %swap3A_243 = arith.constant 32 : index
          %swap3A_244 = tpu.vector_load %arg6[%swap3A_242, %swap3A_243] {strides = array<i32>} : memref<328x128xf32, #tpu.memory_space<vmem>>, vector<16xf32>,
          tpu.vector_store %arg6[%swap3A_242, %swap3A_243], %max3A_241 {strides = array<i32>} : memref<328x128xf32, #tpu.memory_space<vmem>>, vector<16xf32>,
          %get3A_245 = arith.index_cast %reduce_max3A_217 : i32 to index
          %get3A_246 = arith.constant 48 : index
          %get3A_247 = tpu.vector_load %arg6[%get3A_245, %get3A_246] {strides = array<i32>} : memref<328x128xf32, #tpu.memory_space<vmem>>, vector<16xf32>,
          %get3A_248 = arith.index_cast %add3A_209 : i32 to index
          %get3A_249 = arith.constant 48 : index
          %get3A_250 = tpu.vector_load %arg11[%get3A_248, %get3A_249] {strides = array<i32>} : memref<384x128xf32, #tpu.memory_space<vmem>>, vector<16xf32>,
          %max3A_251 = arith.maximumf %get3A_247, %get3A_250 : vector<16xf32>
          %swap3A_252 = arith.index_cast %reduce_max3A_217 : i32 to index
          %swap3A_253 = arith.constant 48 : index
          %swap3A_254 = tpu.vector_load %arg6[%swap3A_252, %swap3A_253] {strides = array<i32>} : memref<328x128xf32, #tpu.memory_space<vmem>>, vector<16xf32>,
          tpu.vector_store %arg6[%swap3A_252, %swap3A_253], %max3A_251 {strides = array<i32>} : memref<328x128xf32, #tpu.memory_space<vmem>>, vector<16xf32>,
          %get3A_255 = arith.index_cast %reduce_max3A_217 : i32 to index
          %get3A_256 = arith.constant 64 : index
          %get3A_257 = tpu.vector_load %arg6[%get3A_255, %get3A_256] {strides = array<i32>} : memref<328x128xf32, #tpu.memory_space<vmem>>, vector<16xf32>,
          %get3A_258 = arith.index_cast %add3A_209 : i32 to index
          %get3A_259 = arith.constant 64 : index
          %get3A_260 = tpu.vector_load %arg11[%get3A_258, %get3A_259] {strides = array<i32>} : memref<384x128xf32, #tpu.memory_space<vmem>>, vector<16xf32>,
          %max3A_261 = arith.maximumf %get3A_257, %get3A_260 : vector<16xf32>
          %swap3A_262 = arith.index_cast %reduce_max3A_217 : i32 to index
          %swap3A_263 = arith.constant 64 : index
          %swap3A_264 = tpu.vector_load %arg6[%swap3A_262, %swap3A_263] {strides = array<i32>} : memref<328x128xf32, #tpu.memory_space<vmem>>, vector<16xf32>,
          tpu.vector_store %arg6[%swap3A_262, %swap3A_263], %max3A_261 {strides = array<i32>} : memref<328x128xf32, #tpu.memory_space<vmem>>, vector<16xf32>,
          %get3A_265 = arith.index_cast %reduce_max3A_217 : i32 to index
          %get3A_266 = arith.constant 80 : index
          %get3A_267 = tpu.vector_load %arg6[%get3A_265, %get3A_266] {strides = array<i32>} : memref<328x128xf32, #tpu.memory_space<vmem>>, vector<16xf32>,
          %get3A_268 = arith.index_cast %add3A_209 : i32 to index
          %get3A_269 = arith.constant 80 : index
          %get3A_270 = tpu.vector_load %arg11[%get3A_268, %get3A_269] {strides = array<i32>} : memref<384x128xf32, #tpu.memory_space<vmem>>, vector<16xf32>,
          %max3A_271 = arith.maximumf %get3A_267, %get3A_270 : vector<16xf32>
          %swap3A_272 = arith.index_cast %reduce_max3A_217 : i32 to index
          %swap3A_273 = arith.constant 80 : index
          %swap3A_274 = tpu.vector_load %arg6[%swap3A_272, %swap3A_273] {strides = array<i32>} : memref<328x128xf32, #tpu.memory_space<vmem>>, vector<16xf32>,
          tpu.vector_store %arg6[%swap3A_272, %swap3A_273], %max3A_271 {strides = array<i32>} : memref<328x128xf32, #tpu.memory_space<vmem>>, vector<16xf32>,
          %get3A_275 = arith.index_cast %reduce_max3A_217 : i32 to index
          %get3A_276 = arith.constant 96 : index
          %get3A_277 = tpu.vector_load %arg6[%get3A_275, %get3A_276] {strides = array<i32>} : memref<328x128xf32, #tpu.memory_space<vmem>>, vector<16xf32>,
          %get3A_278 = arith.index_cast %add3A_209 : i32 to index
          %get3A_279 = arith.constant 96 : index
          %get3A_280 = tpu.vector_load %arg11[%get3A_278, %get3A_279] {strides = array<i32>} : memref<384x128xf32, #tpu.memory_space<vmem>>, vector<16xf32>,
          %max3A_281 = arith.maximumf %get3A_277, %get3A_280 : vector<16xf32>
          %swap3A_282 = arith.index_cast %reduce_max3A_217 : i32 to index
          %swap3A_283 = arith.constant 96 : index
          %swap3A_284 = tpu.vector_load %arg6[%swap3A_282, %swap3A_283] {strides = array<i32>} : memref<328x128xf32, #tpu.memory_space<vmem>>, vector<16xf32>,
          tpu.vector_store %arg6[%swap3A_282, %swap3A_283], %max3A_281 {strides = array<i32>} : memref<328x128xf32, #tpu.memory_space<vmem>>, vector<16xf32>,
          %get3A_285 = arith.index_cast %reduce_max3A_217 : i32 to index
          %get3A_286 = arith.constant 112 : index
          %get3A_287 = tpu.vector_load %arg6[%get3A_285, %get3A_286] {strides = array<i32>} : memref<328x128xf32, #tpu.memory_space<vmem>>, vector<16xf32>,
          %get3A_288 = arith.index_cast %add3A_209 : i32 to index
          %get3A_289 = arith.constant 112 : index
          %get3A_290 = tpu.vector_load %arg11[%get3A_288, %get3A_289] {strides = array<i32>} : memref<384x128xf32, #tpu.memory_space<vmem>>, vector<16xf32>,
          %max3A_291 = arith.maximumf %get3A_287, %get3A_290 : vector<16xf32>
          %swap3A_292 = arith.index_cast %reduce_max3A_217 : i32 to index
          %swap3A_293 = arith.constant 112 : index
          %swap3A_294 = tpu.vector_load %arg6[%swap3A_292, %swap3A_293] {strides = array<i32>} : memref<328x128xf32, #tpu.memory_space<vmem>>, vector<16xf32>,
          tpu.vector_store %arg6[%swap3A_292, %swap3A_293], %max3A_291 {strides = array<i32>} : memref<328x128xf32, #tpu.memory_space<vmem>>, vector<16xf32>,
          %while3A_295 = arith.constant 0 : i32
          scf.yield %while3A_295 : i32
        }
        %while3A_201 = arith.constant 1 : i32
        %while3A_202 = scf.for %while3A_204 = %while3A_198 to %while3A_194 step %while3A_201 iter_args(%while3A_205 = %while3A_200) -> (i32)  : i32 {
          %add3A_206 = arith.addi %mul3A_188, %while3A_204 : i32
          %mul3A_207 = arith.constant 64 : i32
          %mul3A_208 = arith.muli %rem3A_168, %mul3A_207 : i32
          %add3A_209 = arith.addi %mul3A_208, %while3A_204 : i32
          %broadcast_in_dim3A_210 = vector.broadcast %add3A_206 : i32 to vector<16xi32>
          %gather3A = tpu.vector_load_idx %arg9[%broadcast_in_dim3A_210] : memref<6464xi32, #tpu.memory_space<vmem>>[vector<16xi32>], vector<16xi32>,
          %reduce_max3A = arith.constant true
          %reduce_max3A_211 = vector.broadcast %reduce_max3A : i1 to vector<16xi1>
          %reduce_max3A_212 = arith.constant -2147483648 : i32
          %reduce_max3A_213 = vector.broadcast %reduce_max3A_212 : i32 to vector<16xi32>
          %reduce_max3A_214 = arith.xori %gather3A, %reduce_max3A_213 : vector<16xi32>
          %reduce_max3A_215 = tpu.scan <max>, %reduce_max3A_214 masked %reduce_max3A_211 : vector<16xi32>, vector<16xi1> -> vector<16xi32>
          %reduce_max3A_216 = arith.xori %reduce_max3A_215, %reduce_max3A_213 : vector<16xi32>
          %reduce_max3A_217 = vector.extract %reduce_max3A_216[15] : i32 from vector<16xi32>
          %get3A = arith.index_cast %reduce_max3A_217 : i32 to index
          %get3A_218 = arith.constant 0 : index
          %get3A_219 = tpu.vector_load %arg6[%get3A, %get3A_218] {strides = array<i32>} : memref<328x128xf32, #tpu.memory_space<vmem>>, vector<16xf32>,
          %get3A_220 = arith.index_cast %add3A_209 : i32 to index
          %get3A_221 = arith.constant 0 : index
          %get3A_222 = tpu.vector_load %arg11[%get3A_220, %get3A_221] {strides = array<i32>} : memref<384x128xf32, #tpu.memory_space<vmem>>, vector<16xf32>,
          %max3A = arith.maximumf %get3A_219, %get3A_222 : vector<16xf32>
          %swap3A = arith.index_cast %reduce_max3A_217 : i32 to index
          %swap3A_223 = arith.constant 0 : index
          %swap3A_224 = tpu.vector_load %arg6[%swap3A, %swap3A_223] {strides = array<i32>} : memref<328x128xf32, #tpu.memory_space<vmem>>, vector<16xf32>,
          tpu.vector_store %arg6[%swap3A, %swap3A_223], %max3A {strides = array<i32>} : memref<328x128xf32, #tpu.memory_space<vmem>>, vector<16xf32>,
          %get3A_225 = arith.index_cast %reduce_max3A_217 : i32 to index
          %get3A_226 = arith.constant 16 : index
          %get3A_227 = tpu.vector_load %arg6[%get3A_225, %get3A_226] {strides = array<i32>} : memref<328x128xf32, #tpu.memory_space<vmem>>, vector<16xf32>,
          %get3A_228 = arith.index_cast %add3A_209 : i32 to index
          %get3A_229 = arith.constant 16 : index
          %get3A_230 = tpu.vector_load %arg11[%get3A_228, %get3A_229] {strides = array<i32>} : memref<384x128xf32, #tpu.memory_space<vmem>>, vector<16xf32>,
          %max3A_231 = arith.maximumf %get3A_227, %get3A_230 : vector<16xf32>
          %swap3A_232 = arith.index_cast %reduce_max3A_217 : i32 to index
          %swap3A_233 = arith.constant 16 : index
          %swap3A_234 = tpu.vector_load %arg6[%swap3A_232, %swap3A_233] {strides = array<i32>} : memref<328x128xf32, #tpu.memory_space<vmem>>, vector<16xf32>,
          tpu.vector_store %arg6[%swap3A_232, %swap3A_233], %max3A_231 {strides = array<i32>} : memref<328x128xf32, #tpu.memory_space<vmem>>, vector<16xf32>,
          %get3A_235 = arith.index_cast %reduce_max3A_217 : i32 to index
          %get3A_236 = arith.constant 32 : index
          %get3A_237 = tpu.vector_load %arg6[%get3A_235, %get3A_236] {strides = array<i32>} : memref<328x128xf32, #tpu.memory_space<vmem>>, vector<16xf32>,
          %get3A_238 = arith.index_cast %add3A_209 : i32 to index
          %get3A_239 = arith.constant 32 : index
          %get3A_240 = tpu.vector_load %arg11[%get3A_238, %get3A_239] {strides = array<i32>} : memref<384x128xf32, #tpu.memory_space<vmem>>, vector<16xf32>,
          %max3A_241 = arith.maximumf %get3A_237, %get3A_240 : vector<16xf32>
          %swap3A_242 = arith.index_cast %reduce_max3A_217 : i32 to index
          %swap3A_243 = arith.constant 32 : index
          %swap3A_244 = tpu.vector_load %arg6[%swap3A_242, %swap3A_243] {strides = array<i32>} : memref<328x128xf32, #tpu.memory_space<vmem>>, vector<16xf32>,
          tpu.vector_store %arg6[%swap3A_242, %swap3A_243], %max3A_241 {strides = array<i32>} : memref<328x128xf32, #tpu.memory_space<vmem>>, vector<16xf32>,
          %get3A_245 = arith.index_cast %reduce_max3A_217 : i32 to index
          %get3A_246 = arith.constant 48 : index
          %get3A_247 = tpu.vector_load %arg6[%get3A_245, %get3A_246] {strides = array<i32>} : memref<328x128xf32, #tpu.memory_space<vmem>>, vector<16xf32>,
          %get3A_248 = arith.index_cast %add3A_209 : i32 to index
          %get3A_249 = arith.constant 48 : index
          %get3A_250 = tpu.vector_load %arg11[%get3A_248, %get3A_249] {strides = array<i32>} : memref<384x128xf32, #tpu.memory_space<vmem>>, vector<16xf32>,
          %max3A_251 = arith.maximumf %get3A_247, %get3A_250 : vector<16xf32>
          %swap3A_252 = arith.index_cast %reduce_max3A_217 : i32 to index
          %swap3A_253 = arith.constant 48 : index
          %swap3A_254 = tpu.vector_load %arg6[%swap3A_252, %swap3A_253] {strides = array<i32>} : memref<328x128xf32, #tpu.memory_space<vmem>>, vector<16xf32>,
          tpu.vector_store %arg6[%swap3A_252, %swap3A_253], %max3A_251 {strides = array<i32>} : memref<328x128xf32, #tpu.memory_space<vmem>>, vector<16xf32>,
          %get3A_255 = arith.index_cast %reduce_max3A_217 : i32 to index
          %get3A_256 = arith.constant 64 : index
          %get3A_257 = tpu.vector_load %arg6[%get3A_255, %get3A_256] {strides = array<i32>} : memref<328x128xf32, #tpu.memory_space<vmem>>, vector<16xf32>,
          %get3A_258 = arith.index_cast %add3A_209 : i32 to index
          %get3A_259 = arith.constant 64 : index
          %get3A_260 = tpu.vector_load %arg11[%get3A_258, %get3A_259] {strides = array<i32>} : memref<384x128xf32, #tpu.memory_space<vmem>>, vector<16xf32>,
          %max3A_261 = arith.maximumf %get3A_257, %get3A_260 : vector<16xf32>
          %swap3A_262 = arith.index_cast %reduce_max3A_217 : i32 to index
          %swap3A_263 = arith.constant 64 : index
          %swap3A_264 = tpu.vector_load %arg6[%swap3A_262, %swap3A_263] {strides = array<i32>} : memref<328x128xf32, #tpu.memory_space<vmem>>, vector<16xf32>,
          tpu.vector_store %arg6[%swap3A_262, %swap3A_263], %max3A_261 {strides = array<i32>} : memref<328x128xf32, #tpu.memory_space<vmem>>, vector<16xf32>,
          %get3A_265 = arith.index_cast %reduce_max3A_217 : i32 to index
          %get3A_266 = arith.constant 80 : index
          %get3A_267 = tpu.vector_load %arg6[%get3A_265, %get3A_266] {strides = array<i32>} : memref<328x128xf32, #tpu.memory_space<vmem>>, vector<16xf32>,
          %get3A_268 = arith.index_cast %add3A_209 : i32 to index
          %get3A_269 = arith.constant 80 : index
          %get3A_270 = tpu.vector_load %arg11[%get3A_268, %get3A_269] {strides = array<i32>} : memref<384x128xf32, #tpu.memory_space<vmem>>, vector<16xf32>,
          %max3A_271 = arith.maximumf %get3A_267, %get3A_270 : vector<16xf32>
          %swap3A_272 = arith.index_cast %reduce_max3A_217 : i32 to index
          %swap3A_273 = arith.constant 80 : index
          %swap3A_274 = tpu.vector_load %arg6[%swap3A_272, %swap3A_273] {strides = array<i32>} : memref<328x128xf32, #tpu.memory_space<vmem>>, vector<16xf32>,
          tpu.vector_store %arg6[%swap3A_272, %swap3A_273], %max3A_271 {strides = array<i32>} : memref<328x128xf32, #tpu.memory_space<vmem>>, vector<16xf32>,
          %get3A_275 = arith.index_cast %reduce_max3A_217 : i32 to index
          %get3A_276 = arith.constant 96 : index
          %get3A_277 = tpu.vector_load %arg6[%get3A_275, %get3A_276] {strides = array<i32>} : memref<328x128xf32, #tpu.memory_space<vmem>>, vector<16xf32>,
          %get3A_278 = arith.index_cast %add3A_209 : i32 to index
          %get3A_279 = arith.constant 96 : index
          %get3A_280 = tpu.vector_load %arg11[%get3A_278, %get3A_279] {strides = array<i32>} : memref<384x128xf32, #tpu.memory_space<vmem>>, vector<16xf32>,
          %max3A_281 = arith.maximumf %get3A_277, %get3A_280 : vector<16xf32>
          %swap3A_282 = arith.index_cast %reduce_max3A_217 : i32 to index
          %swap3A_283 = arith.constant 96 : index
          %swap3A_284 = tpu.vector_load %arg6[%swap3A_282, %swap3A_283] {strides = array<i32>} : memref<328x128xf32, #tpu.memory_space<vmem>>, vector<16xf32>,
          tpu.vector_store %arg6[%swap3A_282, %swap3A_283], %max3A_281 {strides = array<i32>} : memref<328x128xf32, #tpu.memory_space<vmem>>, vector<16xf32>,
          %get3A_285 = arith.index_cast %reduce_max3A_217 : i32 to index
          %get3A_286 = arith.constant 112 : index
          %get3A_287 = tpu.vector_load %arg6[%get3A_285, %get3A_286] {strides = array<i32>} : memref<328x128xf32, #tpu.memory_space<vmem>>, vector<16xf32>,
          %get3A_288 = arith.index_cast %add3A_209 : i32 to index
          %get3A_289 = arith.constant 112 : index
          %get3A_290 = tpu.vector_load %arg11[%get3A_288, %get3A_289] {strides = array<i32>} : memref<384x128xf32, #tpu.memory_space<vmem>>, vector<16xf32>,
          %max3A_291 = arith.maximumf %get3A_287, %get3A_290 : vector<16xf32>
          %swap3A_292 = arith.index_cast %reduce_max3A_217 : i32 to index
          %swap3A_293 = arith.constant 112 : index
          %swap3A_294 = tpu.vector_load %arg6[%swap3A_292, %swap3A_293] {strides = array<i32>} : memref<328x128xf32, #tpu.memory_space<vmem>>, vector<16xf32>,
          tpu.vector_store %arg6[%swap3A_292, %swap3A_293], %max3A_291 {strides = array<i32>} : memref<328x128xf32, #tpu.memory_space<vmem>>, vector<16xf32>,
          %while3A_295 = arith.constant 0 : i32
          scf.yield %while3A_295 : i32
        }
        %while3A_203 = arith.constant 0 : i32
        scf.yield %while3A_203 : i32
      }
      "tpu.trace_stop"() : () -> ()
      %scan3A_164 = arith.constant 0 : i32
      scf.yield %scan3A_164 : i32
    }
    %scan3A_56 = arith.constant 50 : i32
    "tpu.region"() ({
      %run_scoped3A = tpu.sem_alloc : memref<!tpu.dma_semaphore, #tpu.memory_space<semaphore_mem>>
      %dma_start3A_57 = arith.constant 0 : i32
      %dma_start3A_58 = arith.constant 0 : i32
      %dma_start3A_59 = tpu.memref_slice %arg6[%dma_start3A_57, %dma_start3A_58] : memref<328x128xf32, #tpu.memory_space<vmem>> -> memref<320x128xf32, #tpu.memory_space<vmem>>
      %dma_start3A_60 = arith.constant 0 : i32
      %dma_start3A_61 = tpu.memref_slice %arg5[%mul3A_2, %dma_start3A_60] : memref<10240x128xf32, #tpu.memory_space<hbm>> -> memref<320x128xf32, #tpu.memory_space<hbm>>
      %dma_start3A_62 = arith.constant 0 : i32
      %dma_start3A_63 = tpu.memref_slice %arg5[%mul3A_2, %dma_start3A_62] : memref<10240x128xf32, #tpu.memory_space<hbm>> -> memref<320x128xf32, #tpu.memory_space<hbm>>
      %dma_start3A_64 = arith.constant 0 : i32
      %dma_start3A_65 = arith.constant 0 : i32
      %dma_start3A_66 = tpu.memref_slice %arg6[%dma_start3A_64, %dma_start3A_65] : memref<328x128xf32, #tpu.memory_space<vmem>> -> memref<320x128xf32, #tpu.memory_space<vmem>>
      tpu.enqueue_dma source(%dma_start3A_66 : memref<320x128xf32, #tpu.memory_space<vmem>>) target(%dma_start3A_63 : memref<320x128xf32, #tpu.memory_space<hbm>>) target_semaphore(%run_scoped3A : memref<!tpu.dma_semaphore, #tpu.memory_space<semaphore_mem>>)
      %dma_wait3A = arith.constant 0 : i32
      %dma_wait3A_67 = arith.constant 0 : i32
      %dma_wait3A_68 = tpu.memref_slice %arg6[%dma_wait3A, %dma_wait3A_67] : memref<328x128xf32, #tpu.memory_space<vmem>> -> memref<320x128xf32, #tpu.memory_space<vmem>>
      %dma_wait3A_69 = arith.constant 0 : i32
      %dma_wait3A_70 = tpu.memref_slice %arg5[%mul3A_2, %dma_wait3A_69] : memref<10240x128xf32, #tpu.memory_space<hbm>> -> memref<320x128xf32, #tpu.memory_space<hbm>>
      %dma_wait3A_71 = arith.constant 0 : i32
      %dma_wait3A_72 = tpu.memref_slice %arg5[%mul3A_2, %dma_wait3A_71] : memref<10240x128xf32, #tpu.memory_space<hbm>> -> memref<320x128xf32, #tpu.memory_space<hbm>>
      %dma_wait3A_73 = arith.constant 0 : i32
      %dma_wait3A_74 = arith.constant 0 : i32
      %dma_wait3A_75 = tpu.memref_slice %arg6[%dma_wait3A_73, %dma_wait3A_74] : memref<328x128xf32, #tpu.memory_space<vmem>> -> memref<320x128xf32, #tpu.memory_space<vmem>>
      tpu.wait_dma2 semaphore(%run_scoped3A : memref<!tpu.dma_semaphore, #tpu.memory_space<semaphore_mem>>) src(%dma_wait3A_75 : memref<320x128xf32, #tpu.memory_space<vmem>>) dst(%dma_wait3A_72 : memref<320x128xf32, #tpu.memory_space<hbm>>)
      tpu.yield
    }) : () -> ()
    return
  }
}

#map = affine_map<(d0, d1) -> (0, 0)>
module attributes {stable_mosaic.version = 14 : i64} {
  func.func @_score_body(%arg0: i32, %arg1: i32, %arg2: memref<10000x128xf32, #tpu.memory_space<hbm>>, %arg3: memref<1x320000xi32, #tpu.memory_space<hbm>>, %arg4: memref<1x320000xi32, #tpu.memory_space<hbm>>, %arg5: memref<320000x128xf32, #tpu.memory_space<hbm>>, %arg6: memref<128x128xf32, #tpu.memory_space<vmem>>, %arg7: memref<2x!tpu.dma_semaphore, #tpu.memory_space<semaphore_mem>>) attributes {dimension_semantics = [#tpu.dimension_semantics<core_parallel>, #tpu.dimension_semantics<subcore_parallel>], iteration_bounds = array<i64: 2, 16>, scalar_prefetch = 0 : i64, scratch_operands = 2 : i64, tpu.core_type = #tpu.core_type<sc_vector_subcore>, window_params = [{transform_indices = #map}, {transform_indices = #map}, {transform_indices = #map}, {transform_indices = #map}]} {
    %mul3A = arith.constant 1 : i32
    %mul3A_0 = arith.muli %arg1, %mul3A : i32
    %add3A = arith.constant 0 : i32
    %add3A_1 = arith.addi %add3A, %mul3A_0 : i32
    %mul3A_2 = arith.constant 16 : i32
    %mul3A_3 = arith.muli %arg0, %mul3A_2 : i32
    %add3A_4 = arith.addi %add3A_1, %mul3A_3 : i32
    %lt3A = arith.constant 4 : i32
    %lt3A_5 = arith.cmpi slt, %add3A_4, %lt3A : i32
    %jit3A = arith.constant 79 : i32
    %jit3A_6 = arith.constant 78 : i32
    %select_n3A = arith.select %lt3A_5, %jit3A, %jit3A_6 : i32
    %lt3A_7 = arith.constant 4 : i32
    %lt3A_8 = arith.cmpi slt, %add3A_4, %lt3A_7 : i32
    %mul3A_9 = arith.muli %add3A_4, %select_n3A : i32
    %mul3A_10 = arith.constant 78 : i32
    %mul3A_11 = arith.muli %add3A_4, %mul3A_10 : i32
    %add3A_12 = arith.constant 4 : i32
    %add3A_13 = arith.addi %mul3A_11, %add3A_12 : i32
    %select_n3A_14 = arith.select %lt3A_8, %mul3A_9, %add3A_13 : i32
    %mul3A_15 = arith.constant 1 : i32
    %mul3A_16 = arith.muli %mul3A_15, %select_n3A : i32
    "tpu.region"() ({
      %run_scoped3A = memref.alloca() : memref<2x1x128xi32, #tpu.memory_space<vmem>>
      %run_scoped3A_17 = tpu.sem_alloc : memref<2x!tpu.dma_semaphore, #tpu.memory_space<semaphore_mem>>
      %run_scoped3A_18 = memref.alloca() : memref<2x1x128xi32, #tpu.memory_space<vmem>>
      %run_scoped3A_19 = tpu.sem_alloc : memref<2x!tpu.dma_semaphore, #tpu.memory_space<semaphore_mem>>
      %run_scoped3A_20 = memref.alloca() : memref<2x128x128xf32, #tpu.memory_space<vmem>>
      %run_scoped3A_21 = tpu.sem_alloc : memref<2x!tpu.dma_semaphore, #tpu.memory_space<semaphore_mem>>
      %gt3A = arith.constant 0 : i32
      %gt3A_22 = arith.cmpi sgt, %mul3A_16, %gt3A : i32
      %convert_element_type3A = arith.extui %gt3A_22 : i1 to i32
      %cond3A = arith.constant 0 : i32
      %cond3A_23 = arith.cmpi ne, %convert_element_type3A, %cond3A : i32
      scf.if %cond3A_23 {
        %mul3A_24 = arith.constant 1 : i32
        %mul3A_25 = arith.muli %mul3A_24, %select_n3A : i32
        %sub3A = arith.constant 1 : i32
        %sub3A_26 = arith.subi %mul3A_25, %sub3A : i32
        %eq3A = arith.constant 0 : i32
        %eq3A_27 = arith.cmpi eq, %sub3A_26, %eq3A : i32
        %add3A_28 = arith.constant 0 : i32
        %add3A_29 = arith.addi %add3A_28, %select_n3A_14 : i32
        %select_n3A_30 = arith.constant true
        %select_n3A_31 = arith.constant 0 : i32
        %select_n3A_32 = arith.constant -1 : i32
        %select_n3A_33 = arith.select %select_n3A_30, %select_n3A_32, %select_n3A_31 : i32
        %eq3A_34 = arith.constant -1 : i32
        %eq3A_35 = arith.cmpi eq, %select_n3A_33, %eq3A_34 : i32
        %sub3A_36 = arith.constant 1 : i32
        %sub3A_37 = arith.subi %select_n3A, %sub3A_36 : i32
        %select_n3A_38 = arith.select %eq3A_35, %sub3A_37, %select_n3A_33 : i32
        %add3A_39 = arith.addi %select_n3A_38, %select_n3A_14 : i32
        %select_n3A_40 = arith.constant true
        %select_n3A_41 = arith.constant 0 : i32
        %select_n3A_42 = arith.constant 1 : i32
        %select_n3A_43 = arith.select %select_n3A_40, %select_n3A_42, %select_n3A_41 : i32
        %eq3A_44 = arith.cmpi eq, %select_n3A_43, %select_n3A : i32
        %select_n3A_45 = arith.constant 0 : i32
        %select_n3A_46 = arith.select %eq3A_44, %select_n3A_45, %select_n3A_43 : i32
        %add3A_47 = arith.addi %select_n3A_46, %select_n3A_14 : i32
        %add3A_48 = arith.constant 1 : i32
        %add3A_49 = arith.addi %select_n3A_46, %add3A_48 : i32
        %select_n3A_50 = arith.constant true
        %select_n3A_51 = arith.select %select_n3A_50, %add3A_49, %select_n3A_46 : i32
        %eq3A_52 = arith.cmpi eq, %select_n3A_51, %select_n3A : i32
        %select_n3A_53 = arith.constant 0 : i32
        %select_n3A_54 = arith.select %eq3A_52, %select_n3A_53, %select_n3A_51 : i32
        %add3A_55 = arith.addi %select_n3A_54, %select_n3A_14 : i32
        "tpu.trace_start"() <{level = 10 : i32, message = "ep_initialize_0"}> : () -> ()
        %rem3A = arith.constant 0 : i32
        %rem3A_56 = arith.constant 2 : i32
        %rem3A_57 = arith.remui %rem3A, %rem3A_56 : i32
        %mul3A_58 = arith.constant 128 : i32
        %mul3A_59 = arith.muli %mul3A_58, %add3A_29 : i32
        %dma_start3A = arith.constant 0 : i32
        %dma_start3A_60 = arith.constant 0 : i32
        %dma_start3A_61 = tpu.memref_slice %run_scoped3A[%rem3A_57, %dma_start3A, %dma_start3A_60] : memref<2x1x128xi32, #tpu.memory_space<vmem>> -> memref<1x1x128xi32, #tpu.memory_space<vmem>>
        %dma_start3A_62 = tpu.memref_squeeze %dma_start3A_61 : memref<1x1x128xi32, #tpu.memory_space<vmem>> -> memref<1x128xi32, #tpu.memory_space<vmem>>
        %dma_start3A_63 = arith.constant 0 : i32
        %dma_start3A_64 = tpu.memref_slice %arg3[%dma_start3A_63, %mul3A_59] : memref<1x320000xi32, #tpu.memory_space<hbm>> -> memref<1x128xi32, #tpu.memory_space<hbm>>
        %dma_start3A_65 = tpu.memref_slice %run_scoped3A_17[%rem3A_57] : memref<2x!tpu.dma_semaphore, #tpu.memory_space<semaphore_mem>> -> memref<1x!tpu.dma_semaphore, #tpu.memory_space<semaphore_mem>>
        %dma_start3A_66 = tpu.memref_squeeze %dma_start3A_65 : memref<1x!tpu.dma_semaphore, #tpu.memory_space<semaphore_mem>> -> memref<!tpu.dma_semaphore, #tpu.memory_space<semaphore_mem>>
        %dma_start3A_67 = arith.constant 0 : i32
        %dma_start3A_68 = arith.constant 0 : i32
        %dma_start3A_69 = tpu.memref_slice %run_scoped3A[%rem3A_57, %dma_start3A_67, %dma_start3A_68] : memref<2x1x128xi32, #tpu.memory_space<vmem>> -> memref<1x1x128xi32, #tpu.memory_space<vmem>>
        %dma_start3A_70 = tpu.memref_squeeze %dma_start3A_69 : memref<1x1x128xi32, #tpu.memory_space<vmem>> -> memref<1x128xi32, #tpu.memory_space<vmem>>
        %dma_start3A_71 = arith.constant 0 : i32
        %dma_start3A_72 = tpu.memref_slice %arg3[%dma_start3A_71, %mul3A_59] : memref<1x320000xi32, #tpu.memory_space<hbm>> -> memref<1x128xi32, #tpu.memory_space<hbm>>
        tpu.enqueue_dma source(%dma_start3A_72 : memref<1x128xi32, #tpu.memory_space<hbm>>) target(%dma_start3A_70 : memref<1x128xi32, #tpu.memory_space<vmem>>) target_semaphore(%dma_start3A_66 : memref<!tpu.dma_semaphore, #tpu.memory_space<semaphore_mem>>)
        %add3A_73 = arith.constant 0 : i32
        %add3A_74 = arith.constant 1 : i32
        %add3A_75 = arith.addi %add3A_73, %add3A_74 : i32
        %select_n3A_76 = arith.constant true
        %select_n3A_77 = arith.constant 0 : i32
        %select_n3A_78 = arith.select %select_n3A_76, %add3A_75, %select_n3A_77 : i32
        %rem3A_79 = arith.constant 0 : i32
        %rem3A_80 = arith.constant 2 : i32
        %rem3A_81 = arith.remui %rem3A_79, %rem3A_80 : i32
        %mul3A_82 = arith.constant 128 : i32
        %mul3A_83 = arith.muli %mul3A_82, %add3A_29 : i32
        %dma_start3A_84 = arith.constant 0 : i32
        %dma_start3A_85 = arith.constant 0 : i32
        %dma_start3A_86 = tpu.memref_slice %run_scoped3A_18[%rem3A_81, %dma_start3A_84, %dma_start3A_85] : memref<2x1x128xi32, #tpu.memory_space<vmem>> -> memref<1x1x128xi32, #tpu.memory_space<vmem>>
        %dma_start3A_87 = tpu.memref_squeeze %dma_start3A_86 : memref<1x1x128xi32, #tpu.memory_space<vmem>> -> memref<1x128xi32, #tpu.memory_space<vmem>>
        %dma_start3A_88 = arith.constant 0 : i32
        %dma_start3A_89 = tpu.memref_slice %arg4[%dma_start3A_88, %mul3A_83] : memref<1x320000xi32, #tpu.memory_space<hbm>> -> memref<1x128xi32, #tpu.memory_space<hbm>>
        %dma_start3A_90 = tpu.memref_slice %run_scoped3A_19[%rem3A_81] : memref<2x!tpu.dma_semaphore, #tpu.memory_space<semaphore_mem>> -> memref<1x!tpu.dma_semaphore, #tpu.memory_space<semaphore_mem>>
        %dma_start3A_91 = tpu.memref_squeeze %dma_start3A_90 : memref<1x!tpu.dma_semaphore, #tpu.memory_space<semaphore_mem>> -> memref<!tpu.dma_semaphore, #tpu.memory_space<semaphore_mem>>
        %dma_start3A_92 = arith.constant 0 : i32
        %dma_start3A_93 = arith.constant 0 : i32
        %dma_start3A_94 = tpu.memref_slice %run_scoped3A_18[%rem3A_81, %dma_start3A_92, %dma_start3A_93] : memref<2x1x128xi32, #tpu.memory_space<vmem>> -> memref<1x1x128xi32, #tpu.memory_space<vmem>>
        %dma_start3A_95 = tpu.memref_squeeze %dma_start3A_94 : memref<1x1x128xi32, #tpu.memory_space<vmem>> -> memref<1x128xi32, #tpu.memory_space<vmem>>
        %dma_start3A_96 = arith.constant 0 : i32
        %dma_start3A_97 = tpu.memref_slice %arg4[%dma_start3A_96, %mul3A_83] : memref<1x320000xi32, #tpu.memory_space<hbm>> -> memref<1x128xi32, #tpu.memory_space<hbm>>
        tpu.enqueue_dma source(%dma_start3A_97 : memref<1x128xi32, #tpu.memory_space<hbm>>) target(%dma_start3A_95 : memref<1x128xi32, #tpu.memory_space<vmem>>) target_semaphore(%dma_start3A_91 : memref<!tpu.dma_semaphore, #tpu.memory_space<semaphore_mem>>)
        %add3A_98 = arith.constant 0 : i32
        %add3A_99 = arith.constant 1 : i32
        %add3A_100 = arith.addi %add3A_98, %add3A_99 : i32
        %select_n3A_101 = arith.constant true
        %select_n3A_102 = arith.constant 0 : i32
        %select_n3A_103 = arith.select %select_n3A_101, %add3A_100, %select_n3A_102 : i32
        %while3A = arith.constant 0 : i32
        %while3A_104 = arith.constant 0 : i32
        %while3A_105 = arith.constant 0 : i32
        %while3A_106 = arith.constant 0 : i32
        %while3A_107 = arith.constant 0 : i32
        %while3A_108 = arith.constant 0 : i32
        "tpu.trace_stop"() : () -> ()
        %while3A_109 = arith.subi %mul3A_16, %while3A : i32
        %while3A_110 = arith.addi %while3A, %while3A_109 : i32
        %while3A_111 = arith.constant 1 : i32
        %while3A_112 = arith.divsi %while3A_109, %while3A_111 : i32
        %while3A_113 = arith.muli %while3A_112, %while3A_111 : i32
        %while3A_114 = arith.addi %while3A, %while3A_113 : i32
        %while3A_115 = arith.constant 1 : i32
        %while3A_116:7 = scf.for %while3A_173 = %while3A to %while3A_114 step %while3A_115 iter_args(%while3A_174 = %select_n3A_78, %while3A_175 = %while3A_104, %while3A_176 = %select_n3A_103, %while3A_177 = %while3A_105, %while3A_178 = %while3A_106, %while3A_179 = %while3A_107, %while3A_180 = %while3A_108) -> (i32, i32, i32, i32, i32, i32, i32)  : i32 {
          %mul3A_181 = arith.constant 1 : i32
          %mul3A_182 = arith.muli %mul3A_181, %select_n3A : i32
          %eq3A_183 = arith.constant 0 : i32
          %eq3A_184 = arith.cmpi eq, %while3A_173, %eq3A_183 : i32
          %sub3A_185 = arith.constant 1 : i32
          %sub3A_186 = arith.subi %mul3A_182, %sub3A_185 : i32
          %eq3A_187 = arith.cmpi eq, %while3A_173, %sub3A_186 : i32
          %add3A_188 = arith.addi %while3A_180, %select_n3A_14 : i32
          %sub3A_189 = arith.constant 1 : i32
          %sub3A_190 = arith.subi %while3A_180, %sub3A_189 : i32
          %select_n3A_191 = arith.constant true
          %select_n3A_192 = arith.select %select_n3A_191, %sub3A_190, %while3A_180 : i32
          %eq3A_193 = arith.constant -1 : i32
          %eq3A_194 = arith.cmpi eq, %select_n3A_192, %eq3A_193 : i32
          %sub3A_195 = arith.constant 1 : i32
          %sub3A_196 = arith.subi %select_n3A, %sub3A_195 : i32
          %select_n3A_197 = arith.select %eq3A_194, %sub3A_196, %select_n3A_192 : i32
          %add3A_198 = arith.addi %select_n3A_197, %select_n3A_14 : i32
          %add3A_199 = arith.constant 1 : i32
          %add3A_200 = arith.addi %while3A_180, %add3A_199 : i32
          %select_n3A_201 = arith.constant true
          %select_n3A_202 = arith.select %select_n3A_201, %add3A_200, %while3A_180 : i32
          %eq3A_203 = arith.cmpi eq, %select_n3A_202, %select_n3A : i32
          %select_n3A_204 = arith.constant 0 : i32
          %select_n3A_205 = arith.select %eq3A_203, %select_n3A_204, %select_n3A_202 : i32
          %add3A_206 = arith.addi %select_n3A_205, %select_n3A_14 : i32
          %add3A_207 = arith.constant 1 : i32
          %add3A_208 = arith.addi %select_n3A_205, %add3A_207 : i32
          %select_n3A_209 = arith.constant true
          %select_n3A_210 = arith.select %select_n3A_209, %add3A_208, %select_n3A_205 : i32
          %eq3A_211 = arith.cmpi eq, %select_n3A_210, %select_n3A : i32
          %select_n3A_212 = arith.constant 0 : i32
          %select_n3A_213 = arith.select %eq3A_211, %select_n3A_212, %select_n3A_210 : i32
          %add3A_214 = arith.addi %select_n3A_213, %select_n3A_14 : i32
          %ne3A = arith.cmpi ne, %add3A_188, %add3A_206 : i32
          %or3A = arith.constant false
          %or3A_215 = arith.ori %or3A, %ne3A : i1
          %sub3A_216 = arith.constant 2 : i32
          %sub3A_217 = arith.subi %mul3A_182, %sub3A_216 : i32
          %add3A_218 = arith.constant 1 : i32
          %add3A_219 = arith.addi %sub3A_217, %add3A_218 : i32
          %ge3A = arith.cmpi sge, %while3A_173, %add3A_219 : i32
          %not3A = arith.constant true
          %not3A_220 = arith.xori %ge3A, %not3A : i1
          %and3A = arith.andi %or3A_215, %not3A_220 : i1
          %convert_element_type3A_221 = arith.extui %and3A : i1 to i32
          %cond3A_222 = arith.constant 0 : i32
          %cond3A_223 = arith.cmpi ne, %convert_element_type3A_221, %cond3A_222 : i32
          scf.if %cond3A_223 {
            "tpu.trace_start"() <{level = 10 : i32, message = "ep_copy_in"}> : () -> ()
            %rem3A_448 = arith.constant 2 : i32
            %rem3A_449 = arith.remui %while3A_174, %rem3A_448 : i32
            %mul3A_450 = arith.constant 128 : i32
            %mul3A_451 = arith.muli %mul3A_450, %add3A_206 : i32
            %dma_start3A_452 = arith.constant 0 : i32
            %dma_start3A_453 = arith.constant 0 : i32
            %dma_start3A_454 = tpu.memref_slice %run_scoped3A[%rem3A_449, %dma_start3A_452, %dma_start3A_453] : memref<2x1x128xi32, #tpu.memory_space<vmem>> -> memref<1x1x128xi32, #tpu.memory_space<vmem>>
            %dma_start3A_455 = tpu.memref_squeeze %dma_start3A_454 : memref<1x1x128xi32, #tpu.memory_space<vmem>> -> memref<1x128xi32, #tpu.memory_space<vmem>>
            %dma_start3A_456 = arith.constant 0 : i32
            %dma_start3A_457 = tpu.memref_slice %arg3[%dma_start3A_456, %mul3A_451] : memref<1x320000xi32, #tpu.memory_space<hbm>> -> memref<1x128xi32, #tpu.memory_space<hbm>>
            %dma_start3A_458 = tpu.memref_slice %run_scoped3A_17[%rem3A_449] : memref<2x!tpu.dma_semaphore, #tpu.memory_space<semaphore_mem>> -> memref<1x!tpu.dma_semaphore, #tpu.memory_space<semaphore_mem>>
            %dma_start3A_459 = tpu.memref_squeeze %dma_start3A_458 : memref<1x!tpu.dma_semaphore, #tpu.memory_space<semaphore_mem>> -> memref<!tpu.dma_semaphore, #tpu.memory_space<semaphore_mem>>
            %dma_start3A_460 = arith.constant 0 : i32
            %dma_start3A_461 = arith.constant 0 : i32
            %dma_start3A_462 = tpu.memref_slice %run_scoped3A[%rem3A_449, %dma_start3A_460, %dma_start3A_461] : memref<2x1x128xi32, #tpu.memory_space<vmem>> -> memref<1x1x128xi32, #tpu.memory_space<vmem>>
            %dma_start3A_463 = tpu.memref_squeeze %dma_start3A_462 : memref<1x1x128xi32, #tpu.memory_space<vmem>> -> memref<1x128xi32, #tpu.memory_space<vmem>>
            %dma_start3A_464 = arith.constant 0 : i32
            %dma_start3A_465 = tpu.memref_slice %arg3[%dma_start3A_464, %mul3A_451] : memref<1x320000xi32, #tpu.memory_space<hbm>> -> memref<1x128xi32, #tpu.memory_space<hbm>>
            tpu.enqueue_dma source(%dma_start3A_465 : memref<1x128xi32, #tpu.memory_space<hbm>>) target(%dma_start3A_463 : memref<1x128xi32, #tpu.memory_space<vmem>>) target_semaphore(%dma_start3A_459 : memref<!tpu.dma_semaphore, #tpu.memory_space<semaphore_mem>>)
            "tpu.trace_stop"() : () -> ()
          } else {
          }
          %and3A_224 = arith.constant true
          %and3A_225 = arith.andi %and3A, %and3A_224 : i1
          %add3A_226 = arith.constant 1 : i32
          %add3A_227 = arith.addi %while3A_174, %add3A_226 : i32
          %select_n3A_228 = arith.select %and3A_225, %add3A_227, %while3A_174 : i32
          %ne3A_229 = arith.cmpi ne, %add3A_188, %add3A_206 : i32
          %or3A_230 = arith.constant false
          %or3A_231 = arith.ori %or3A_230, %ne3A_229 : i1
          %sub3A_232 = arith.constant 2 : i32
          %sub3A_233 = arith.subi %mul3A_182, %sub3A_232 : i32
          %add3A_234 = arith.constant 1 : i32
          %add3A_235 = arith.addi %sub3A_233, %add3A_234 : i32
          %ge3A_236 = arith.cmpi sge, %while3A_173, %add3A_235 : i32
          %not3A_237 = arith.constant true
          %not3A_238 = arith.xori %ge3A_236, %not3A_237 : i1
          %and3A_239 = arith.andi %or3A_231, %not3A_238 : i1
          %convert_element_type3A_240 = arith.extui %and3A_239 : i1 to i32
          %cond3A_241 = arith.constant 0 : i32
          %cond3A_242 = arith.cmpi ne, %convert_element_type3A_240, %cond3A_241 : i32
          scf.if %cond3A_242 {
            "tpu.trace_start"() <{level = 10 : i32, message = "ep_copy_in"}> : () -> ()
            %rem3A_448 = arith.constant 2 : i32
            %rem3A_449 = arith.remui %while3A_176, %rem3A_448 : i32
            %mul3A_450 = arith.constant 128 : i32
            %mul3A_451 = arith.muli %mul3A_450, %add3A_206 : i32
            %dma_start3A_452 = arith.constant 0 : i32
            %dma_start3A_453 = arith.constant 0 : i32
            %dma_start3A_454 = tpu.memref_slice %run_scoped3A_18[%rem3A_449, %dma_start3A_452, %dma_start3A_453] : memref<2x1x128xi32, #tpu.memory_space<vmem>> -> memref<1x1x128xi32, #tpu.memory_space<vmem>>
            %dma_start3A_455 = tpu.memref_squeeze %dma_start3A_454 : memref<1x1x128xi32, #tpu.memory_space<vmem>> -> memref<1x128xi32, #tpu.memory_space<vmem>>
            %dma_start3A_456 = arith.constant 0 : i32
            %dma_start3A_457 = tpu.memref_slice %arg4[%dma_start3A_456, %mul3A_451] : memref<1x320000xi32, #tpu.memory_space<hbm>> -> memref<1x128xi32, #tpu.memory_space<hbm>>
            %dma_start3A_458 = tpu.memref_slice %run_scoped3A_19[%rem3A_449] : memref<2x!tpu.dma_semaphore, #tpu.memory_space<semaphore_mem>> -> memref<1x!tpu.dma_semaphore, #tpu.memory_space<semaphore_mem>>
            %dma_start3A_459 = tpu.memref_squeeze %dma_start3A_458 : memref<1x!tpu.dma_semaphore, #tpu.memory_space<semaphore_mem>> -> memref<!tpu.dma_semaphore, #tpu.memory_space<semaphore_mem>>
            %dma_start3A_460 = arith.constant 0 : i32
            %dma_start3A_461 = arith.constant 0 : i32
            %dma_start3A_462 = tpu.memref_slice %run_scoped3A_18[%rem3A_449, %dma_start3A_460, %dma_start3A_461] : memref<2x1x128xi32, #tpu.memory_space<vmem>> -> memref<1x1x128xi32, #tpu.memory_space<vmem>>
            %dma_start3A_463 = tpu.memref_squeeze %dma_start3A_462 : memref<1x1x128xi32, #tpu.memory_space<vmem>> -> memref<1x128xi32, #tpu.memory_space<vmem>>
            %dma_start3A_464 = arith.constant 0 : i32
            %dma_start3A_465 = tpu.memref_slice %arg4[%dma_start3A_464, %mul3A_451] : memref<1x320000xi32, #tpu.memory_space<hbm>> -> memref<1x128xi32, #tpu.memory_space<hbm>>
            tpu.enqueue_dma source(%dma_start3A_465 : memref<1x128xi32, #tpu.memory_space<hbm>>) target(%dma_start3A_463 : memref<1x128xi32, #tpu.memory_space<vmem>>) target_semaphore(%dma_start3A_459 : memref<!tpu.dma_semaphore, #tpu.memory_space<semaphore_mem>>)
            "tpu.trace_stop"() : () -> ()
          } else {
          }
          %and3A_243 = arith.constant true
          %and3A_244 = arith.andi %and3A_239, %and3A_243 : i1
          %add3A_245 = arith.constant 1 : i32
          %add3A_246 = arith.addi %while3A_176, %add3A_245 : i32
          %select_n3A_247 = arith.select %and3A_244, %add3A_246, %while3A_176 : i32
          %ne3A_248 = arith.cmpi ne, %add3A_188, %add3A_206 : i32
          %or3A_249 = arith.constant false
          %or3A_250 = arith.ori %or3A_249, %ne3A_248 : i1
          %or3A_251 = arith.constant false
          %or3A_252 = arith.ori %or3A_250, %or3A_251 : i1
          %sub3A_253 = arith.constant 2 : i32
          %sub3A_254 = arith.subi %mul3A_182, %sub3A_253 : i32
          %add3A_255 = arith.constant 1 : i32
          %add3A_256 = arith.addi %sub3A_254, %add3A_255 : i32
          %ge3A_257 = arith.cmpi sge, %while3A_173, %add3A_256 : i32
          %not3A_258 = arith.constant true
          %not3A_259 = arith.xori %ge3A_257, %not3A_258 : i1
          %and3A_260 = arith.andi %or3A_252, %not3A_259 : i1
          %ne3A_261 = arith.cmpi ne, %add3A_188, %add3A_198 : i32
          %or3A_262 = arith.constant false
          %or3A_263 = arith.ori %or3A_262, %ne3A_261 : i1
          %or3A_264 = arith.ori %or3A_263, %eq3A_184 : i1
          %convert_element_type3A_265 = arith.extui %or3A_264 : i1 to i32
          %cond3A_266 = arith.constant 0 : i32
          %cond3A_267 = arith.cmpi ne, %convert_element_type3A_265, %cond3A_266 : i32
          scf.if %cond3A_267 {
            "tpu.trace_start"() <{level = 10 : i32, message = "ep_wait_in"}> : () -> ()
            %mul3A_448 = arith.constant 128 : i32
            %mul3A_449 = arith.muli %mul3A_448, %add3A_188 : i32
            %rem3A_450 = arith.constant 2 : i32
            %rem3A_451 = arith.remui %while3A_175, %rem3A_450 : i32
            %dma_wait3A_452 = arith.constant 0 : i32
            %dma_wait3A_453 = arith.constant 0 : i32
            %dma_wait3A_454 = tpu.memref_slice %run_scoped3A[%rem3A_451, %dma_wait3A_452, %dma_wait3A_453] : memref<2x1x128xi32, #tpu.memory_space<vmem>> -> memref<1x1x128xi32, #tpu.memory_space<vmem>>
            %dma_wait3A_455 = tpu.memref_squeeze %dma_wait3A_454 : memref<1x1x128xi32, #tpu.memory_space<vmem>> -> memref<1x128xi32, #tpu.memory_space<vmem>>
            %dma_wait3A_456 = arith.constant 0 : i32
            %dma_wait3A_457 = tpu.memref_slice %arg3[%dma_wait3A_456, %mul3A_449] : memref<1x320000xi32, #tpu.memory_space<hbm>> -> memref<1x128xi32, #tpu.memory_space<hbm>>
            %dma_wait3A_458 = tpu.memref_slice %run_scoped3A_17[%rem3A_451] : memref<2x!tpu.dma_semaphore, #tpu.memory_space<semaphore_mem>> -> memref<1x!tpu.dma_semaphore, #tpu.memory_space<semaphore_mem>>
            %dma_wait3A_459 = tpu.memref_squeeze %dma_wait3A_458 : memref<1x!tpu.dma_semaphore, #tpu.memory_space<semaphore_mem>> -> memref<!tpu.dma_semaphore, #tpu.memory_space<semaphore_mem>>
            %dma_wait3A_460 = arith.constant 0 : i32
            %dma_wait3A_461 = arith.constant 0 : i32
            %dma_wait3A_462 = tpu.memref_slice %run_scoped3A[%rem3A_451, %dma_wait3A_460, %dma_wait3A_461] : memref<2x1x128xi32, #tpu.memory_space<vmem>> -> memref<1x1x128xi32, #tpu.memory_space<vmem>>
            %dma_wait3A_463 = tpu.memref_squeeze %dma_wait3A_462 : memref<1x1x128xi32, #tpu.memory_space<vmem>> -> memref<1x128xi32, #tpu.memory_space<vmem>>
            %dma_wait3A_464 = arith.constant 0 : i32
            %dma_wait3A_465 = tpu.memref_slice %arg3[%dma_wait3A_464, %mul3A_449] : memref<1x320000xi32, #tpu.memory_space<hbm>> -> memref<1x128xi32, #tpu.memory_space<hbm>>
            tpu.wait_dma2 semaphore(%dma_wait3A_459 : memref<!tpu.dma_semaphore, #tpu.memory_space<semaphore_mem>>) src(%dma_wait3A_465 : memref<1x128xi32, #tpu.memory_space<hbm>>) dst(%dma_wait3A_463 : memref<1x128xi32, #tpu.memory_space<vmem>>)
            "tpu.trace_stop"() : () -> ()
          } else {
          }
          %ne3A_268 = arith.cmpi ne, %add3A_188, %add3A_198 : i32
          %or3A_269 = arith.constant false
          %or3A_270 = arith.ori %or3A_269, %ne3A_268 : i1
          %or3A_271 = arith.ori %or3A_270, %eq3A_184 : i1
          %convert_element_type3A_272 = arith.extui %or3A_271 : i1 to i32
          %cond3A_273 = arith.constant 0 : i32
          %cond3A_274 = arith.cmpi ne, %convert_element_type3A_272, %cond3A_273 : i32
          scf.if %cond3A_274 {
            "tpu.trace_start"() <{level = 10 : i32, message = "ep_wait_in"}> : () -> ()
            %mul3A_448 = arith.constant 128 : i32
            %mul3A_449 = arith.muli %mul3A_448, %add3A_188 : i32
            %rem3A_450 = arith.constant 2 : i32
            %rem3A_451 = arith.remui %while3A_177, %rem3A_450 : i32
            %dma_wait3A_452 = arith.constant 0 : i32
            %dma_wait3A_453 = arith.constant 0 : i32
            %dma_wait3A_454 = tpu.memref_slice %run_scoped3A_18[%rem3A_451, %dma_wait3A_452, %dma_wait3A_453] : memref<2x1x128xi32, #tpu.memory_space<vmem>> -> memref<1x1x128xi32, #tpu.memory_space<vmem>>
            %dma_wait3A_455 = tpu.memref_squeeze %dma_wait3A_454 : memref<1x1x128xi32, #tpu.memory_space<vmem>> -> memref<1x128xi32, #tpu.memory_space<vmem>>
            %dma_wait3A_456 = arith.constant 0 : i32
            %dma_wait3A_457 = tpu.memref_slice %arg4[%dma_wait3A_456, %mul3A_449] : memref<1x320000xi32, #tpu.memory_space<hbm>> -> memref<1x128xi32, #tpu.memory_space<hbm>>
            %dma_wait3A_458 = tpu.memref_slice %run_scoped3A_19[%rem3A_451] : memref<2x!tpu.dma_semaphore, #tpu.memory_space<semaphore_mem>> -> memref<1x!tpu.dma_semaphore, #tpu.memory_space<semaphore_mem>>
            %dma_wait3A_459 = tpu.memref_squeeze %dma_wait3A_458 : memref<1x!tpu.dma_semaphore, #tpu.memory_space<semaphore_mem>> -> memref<!tpu.dma_semaphore, #tpu.memory_space<semaphore_mem>>
            %dma_wait3A_460 = arith.constant 0 : i32
            %dma_wait3A_461 = arith.constant 0 : i32
            %dma_wait3A_462 = tpu.memref_slice %run_scoped3A_18[%rem3A_451, %dma_wait3A_460, %dma_wait3A_461] : memref<2x1x128xi32, #tpu.memory_space<vmem>> -> memref<1x1x128xi32, #tpu.memory_space<vmem>>
            %dma_wait3A_463 = tpu.memref_squeeze %dma_wait3A_462 : memref<1x1x128xi32, #tpu.memory_space<vmem>> -> memref<1x128xi32, #tpu.memory_space<vmem>>
            %dma_wait3A_464 = arith.constant 0 : i32
            %dma_wait3A_465 = tpu.memref_slice %arg4[%dma_wait3A_464, %mul3A_449] : memref<1x320000xi32, #tpu.memory_space<hbm>> -> memref<1x128xi32, #tpu.memory_space<hbm>>
            tpu.wait_dma2 semaphore(%dma_wait3A_459 : memref<!tpu.dma_semaphore, #tpu.memory_space<semaphore_mem>>) src(%dma_wait3A_465 : memref<1x128xi32, #tpu.memory_space<hbm>>) dst(%dma_wait3A_463 : memref<1x128xi32, #tpu.memory_space<vmem>>)
            "tpu.trace_stop"() : () -> ()
          } else {
          }
          %ne3A_275 = arith.cmpi ne, %add3A_188, %add3A_198 : i32
          %or3A_276 = arith.constant false
          %or3A_277 = arith.ori %or3A_276, %ne3A_275 : i1
          %or3A_278 = arith.constant false
          %or3A_279 = arith.ori %or3A_277, %or3A_278 : i1
          %or3A_280 = arith.ori %or3A_279, %eq3A_184 : i1
          %convert_element_type3A_281 = arith.extui %or3A_280 : i1 to i32
          %cond3A_282 = arith.constant 0 : i32
          %cond3A_283 = arith.cmpi ne, %convert_element_type3A_281, %cond3A_282 : i32
          scf.if %cond3A_283 {
          } else {
          }
          %rem3A_284 = arith.constant 2 : i32
          %rem3A_285 = arith.remui %while3A_175, %rem3A_284 : i32
          %rem3A_286 = arith.constant 2 : i32
          %rem3A_287 = arith.remui %while3A_177, %rem3A_286 : i32
          %rem3A_288 = arith.constant 2 : i32
          %rem3A_289 = arith.remui %while3A_178, %rem3A_288 : i32
          %dma_start3A_290 = arith.constant 0 : i32
          %dma_start3A_291 = arith.constant 0 : i32
          "tpu.trace_start"() <{level = 10 : i32, message = "ep_run_kernel"}> : () -> ()
          %dma_start3A_292 = arith.constant 0 : i32
          %dma_start3A_293 = arith.constant 0 : i32
          %dma_start3A_294 = tpu.memref_slice %run_scoped3A[%rem3A_285, %dma_start3A_292, %dma_start3A_293] : memref<2x1x128xi32, #tpu.memory_space<vmem>> -> memref<1x1x128xi32, #tpu.memory_space<vmem>>
          %dma_start3A_295 = tpu.memref_squeeze %dma_start3A_294 : memref<1x1x128xi32, #tpu.memory_space<vmem>> -> memref<1x128xi32, #tpu.memory_space<vmem>>
          %dma_start3A_296 = arith.constant 0 : i32
          %dma_start3A_297 = tpu.memref_slice %dma_start3A_295[%dma_start3A_290, %dma_start3A_296] : memref<1x128xi32, #tpu.memory_space<vmem>> -> memref<1x128xi32, #tpu.memory_space<vmem>>
          %dma_start3A_298 = tpu.memref_squeeze %dma_start3A_297 : memref<1x128xi32, #tpu.memory_space<vmem>> -> memref<128xi32, #tpu.memory_space<vmem>>
          %dma_start3A_299 = arith.constant 0 : i32
          %dma_start3A_300 = arith.constant 0 : i32
          %dma_start3A_301 = tpu.memref_slice %arg2[%dma_start3A_299, %dma_start3A_300] : memref<10000x128xf32, #tpu.memory_space<hbm>> -> memref<10000x128xf32, #tpu.memory_space<hbm>>
          %dma_start3A_302 = tpu.memref_slice %arg7[%dma_start3A_291] : memref<2x!tpu.dma_semaphore, #tpu.memory_space<semaphore_mem>> -> memref<1x!tpu.dma_semaphore, #tpu.memory_space<semaphore_mem>>
          %dma_start3A_303 = tpu.memref_squeeze %dma_start3A_302 : memref<1x!tpu.dma_semaphore, #tpu.memory_space<semaphore_mem>> -> memref<!tpu.dma_semaphore, #tpu.memory_space<semaphore_mem>>
          tpu.enqueue_indirect_dma source(%dma_start3A_301 : memref<10000x128xf32, #tpu.memory_space<hbm>>) target(%arg6 : memref<128x128xf32, #tpu.memory_space<vmem>>) offsets(%dma_start3A_298 : memref<128xi32, #tpu.memory_space<vmem>>) semaphore(%dma_start3A_303 : memref<!tpu.dma_semaphore, #tpu.memory_space<semaphore_mem>>)
          %dma_start3A_304 = arith.constant 0 : i32
          %dma_start3A_305 = arith.constant 1 : i32
          %dma_start3A_306 = arith.constant 0 : i32
          %dma_start3A_307 = arith.constant 0 : i32
          %dma_start3A_308 = tpu.memref_slice %run_scoped3A_20[%rem3A_289, %dma_start3A_306, %dma_start3A_307] : memref<2x128x128xf32, #tpu.memory_space<vmem>> -> memref<1x128x128xf32, #tpu.memory_space<vmem>>
          %dma_start3A_309 = tpu.memref_squeeze %dma_start3A_308 : memref<1x128x128xf32, #tpu.memory_space<vmem>> -> memref<128x128xf32, #tpu.memory_space<vmem>>
          %dma_start3A_310 = arith.constant 0 : i32
          %dma_start3A_311 = arith.constant 0 : i32
          %dma_start3A_312 = tpu.memref_slice %run_scoped3A_18[%rem3A_287, %dma_start3A_310, %dma_start3A_311] : memref<2x1x128xi32, #tpu.memory_space<vmem>> -> memref<1x1x128xi32, #tpu.memory_space<vmem>>
          %dma_start3A_313 = tpu.memref_squeeze %dma_start3A_312 : memref<1x1x128xi32, #tpu.memory_space<vmem>> -> memref<1x128xi32, #tpu.memory_space<vmem>>
          %dma_start3A_314 = arith.constant 0 : i32
          %dma_start3A_315 = tpu.memref_slice %dma_start3A_313[%dma_start3A_304, %dma_start3A_314] : memref<1x128xi32, #tpu.memory_space<vmem>> -> memref<1x128xi32, #tpu.memory_space<vmem>>
          %dma_start3A_316 = tpu.memref_squeeze %dma_start3A_315 : memref<1x128xi32, #tpu.memory_space<vmem>> -> memref<128xi32, #tpu.memory_space<vmem>>
          %dma_start3A_317 = arith.constant 0 : i32
          %dma_start3A_318 = arith.constant 0 : i32
          %dma_start3A_319 = tpu.memref_slice %arg2[%dma_start3A_317, %dma_start3A_318] : memref<10000x128xf32, #tpu.memory_space<hbm>> -> memref<10000x128xf32, #tpu.memory_space<hbm>>
          %dma_start3A_320 = tpu.memref_slice %arg7[%dma_start3A_305] : memref<2x!tpu.dma_semaphore, #tpu.memory_space<semaphore_mem>> -> memref<1x!tpu.dma_semaphore, #tpu.memory_space<semaphore_mem>>
          %dma_start3A_321 = tpu.memref_squeeze %dma_start3A_320 : memref<1x!tpu.dma_semaphore, #tpu.memory_space<semaphore_mem>> -> memref<!tpu.dma_semaphore, #tpu.memory_space<semaphore_mem>>
          tpu.enqueue_indirect_dma source(%dma_start3A_319 : memref<10000x128xf32, #tpu.memory_space<hbm>>) target(%dma_start3A_309 : memref<128x128xf32, #tpu.memory_space<vmem>>) offsets(%dma_start3A_316 : memref<128xi32, #tpu.memory_space<vmem>>) semaphore(%dma_start3A_321 : memref<!tpu.dma_semaphore, #tpu.memory_space<semaphore_mem>>)
          %dma_wait3A = arith.constant 0 : i32
          %dma_wait3A_322 = arith.constant 0 : i32
          %dma_wait3A_323 = arith.constant 0 : i32
          %dma_wait3A_324 = arith.constant 0 : i32
          %dma_wait3A_325 = tpu.memref_slice %run_scoped3A[%rem3A_285, %dma_wait3A_323, %dma_wait3A_324] : memref<2x1x128xi32, #tpu.memory_space<vmem>> -> memref<1x1x128xi32, #tpu.memory_space<vmem>>
          %dma_wait3A_326 = tpu.memref_squeeze %dma_wait3A_325 : memref<1x1x128xi32, #tpu.memory_space<vmem>> -> memref<1x128xi32, #tpu.memory_space<vmem>>
          %dma_wait3A_327 = arith.constant 0 : i32
          %dma_wait3A_328 = tpu.memref_slice %dma_wait3A_326[%dma_wait3A, %dma_wait3A_327] : memref<1x128xi32, #tpu.memory_space<vmem>> -> memref<1x128xi32, #tpu.memory_space<vmem>>
          %dma_wait3A_329 = tpu.memref_squeeze %dma_wait3A_328 : memref<1x128xi32, #tpu.memory_space<vmem>> -> memref<128xi32, #tpu.memory_space<vmem>>
          %dma_wait3A_330 = arith.constant 0 : i32
          %dma_wait3A_331 = arith.constant 0 : i32
          %dma_wait3A_332 = tpu.memref_slice %arg2[%dma_wait3A_330, %dma_wait3A_331] : memref<10000x128xf32, #tpu.memory_space<hbm>> -> memref<10000x128xf32, #tpu.memory_space<hbm>>
          %dma_wait3A_333 = tpu.memref_slice %arg7[%dma_wait3A_322] : memref<2x!tpu.dma_semaphore, #tpu.memory_space<semaphore_mem>> -> memref<1x!tpu.dma_semaphore, #tpu.memory_space<semaphore_mem>>
          %dma_wait3A_334 = tpu.memref_squeeze %dma_wait3A_333 : memref<1x!tpu.dma_semaphore, #tpu.memory_space<semaphore_mem>> -> memref<!tpu.dma_semaphore, #tpu.memory_space<semaphore_mem>>
          tpu.wait_indirect_dma semaphore(%dma_wait3A_334 : memref<!tpu.dma_semaphore, #tpu.memory_space<semaphore_mem>>) src(%dma_wait3A_332 : memref<10000x128xf32, #tpu.memory_space<hbm>>) dst(%arg6 : memref<128x128xf32, #tpu.memory_space<vmem>>)
          %dma_wait3A_335 = arith.constant 0 : i32
          %dma_wait3A_336 = arith.constant 1 : i32
          %dma_wait3A_337 = arith.constant 0 : i32
          %dma_wait3A_338 = arith.constant 0 : i32
          %dma_wait3A_339 = tpu.memref_slice %run_scoped3A_20[%rem3A_289, %dma_wait3A_337, %dma_wait3A_338] : memref<2x128x128xf32, #tpu.memory_space<vmem>> -> memref<1x128x128xf32, #tpu.memory_space<vmem>>
          %dma_wait3A_340 = tpu.memref_squeeze %dma_wait3A_339 : memref<1x128x128xf32, #tpu.memory_space<vmem>> -> memref<128x128xf32, #tpu.memory_space<vmem>>
          %dma_wait3A_341 = arith.constant 0 : i32
          %dma_wait3A_342 = arith.constant 0 : i32
          %dma_wait3A_343 = tpu.memref_slice %run_scoped3A_18[%rem3A_287, %dma_wait3A_341, %dma_wait3A_342] : memref<2x1x128xi32, #tpu.memory_space<vmem>> -> memref<1x1x128xi32, #tpu.memory_space<vmem>>
          %dma_wait3A_344 = tpu.memref_squeeze %dma_wait3A_343 : memref<1x1x128xi32, #tpu.memory_space<vmem>> -> memref<1x128xi32, #tpu.memory_space<vmem>>
          %dma_wait3A_345 = arith.constant 0 : i32
          %dma_wait3A_346 = tpu.memref_slice %dma_wait3A_344[%dma_wait3A_335, %dma_wait3A_345] : memref<1x128xi32, #tpu.memory_space<vmem>> -> memref<1x128xi32, #tpu.memory_space<vmem>>
          %dma_wait3A_347 = tpu.memref_squeeze %dma_wait3A_346 : memref<1x128xi32, #tpu.memory_space<vmem>> -> memref<128xi32, #tpu.memory_space<vmem>>
          %dma_wait3A_348 = arith.constant 0 : i32
          %dma_wait3A_349 = arith.constant 0 : i32
          %dma_wait3A_350 = tpu.memref_slice %arg2[%dma_wait3A_348, %dma_wait3A_349] : memref<10000x128xf32, #tpu.memory_space<hbm>> -> memref<10000x128xf32, #tpu.memory_space<hbm>>
          %dma_wait3A_351 = tpu.memref_slice %arg7[%dma_wait3A_336] : memref<2x!tpu.dma_semaphore, #tpu.memory_space<semaphore_mem>> -> memref<1x!tpu.dma_semaphore, #tpu.memory_space<semaphore_mem>>
          %dma_wait3A_352 = tpu.memref_squeeze %dma_wait3A_351 : memref<1x!tpu.dma_semaphore, #tpu.memory_space<semaphore_mem>> -> memref<!tpu.dma_semaphore, #tpu.memory_space<semaphore_mem>>
          tpu.wait_indirect_dma semaphore(%dma_wait3A_352 : memref<!tpu.dma_semaphore, #tpu.memory_space<semaphore_mem>>) src(%dma_wait3A_350 : memref<10000x128xf32, #tpu.memory_space<hbm>>) dst(%dma_wait3A_340 : memref<128x128xf32, #tpu.memory_space<vmem>>)
          %scan3A = arith.constant 0 : i32
          %scan3A_353 = arith.constant 128 : i32
          %scan3A_354 = arith.addi %scan3A, %scan3A_353 : i32
          %scan3A_355 = arith.constant 1 : i32
          scf.for %scan3A_448 = %scan3A to %scan3A_354 step %scan3A_355  : i32 {
            %mul3A_449 = arith.constant 1 : i32
            %mul3A_450 = arith.muli %scan3A_448, %mul3A_449 : i32
            %add3A_451 = arith.constant 0 : i32
            %add3A_452 = arith.addi %add3A_451, %mul3A_450 : i32
            %get3A = arith.constant 0 : i32
            %get3A_453 = arith.constant 0 : i32
            %get3A_454 = tpu.memref_slice %run_scoped3A_20[%rem3A_289, %get3A, %get3A_453] : memref<2x128x128xf32, #tpu.memory_space<vmem>> -> memref<1x128x128xf32, #tpu.memory_space<vmem>>
            %get3A_455 = tpu.memref_squeeze %get3A_454 : memref<1x128x128xf32, #tpu.memory_space<vmem>> -> memref<128x128xf32, #tpu.memory_space<vmem>>
            %get3A_456 = arith.index_cast %add3A_452 : i32 to index
            %get3A_457 = arith.constant 0 : index
            %get3A_458 = tpu.vector_load %get3A_455[%get3A_456, %get3A_457] {strides = array<i32>} : memref<128x128xf32, #tpu.memory_space<vmem>>, vector<16xf32>,
            %get3A_459 = arith.index_cast %add3A_452 : i32 to index
            %get3A_460 = arith.constant 0 : index
            %get3A_461 = tpu.vector_load %arg6[%get3A_459, %get3A_460] {strides = array<i32>} : memref<128x128xf32, #tpu.memory_space<vmem>>, vector<16xf32>,
            %mul3A_462 = arith.mulf %get3A_458, %get3A_461 : vector<16xf32>
            %swap3A = arith.constant 0 : i32
            %swap3A_463 = arith.constant 0 : i32
            %swap3A_464 = tpu.memref_slice %run_scoped3A_20[%rem3A_289, %swap3A, %swap3A_463] : memref<2x128x128xf32, #tpu.memory_space<vmem>> -> memref<1x128x128xf32, #tpu.memory_space<vmem>>
            %swap3A_465 = tpu.memref_squeeze %swap3A_464 : memref<1x128x128xf32, #tpu.memory_space<vmem>> -> memref<128x128xf32, #tpu.memory_space<vmem>>
            %swap3A_466 = arith.index_cast %add3A_452 : i32 to index
            %swap3A_467 = arith.constant 0 : index
            %swap3A_468 = tpu.vector_load %swap3A_465[%swap3A_466, %swap3A_467] {strides = array<i32>} : memref<128x128xf32, #tpu.memory_space<vmem>>, vector<16xf32>,
            tpu.vector_store %swap3A_465[%swap3A_466, %swap3A_467], %mul3A_462 {strides = array<i32>} : memref<128x128xf32, #tpu.memory_space<vmem>>, vector<16xf32>,
            %get3A_469 = arith.constant 0 : i32
            %get3A_470 = arith.constant 0 : i32
            %get3A_471 = tpu.memref_slice %run_scoped3A_20[%rem3A_289, %get3A_469, %get3A_470] : memref<2x128x128xf32, #tpu.memory_space<vmem>> -> memref<1x128x128xf32, #tpu.memory_space<vmem>>
            %get3A_472 = tpu.memref_squeeze %get3A_471 : memref<1x128x128xf32, #tpu.memory_space<vmem>> -> memref<128x128xf32, #tpu.memory_space<vmem>>
            %get3A_473 = arith.index_cast %add3A_452 : i32 to index
            %get3A_474 = arith.constant 16 : index
            %get3A_475 = tpu.vector_load %get3A_472[%get3A_473, %get3A_474] {strides = array<i32>} : memref<128x128xf32, #tpu.memory_space<vmem>>, vector<16xf32>,
            %get3A_476 = arith.index_cast %add3A_452 : i32 to index
            %get3A_477 = arith.constant 16 : index
            %get3A_478 = tpu.vector_load %arg6[%get3A_476, %get3A_477] {strides = array<i32>} : memref<128x128xf32, #tpu.memory_space<vmem>>, vector<16xf32>,
            %mul3A_479 = arith.mulf %get3A_475, %get3A_478 : vector<16xf32>
            %swap3A_480 = arith.constant 0 : i32
            %swap3A_481 = arith.constant 0 : i32
            %swap3A_482 = tpu.memref_slice %run_scoped3A_20[%rem3A_289, %swap3A_480, %swap3A_481] : memref<2x128x128xf32, #tpu.memory_space<vmem>> -> memref<1x128x128xf32, #tpu.memory_space<vmem>>
            %swap3A_483 = tpu.memref_squeeze %swap3A_482 : memref<1x128x128xf32, #tpu.memory_space<vmem>> -> memref<128x128xf32, #tpu.memory_space<vmem>>
            %swap3A_484 = arith.index_cast %add3A_452 : i32 to index
            %swap3A_485 = arith.constant 16 : index
            %swap3A_486 = tpu.vector_load %swap3A_483[%swap3A_484, %swap3A_485] {strides = array<i32>} : memref<128x128xf32, #tpu.memory_space<vmem>>, vector<16xf32>,
            tpu.vector_store %swap3A_483[%swap3A_484, %swap3A_485], %mul3A_479 {strides = array<i32>} : memref<128x128xf32, #tpu.memory_space<vmem>>, vector<16xf32>,
            %get3A_487 = arith.constant 0 : i32
            %get3A_488 = arith.constant 0 : i32
            %get3A_489 = tpu.memref_slice %run_scoped3A_20[%rem3A_289, %get3A_487, %get3A_488] : memref<2x128x128xf32, #tpu.memory_space<vmem>> -> memref<1x128x128xf32, #tpu.memory_space<vmem>>
            %get3A_490 = tpu.memref_squeeze %get3A_489 : memref<1x128x128xf32, #tpu.memory_space<vmem>> -> memref<128x128xf32, #tpu.memory_space<vmem>>
            %get3A_491 = arith.index_cast %add3A_452 : i32 to index
            %get3A_492 = arith.constant 32 : index
            %get3A_493 = tpu.vector_load %get3A_490[%get3A_491, %get3A_492] {strides = array<i32>} : memref<128x128xf32, #tpu.memory_space<vmem>>, vector<16xf32>,
            %get3A_494 = arith.index_cast %add3A_452 : i32 to index
            %get3A_495 = arith.constant 32 : index
            %get3A_496 = tpu.vector_load %arg6[%get3A_494, %get3A_495] {strides = array<i32>} : memref<128x128xf32, #tpu.memory_space<vmem>>, vector<16xf32>,
            %mul3A_497 = arith.mulf %get3A_493, %get3A_496 : vector<16xf32>
            %swap3A_498 = arith.constant 0 : i32
            %swap3A_499 = arith.constant 0 : i32
            %swap3A_500 = tpu.memref_slice %run_scoped3A_20[%rem3A_289, %swap3A_498, %swap3A_499] : memref<2x128x128xf32, #tpu.memory_space<vmem>> -> memref<1x128x128xf32, #tpu.memory_space<vmem>>
            %swap3A_501 = tpu.memref_squeeze %swap3A_500 : memref<1x128x128xf32, #tpu.memory_space<vmem>> -> memref<128x128xf32, #tpu.memory_space<vmem>>
            %swap3A_502 = arith.index_cast %add3A_452 : i32 to index
            %swap3A_503 = arith.constant 32 : index
            %swap3A_504 = tpu.vector_load %swap3A_501[%swap3A_502, %swap3A_503] {strides = array<i32>} : memref<128x128xf32, #tpu.memory_space<vmem>>, vector<16xf32>,
            tpu.vector_store %swap3A_501[%swap3A_502, %swap3A_503], %mul3A_497 {strides = array<i32>} : memref<128x128xf32, #tpu.memory_space<vmem>>, vector<16xf32>,
            %get3A_505 = arith.constant 0 : i32
            %get3A_506 = arith.constant 0 : i32
            %get3A_507 = tpu.memref_slice %run_scoped3A_20[%rem3A_289, %get3A_505, %get3A_506] : memref<2x128x128xf32, #tpu.memory_space<vmem>> -> memref<1x128x128xf32, #tpu.memory_space<vmem>>
            %get3A_508 = tpu.memref_squeeze %get3A_507 : memref<1x128x128xf32, #tpu.memory_space<vmem>> -> memref<128x128xf32, #tpu.memory_space<vmem>>
            %get3A_509 = arith.index_cast %add3A_452 : i32 to index
            %get3A_510 = arith.constant 48 : index
            %get3A_511 = tpu.vector_load %get3A_508[%get3A_509, %get3A_510] {strides = array<i32>} : memref<128x128xf32, #tpu.memory_space<vmem>>, vector<16xf32>,
            %get3A_512 = arith.index_cast %add3A_452 : i32 to index
            %get3A_513 = arith.constant 48 : index
            %get3A_514 = tpu.vector_load %arg6[%get3A_512, %get3A_513] {strides = array<i32>} : memref<128x128xf32, #tpu.memory_space<vmem>>, vector<16xf32>,
            %mul3A_515 = arith.mulf %get3A_511, %get3A_514 : vector<16xf32>
            %swap3A_516 = arith.constant 0 : i32
            %swap3A_517 = arith.constant 0 : i32
            %swap3A_518 = tpu.memref_slice %run_scoped3A_20[%rem3A_289, %swap3A_516, %swap3A_517] : memref<2x128x128xf32, #tpu.memory_space<vmem>> -> memref<1x128x128xf32, #tpu.memory_space<vmem>>
            %swap3A_519 = tpu.memref_squeeze %swap3A_518 : memref<1x128x128xf32, #tpu.memory_space<vmem>> -> memref<128x128xf32, #tpu.memory_space<vmem>>
            %swap3A_520 = arith.index_cast %add3A_452 : i32 to index
            %swap3A_521 = arith.constant 48 : index
            %swap3A_522 = tpu.vector_load %swap3A_519[%swap3A_520, %swap3A_521] {strides = array<i32>} : memref<128x128xf32, #tpu.memory_space<vmem>>, vector<16xf32>,
            tpu.vector_store %swap3A_519[%swap3A_520, %swap3A_521], %mul3A_515 {strides = array<i32>} : memref<128x128xf32, #tpu.memory_space<vmem>>, vector<16xf32>,
            %get3A_523 = arith.constant 0 : i32
            %get3A_524 = arith.constant 0 : i32
            %get3A_525 = tpu.memref_slice %run_scoped3A_20[%rem3A_289, %get3A_523, %get3A_524] : memref<2x128x128xf32, #tpu.memory_space<vmem>> -> memref<1x128x128xf32, #tpu.memory_space<vmem>>
            %get3A_526 = tpu.memref_squeeze %get3A_525 : memref<1x128x128xf32, #tpu.memory_space<vmem>> -> memref<128x128xf32, #tpu.memory_space<vmem>>
            %get3A_527 = arith.index_cast %add3A_452 : i32 to index
            %get3A_528 = arith.constant 64 : index
            %get3A_529 = tpu.vector_load %get3A_526[%get3A_527, %get3A_528] {strides = array<i32>} : memref<128x128xf32, #tpu.memory_space<vmem>>, vector<16xf32>,
            %get3A_530 = arith.index_cast %add3A_452 : i32 to index
            %get3A_531 = arith.constant 64 : index
            %get3A_532 = tpu.vector_load %arg6[%get3A_530, %get3A_531] {strides = array<i32>} : memref<128x128xf32, #tpu.memory_space<vmem>>, vector<16xf32>,
            %mul3A_533 = arith.mulf %get3A_529, %get3A_532 : vector<16xf32>
            %swap3A_534 = arith.constant 0 : i32
            %swap3A_535 = arith.constant 0 : i32
            %swap3A_536 = tpu.memref_slice %run_scoped3A_20[%rem3A_289, %swap3A_534, %swap3A_535] : memref<2x128x128xf32, #tpu.memory_space<vmem>> -> memref<1x128x128xf32, #tpu.memory_space<vmem>>
            %swap3A_537 = tpu.memref_squeeze %swap3A_536 : memref<1x128x128xf32, #tpu.memory_space<vmem>> -> memref<128x128xf32, #tpu.memory_space<vmem>>
            %swap3A_538 = arith.index_cast %add3A_452 : i32 to index
            %swap3A_539 = arith.constant 64 : index
            %swap3A_540 = tpu.vector_load %swap3A_537[%swap3A_538, %swap3A_539] {strides = array<i32>} : memref<128x128xf32, #tpu.memory_space<vmem>>, vector<16xf32>,
            tpu.vector_store %swap3A_537[%swap3A_538, %swap3A_539], %mul3A_533 {strides = array<i32>} : memref<128x128xf32, #tpu.memory_space<vmem>>, vector<16xf32>,
            %get3A_541 = arith.constant 0 : i32
            %get3A_542 = arith.constant 0 : i32
            %get3A_543 = tpu.memref_slice %run_scoped3A_20[%rem3A_289, %get3A_541, %get3A_542] : memref<2x128x128xf32, #tpu.memory_space<vmem>> -> memref<1x128x128xf32, #tpu.memory_space<vmem>>
            %get3A_544 = tpu.memref_squeeze %get3A_543 : memref<1x128x128xf32, #tpu.memory_space<vmem>> -> memref<128x128xf32, #tpu.memory_space<vmem>>
            %get3A_545 = arith.index_cast %add3A_452 : i32 to index
            %get3A_546 = arith.constant 80 : index
            %get3A_547 = tpu.vector_load %get3A_544[%get3A_545, %get3A_546] {strides = array<i32>} : memref<128x128xf32, #tpu.memory_space<vmem>>, vector<16xf32>,
            %get3A_548 = arith.index_cast %add3A_452 : i32 to index
            %get3A_549 = arith.constant 80 : index
            %get3A_550 = tpu.vector_load %arg6[%get3A_548, %get3A_549] {strides = array<i32>} : memref<128x128xf32, #tpu.memory_space<vmem>>, vector<16xf32>,
            %mul3A_551 = arith.mulf %get3A_547, %get3A_550 : vector<16xf32>
            %swap3A_552 = arith.constant 0 : i32
            %swap3A_553 = arith.constant 0 : i32
            %swap3A_554 = tpu.memref_slice %run_scoped3A_20[%rem3A_289, %swap3A_552, %swap3A_553] : memref<2x128x128xf32, #tpu.memory_space<vmem>> -> memref<1x128x128xf32, #tpu.memory_space<vmem>>
            %swap3A_555 = tpu.memref_squeeze %swap3A_554 : memref<1x128x128xf32, #tpu.memory_space<vmem>> -> memref<128x128xf32, #tpu.memory_space<vmem>>
            %swap3A_556 = arith.index_cast %add3A_452 : i32 to index
            %swap3A_557 = arith.constant 80 : index
            %swap3A_558 = tpu.vector_load %swap3A_555[%swap3A_556, %swap3A_557] {strides = array<i32>} : memref<128x128xf32, #tpu.memory_space<vmem>>, vector<16xf32>,
            tpu.vector_store %swap3A_555[%swap3A_556, %swap3A_557], %mul3A_551 {strides = array<i32>} : memref<128x128xf32, #tpu.memory_space<vmem>>, vector<16xf32>,
            %get3A_559 = arith.constant 0 : i32
            %get3A_560 = arith.constant 0 : i32
            %get3A_561 = tpu.memref_slice %run_scoped3A_20[%rem3A_289, %get3A_559, %get3A_560] : memref<2x128x128xf32, #tpu.memory_space<vmem>> -> memref<1x128x128xf32, #tpu.memory_space<vmem>>
            %get3A_562 = tpu.memref_squeeze %get3A_561 : memref<1x128x128xf32, #tpu.memory_space<vmem>> -> memref<128x128xf32, #tpu.memory_space<vmem>>
            %get3A_563 = arith.index_cast %add3A_452 : i32 to index
            %get3A_564 = arith.constant 96 : index
            %get3A_565 = tpu.vector_load %get3A_562[%get3A_563, %get3A_564] {strides = array<i32>} : memref<128x128xf32, #tpu.memory_space<vmem>>, vector<16xf32>,
            %get3A_566 = arith.index_cast %add3A_452 : i32 to index
            %get3A_567 = arith.constant 96 : index
            %get3A_568 = tpu.vector_load %arg6[%get3A_566, %get3A_567] {strides = array<i32>} : memref<128x128xf32, #tpu.memory_space<vmem>>, vector<16xf32>,
            %mul3A_569 = arith.mulf %get3A_565, %get3A_568 : vector<16xf32>
            %swap3A_570 = arith.constant 0 : i32
            %swap3A_571 = arith.constant 0 : i32
            %swap3A_572 = tpu.memref_slice %run_scoped3A_20[%rem3A_289, %swap3A_570, %swap3A_571] : memref<2x128x128xf32, #tpu.memory_space<vmem>> -> memref<1x128x128xf32, #tpu.memory_space<vmem>>
            %swap3A_573 = tpu.memref_squeeze %swap3A_572 : memref<1x128x128xf32, #tpu.memory_space<vmem>> -> memref<128x128xf32, #tpu.memory_space<vmem>>
            %swap3A_574 = arith.index_cast %add3A_452 : i32 to index
            %swap3A_575 = arith.constant 96 : index
            %swap3A_576 = tpu.vector_load %swap3A_573[%swap3A_574, %swap3A_575] {strides = array<i32>} : memref<128x128xf32, #tpu.memory_space<vmem>>, vector<16xf32>,
            tpu.vector_store %swap3A_573[%swap3A_574, %swap3A_575], %mul3A_569 {strides = array<i32>} : memref<128x128xf32, #tpu.memory_space<vmem>>, vector<16xf32>,
            %get3A_577 = arith.constant 0 : i32
            %get3A_578 = arith.constant 0 : i32
            %get3A_579 = tpu.memref_slice %run_scoped3A_20[%rem3A_289, %get3A_577, %get3A_578] : memref<2x128x128xf32, #tpu.memory_space<vmem>> -> memref<1x128x128xf32, #tpu.memory_space<vmem>>
            %get3A_580 = tpu.memref_squeeze %get3A_579 : memref<1x128x128xf32, #tpu.memory_space<vmem>> -> memref<128x128xf32, #tpu.memory_space<vmem>>
            %get3A_581 = arith.index_cast %add3A_452 : i32 to index
            %get3A_582 = arith.constant 112 : index
            %get3A_583 = tpu.vector_load %get3A_580[%get3A_581, %get3A_582] {strides = array<i32>} : memref<128x128xf32, #tpu.memory_space<vmem>>, vector<16xf32>,
            %get3A_584 = arith.index_cast %add3A_452 : i32 to index
            %get3A_585 = arith.constant 112 : index
            %get3A_586 = tpu.vector_load %arg6[%get3A_584, %get3A_585] {strides = array<i32>} : memref<128x128xf32, #tpu.memory_space<vmem>>, vector<16xf32>,
            %mul3A_587 = arith.mulf %get3A_583, %get3A_586 : vector<16xf32>
            %swap3A_588 = arith.constant 0 : i32
            %swap3A_589 = arith.constant 0 : i32
            %swap3A_590 = tpu.memref_slice %run_scoped3A_20[%rem3A_289, %swap3A_588, %swap3A_589] : memref<2x128x128xf32, #tpu.memory_space<vmem>> -> memref<1x128x128xf32, #tpu.memory_space<vmem>>
            %swap3A_591 = tpu.memref_squeeze %swap3A_590 : memref<1x128x128xf32, #tpu.memory_space<vmem>> -> memref<128x128xf32, #tpu.memory_space<vmem>>
            %swap3A_592 = arith.index_cast %add3A_452 : i32 to index
            %swap3A_593 = arith.constant 112 : index
            %swap3A_594 = tpu.vector_load %swap3A_591[%swap3A_592, %swap3A_593] {strides = array<i32>} : memref<128x128xf32, #tpu.memory_space<vmem>>, vector<16xf32>,
            tpu.vector_store %swap3A_591[%swap3A_592, %swap3A_593], %mul3A_587 {strides = array<i32>} : memref<128x128xf32, #tpu.memory_space<vmem>>, vector<16xf32>,
          }
          %scan3A_356 = arith.constant 128 : i32
          "tpu.trace_stop"() : () -> ()
          %ne3A_357 = arith.cmpi ne, %add3A_188, %add3A_206 : i32
          %or3A_358 = arith.constant false
          %or3A_359 = arith.ori %or3A_358, %ne3A_357 : i1
          %or3A_360 = arith.ori %or3A_359, %eq3A_187 : i1
          %convert_element_type3A_361 = arith.extui %or3A_360 : i1 to i32
          %cond3A_362 = arith.constant 0 : i32
          %cond3A_363 = arith.cmpi ne, %convert_element_type3A_361, %cond3A_362 : i32
          scf.if %cond3A_363 {
          } else {
          }
          %and3A_364 = arith.constant false
          %and3A_365 = arith.andi %or3A_360, %and3A_364 : i1
          %ne3A_366 = arith.cmpi ne, %add3A_188, %add3A_206 : i32
          %or3A_367 = arith.constant false
          %or3A_368 = arith.ori %or3A_367, %ne3A_366 : i1
          %or3A_369 = arith.ori %or3A_368, %eq3A_187 : i1
          %convert_element_type3A_370 = arith.extui %or3A_369 : i1 to i32
          %cond3A_371 = arith.constant 0 : i32
          %cond3A_372 = arith.cmpi ne, %convert_element_type3A_370, %cond3A_371 : i32
          scf.if %cond3A_372 {
          } else {
          }
          %and3A_373 = arith.constant false
          %and3A_374 = arith.andi %or3A_369, %and3A_373 : i1
          %ne3A_375 = arith.cmpi ne, %add3A_188, %add3A_206 : i32
          %or3A_376 = arith.constant false
          %or3A_377 = arith.ori %or3A_376, %ne3A_375 : i1
          %or3A_378 = arith.constant false
          %or3A_379 = arith.ori %or3A_377, %or3A_378 : i1
          %or3A_380 = arith.ori %or3A_379, %eq3A_187 : i1
          %convert_element_type3A_381 = arith.extui %or3A_380 : i1 to i32
          %cond3A_382 = arith.constant 0 : i32
          %cond3A_383 = arith.cmpi ne, %convert_element_type3A_381, %cond3A_382 : i32
          scf.if %cond3A_383 {
            "tpu.trace_start"() <{level = 10 : i32, message = "ep_copy_out"}> : () -> ()
            %rem3A_448 = arith.constant 2 : i32
            %rem3A_449 = arith.remui %while3A_178, %rem3A_448 : i32
            %mul3A_450 = arith.constant 128 : i32
            %mul3A_451 = arith.muli %mul3A_450, %add3A_188 : i32
            %dma_start3A_452 = arith.constant 0 : i32
            %dma_start3A_453 = arith.constant 0 : i32
            %dma_start3A_454 = tpu.memref_slice %run_scoped3A_20[%rem3A_449, %dma_start3A_452, %dma_start3A_453] : memref<2x128x128xf32, #tpu.memory_space<vmem>> -> memref<1x128x128xf32, #tpu.memory_space<vmem>>
            %dma_start3A_455 = tpu.memref_squeeze %dma_start3A_454 : memref<1x128x128xf32, #tpu.memory_space<vmem>> -> memref<128x128xf32, #tpu.memory_space<vmem>>
            %dma_start3A_456 = arith.constant 0 : i32
            %dma_start3A_457 = tpu.memref_slice %arg5[%mul3A_451, %dma_start3A_456] : memref<320000x128xf32, #tpu.memory_space<hbm>> -> memref<128x128xf32, #tpu.memory_space<hbm>>
            %dma_start3A_458 = tpu.memref_slice %run_scoped3A_21[%rem3A_449] : memref<2x!tpu.dma_semaphore, #tpu.memory_space<semaphore_mem>> -> memref<1x!tpu.dma_semaphore, #tpu.memory_space<semaphore_mem>>
            %dma_start3A_459 = tpu.memref_squeeze %dma_start3A_458 : memref<1x!tpu.dma_semaphore, #tpu.memory_space<semaphore_mem>> -> memref<!tpu.dma_semaphore, #tpu.memory_space<semaphore_mem>>
            %dma_start3A_460 = arith.constant 0 : i32
            %dma_start3A_461 = tpu.memref_slice %arg5[%mul3A_451, %dma_start3A_460] : memref<320000x128xf32, #tpu.memory_space<hbm>> -> memref<128x128xf32, #tpu.memory_space<hbm>>
            %dma_start3A_462 = arith.constant 0 : i32
            %dma_start3A_463 = arith.constant 0 : i32
            %dma_start3A_464 = tpu.memref_slice %run_scoped3A_20[%rem3A_449, %dma_start3A_462, %dma_start3A_463] : memref<2x128x128xf32, #tpu.memory_space<vmem>> -> memref<1x128x128xf32, #tpu.memory_space<vmem>>
            %dma_start3A_465 = tpu.memref_squeeze %dma_start3A_464 : memref<1x128x128xf32, #tpu.memory_space<vmem>> -> memref<128x128xf32, #tpu.memory_space<vmem>>
            tpu.enqueue_dma source(%dma_start3A_465 : memref<128x128xf32, #tpu.memory_space<vmem>>) target(%dma_start3A_461 : memref<128x128xf32, #tpu.memory_space<hbm>>) target_semaphore(%dma_start3A_459 : memref<!tpu.dma_semaphore, #tpu.memory_space<semaphore_mem>>)
            "tpu.trace_stop"() : () -> ()
          } else {
          }
          %and3A_384 = arith.constant true
          %and3A_385 = arith.andi %or3A_380, %and3A_384 : i1
          %add3A_386 = arith.constant 1 : i32
          %add3A_387 = arith.addi %while3A_178, %add3A_386 : i32
          %select_n3A_388 = arith.select %and3A_385, %add3A_387, %while3A_178 : i32
          %ne3A_389 = arith.cmpi ne, %add3A_188, %add3A_198 : i32
          %or3A_390 = arith.constant false
          %or3A_391 = arith.ori %or3A_390, %ne3A_389 : i1
          %not3A_392 = arith.constant true
          %not3A_393 = arith.xori %eq3A_184, %not3A_392 : i1
          %and3A_394 = arith.andi %or3A_391, %not3A_393 : i1
          %convert_element_type3A_395 = arith.extui %and3A_394 : i1 to i32
          %cond3A_396 = arith.constant 0 : i32
          %cond3A_397 = arith.cmpi ne, %convert_element_type3A_395, %cond3A_396 : i32
          scf.if %cond3A_397 {
          } else {
          }
          %and3A_398 = arith.constant false
          %and3A_399 = arith.andi %and3A_394, %and3A_398 : i1
          %ne3A_400 = arith.cmpi ne, %add3A_188, %add3A_198 : i32
          %or3A_401 = arith.constant false
          %or3A_402 = arith.ori %or3A_401, %ne3A_400 : i1
          %not3A_403 = arith.constant true
          %not3A_404 = arith.xori %eq3A_184, %not3A_403 : i1
          %and3A_405 = arith.andi %or3A_402, %not3A_404 : i1
          %convert_element_type3A_406 = arith.extui %and3A_405 : i1 to i32
          %cond3A_407 = arith.constant 0 : i32
          %cond3A_408 = arith.cmpi ne, %convert_element_type3A_406, %cond3A_407 : i32
          scf.if %cond3A_408 {
          } else {
          }
          %and3A_409 = arith.constant false
          %and3A_410 = arith.andi %and3A_405, %and3A_409 : i1
          %ne3A_411 = arith.cmpi ne, %add3A_188, %add3A_198 : i32
          %or3A_412 = arith.constant false
          %or3A_413 = arith.ori %or3A_412, %ne3A_411 : i1
          %or3A_414 = arith.constant false
          %or3A_415 = arith.ori %or3A_413, %or3A_414 : i1
          %not3A_416 = arith.constant true
          %not3A_417 = arith.xori %eq3A_184, %not3A_416 : i1
          %and3A_418 = arith.andi %or3A_415, %not3A_417 : i1
          %convert_element_type3A_419 = arith.extui %and3A_418 : i1 to i32
          %cond3A_420 = arith.constant 0 : i32
          %cond3A_421 = arith.cmpi ne, %convert_element_type3A_419, %cond3A_420 : i32
          scf.if %cond3A_421 {
            "tpu.trace_start"() <{level = 10 : i32, message = "ep_wait_out"}> : () -> ()
            %rem3A_448 = arith.constant 2 : i32
            %rem3A_449 = arith.remui %while3A_179, %rem3A_448 : i32
            %mul3A_450 = arith.constant 128 : i32
            %mul3A_451 = arith.muli %mul3A_450, %add3A_198 : i32
            %dma_wait3A_452 = arith.constant 0 : i32
            %dma_wait3A_453 = arith.constant 0 : i32
            %dma_wait3A_454 = tpu.memref_slice %run_scoped3A_20[%rem3A_449, %dma_wait3A_452, %dma_wait3A_453] : memref<2x128x128xf32, #tpu.memory_space<vmem>> -> memref<1x128x128xf32, #tpu.memory_space<vmem>>
            %dma_wait3A_455 = tpu.memref_squeeze %dma_wait3A_454 : memref<1x128x128xf32, #tpu.memory_space<vmem>> -> memref<128x128xf32, #tpu.memory_space<vmem>>
            %dma_wait3A_456 = arith.constant 0 : i32
            %dma_wait3A_457 = tpu.memref_slice %arg5[%mul3A_451, %dma_wait3A_456] : memref<320000x128xf32, #tpu.memory_space<hbm>> -> memref<128x128xf32, #tpu.memory_space<hbm>>
            %dma_wait3A_458 = tpu.memref_slice %run_scoped3A_21[%rem3A_449] : memref<2x!tpu.dma_semaphore, #tpu.memory_space<semaphore_mem>> -> memref<1x!tpu.dma_semaphore, #tpu.memory_space<semaphore_mem>>
            %dma_wait3A_459 = tpu.memref_squeeze %dma_wait3A_458 : memref<1x!tpu.dma_semaphore, #tpu.memory_space<semaphore_mem>> -> memref<!tpu.dma_semaphore, #tpu.memory_space<semaphore_mem>>
            %dma_wait3A_460 = arith.constant 0 : i32
            %dma_wait3A_461 = tpu.memref_slice %arg5[%mul3A_451, %dma_wait3A_460] : memref<320000x128xf32, #tpu.memory_space<hbm>> -> memref<128x128xf32, #tpu.memory_space<hbm>>
            %dma_wait3A_462 = arith.constant 0 : i32
            %dma_wait3A_463 = arith.constant 0 : i32
            %dma_wait3A_464 = tpu.memref_slice %run_scoped3A_20[%rem3A_449, %dma_wait3A_462, %dma_wait3A_463] : memref<2x128x128xf32, #tpu.memory_space<vmem>> -> memref<1x128x128xf32, #tpu.memory_space<vmem>>
            %dma_wait3A_465 = tpu.memref_squeeze %dma_wait3A_464 : memref<1x128x128xf32, #tpu.memory_space<vmem>> -> memref<128x128xf32, #tpu.memory_space<vmem>>
            tpu.wait_dma2 semaphore(%dma_wait3A_459 : memref<!tpu.dma_semaphore, #tpu.memory_space<semaphore_mem>>) src(%dma_wait3A_465 : memref<128x128xf32, #tpu.memory_space<vmem>>) dst(%dma_wait3A_461 : memref<128x128xf32, #tpu.memory_space<hbm>>)
            "tpu.trace_stop"() : () -> ()
          } else {
          }
          %and3A_422 = arith.constant true
          %and3A_423 = arith.andi %and3A_418, %and3A_422 : i1
          %add3A_424 = arith.constant 1 : i32
          %add3A_425 = arith.addi %while3A_179, %add3A_424 : i32
          %select_n3A_426 = arith.select %and3A_423, %add3A_425, %while3A_179 : i32
          %ne3A_427 = arith.cmpi ne, %add3A_188, %add3A_206 : i32
          %or3A_428 = arith.constant false
          %or3A_429 = arith.ori %or3A_428, %ne3A_427 : i1
          %or3A_430 = arith.ori %or3A_429, %eq3A_187 : i1
          %add3A_431 = arith.constant 1 : i32
          %add3A_432 = arith.addi %while3A_175, %add3A_431 : i32
          %select_n3A_433 = arith.select %or3A_430, %add3A_432, %while3A_175 : i32
          %ne3A_434 = arith.cmpi ne, %add3A_188, %add3A_206 : i32
          %or3A_435 = arith.constant false
          %or3A_436 = arith.ori %or3A_435, %ne3A_434 : i1
          %or3A_437 = arith.ori %or3A_436, %eq3A_187 : i1
          %add3A_438 = arith.constant 1 : i32
          %add3A_439 = arith.addi %while3A_177, %add3A_438 : i32
          %select_n3A_440 = arith.select %or3A_437, %add3A_439, %while3A_177 : i32
          %add3A_441 = arith.constant 1 : i32
          %add3A_442 = arith.addi %while3A_180, %add3A_441 : i32
          %select_n3A_443 = arith.constant true
          %select_n3A_444 = arith.select %select_n3A_443, %add3A_442, %while3A_180 : i32
          %eq3A_445 = arith.cmpi eq, %select_n3A_444, %select_n3A : i32
          %select_n3A_446 = arith.constant 0 : i32
          %select_n3A_447 = arith.select %eq3A_445, %select_n3A_446, %select_n3A_444 : i32
          scf.yield %select_n3A_228, %select_n3A_433, %select_n3A_247, %select_n3A_440, %select_n3A_388, %select_n3A_426, %select_n3A_447 : i32, i32, i32, i32, i32, i32, i32
        }
        %while3A_117 = arith.constant 1 : i32
        %while3A_118:7 = scf.for %while3A_173 = %while3A_114 to %while3A_110 step %while3A_117 iter_args(%while3A_174 = %while3A_116#0, %while3A_175 = %while3A_116#1, %while3A_176 = %while3A_116#2, %while3A_177 = %while3A_116#3, %while3A_178 = %while3A_116#4, %while3A_179 = %while3A_116#5, %while3A_180 = %while3A_116#6) -> (i32, i32, i32, i32, i32, i32, i32)  : i32 {
          %mul3A_181 = arith.constant 1 : i32
          %mul3A_182 = arith.muli %mul3A_181, %select_n3A : i32
          %eq3A_183 = arith.constant 0 : i32
          %eq3A_184 = arith.cmpi eq, %while3A_173, %eq3A_183 : i32
          %sub3A_185 = arith.constant 1 : i32
          %sub3A_186 = arith.subi %mul3A_182, %sub3A_185 : i32
          %eq3A_187 = arith.cmpi eq, %while3A_173, %sub3A_186 : i32
          %add3A_188 = arith.addi %while3A_180, %select_n3A_14 : i32
          %sub3A_189 = arith.constant 1 : i32
          %sub3A_190 = arith.subi %while3A_180, %sub3A_189 : i32
          %select_n3A_191 = arith.constant true
          %select_n3A_192 = arith.select %select_n3A_191, %sub3A_190, %while3A_180 : i32
          %eq3A_193 = arith.constant -1 : i32
          %eq3A_194 = arith.cmpi eq, %select_n3A_192, %eq3A_193 : i32
          %sub3A_195 = arith.constant 1 : i32
          %sub3A_196 = arith.subi %select_n3A, %sub3A_195 : i32
          %select_n3A_197 = arith.select %eq3A_194, %sub3A_196, %select_n3A_192 : i32
          %add3A_198 = arith.addi %select_n3A_197, %select_n3A_14 : i32
          %add3A_199 = arith.constant 1 : i32
          %add3A_200 = arith.addi %while3A_180, %add3A_199 : i32
          %select_n3A_201 = arith.constant true
          %select_n3A_202 = arith.select %select_n3A_201, %add3A_200, %while3A_180 : i32
          %eq3A_203 = arith.cmpi eq, %select_n3A_202, %select_n3A : i32
          %select_n3A_204 = arith.constant 0 : i32
          %select_n3A_205 = arith.select %eq3A_203, %select_n3A_204, %select_n3A_202 : i32
          %add3A_206 = arith.addi %select_n3A_205, %select_n3A_14 : i32
          %add3A_207 = arith.constant 1 : i32
          %add3A_208 = arith.addi %select_n3A_205, %add3A_207 : i32
          %select_n3A_209 = arith.constant true
          %select_n3A_210 = arith.select %select_n3A_209, %add3A_208, %select_n3A_205 : i32
          %eq3A_211 = arith.cmpi eq, %select_n3A_210, %select_n3A : i32
          %select_n3A_212 = arith.constant 0 : i32
          %select_n3A_213 = arith.select %eq3A_211, %select_n3A_212, %select_n3A_210 : i32
          %add3A_214 = arith.addi %select_n3A_213, %select_n3A_14 : i32
          %ne3A = arith.cmpi ne, %add3A_188, %add3A_206 : i32
          %or3A = arith.constant false
          %or3A_215 = arith.ori %or3A, %ne3A : i1
          %sub3A_216 = arith.constant 2 : i32
          %sub3A_217 = arith.subi %mul3A_182, %sub3A_216 : i32
          %add3A_218 = arith.constant 1 : i32
          %add3A_219 = arith.addi %sub3A_217, %add3A_218 : i32
          %ge3A = arith.cmpi sge, %while3A_173, %add3A_219 : i32
          %not3A = arith.constant true
          %not3A_220 = arith.xori %ge3A, %not3A : i1
          %and3A = arith.andi %or3A_215, %not3A_220 : i1
          %convert_element_type3A_221 = arith.extui %and3A : i1 to i32
          %cond3A_222 = arith.constant 0 : i32
          %cond3A_223 = arith.cmpi ne, %convert_element_type3A_221, %cond3A_222 : i32
          scf.if %cond3A_223 {
            "tpu.trace_start"() <{level = 10 : i32, message = "ep_copy_in"}> : () -> ()
            %rem3A_448 = arith.constant 2 : i32
            %rem3A_449 = arith.remui %while3A_174, %rem3A_448 : i32
            %mul3A_450 = arith.constant 128 : i32
            %mul3A_451 = arith.muli %mul3A_450, %add3A_206 : i32
            %dma_start3A_452 = arith.constant 0 : i32
            %dma_start3A_453 = arith.constant 0 : i32
            %dma_start3A_454 = tpu.memref_slice %run_scoped3A[%rem3A_449, %dma_start3A_452, %dma_start3A_453] : memref<2x1x128xi32, #tpu.memory_space<vmem>> -> memref<1x1x128xi32, #tpu.memory_space<vmem>>
            %dma_start3A_455 = tpu.memref_squeeze %dma_start3A_454 : memref<1x1x128xi32, #tpu.memory_space<vmem>> -> memref<1x128xi32, #tpu.memory_space<vmem>>
            %dma_start3A_456 = arith.constant 0 : i32
            %dma_start3A_457 = tpu.memref_slice %arg3[%dma_start3A_456, %mul3A_451] : memref<1x320000xi32, #tpu.memory_space<hbm>> -> memref<1x128xi32, #tpu.memory_space<hbm>>
            %dma_start3A_458 = tpu.memref_slice %run_scoped3A_17[%rem3A_449] : memref<2x!tpu.dma_semaphore, #tpu.memory_space<semaphore_mem>> -> memref<1x!tpu.dma_semaphore, #tpu.memory_space<semaphore_mem>>
            %dma_start3A_459 = tpu.memref_squeeze %dma_start3A_458 : memref<1x!tpu.dma_semaphore, #tpu.memory_space<semaphore_mem>> -> memref<!tpu.dma_semaphore, #tpu.memory_space<semaphore_mem>>
            %dma_start3A_460 = arith.constant 0 : i32
            %dma_start3A_461 = arith.constant 0 : i32
            %dma_start3A_462 = tpu.memref_slice %run_scoped3A[%rem3A_449, %dma_start3A_460, %dma_start3A_461] : memref<2x1x128xi32, #tpu.memory_space<vmem>> -> memref<1x1x128xi32, #tpu.memory_space<vmem>>
            %dma_start3A_463 = tpu.memref_squeeze %dma_start3A_462 : memref<1x1x128xi32, #tpu.memory_space<vmem>> -> memref<1x128xi32, #tpu.memory_space<vmem>>
            %dma_start3A_464 = arith.constant 0 : i32
            %dma_start3A_465 = tpu.memref_slice %arg3[%dma_start3A_464, %mul3A_451] : memref<1x320000xi32, #tpu.memory_space<hbm>> -> memref<1x128xi32, #tpu.memory_space<hbm>>
            tpu.enqueue_dma source(%dma_start3A_465 : memref<1x128xi32, #tpu.memory_space<hbm>>) target(%dma_start3A_463 : memref<1x128xi32, #tpu.memory_space<vmem>>) target_semaphore(%dma_start3A_459 : memref<!tpu.dma_semaphore, #tpu.memory_space<semaphore_mem>>)
            "tpu.trace_stop"() : () -> ()
          } else {
          }
          %and3A_224 = arith.constant true
          %and3A_225 = arith.andi %and3A, %and3A_224 : i1
          %add3A_226 = arith.constant 1 : i32
          %add3A_227 = arith.addi %while3A_174, %add3A_226 : i32
          %select_n3A_228 = arith.select %and3A_225, %add3A_227, %while3A_174 : i32
          %ne3A_229 = arith.cmpi ne, %add3A_188, %add3A_206 : i32
          %or3A_230 = arith.constant false
          %or3A_231 = arith.ori %or3A_230, %ne3A_229 : i1
          %sub3A_232 = arith.constant 2 : i32
          %sub3A_233 = arith.subi %mul3A_182, %sub3A_232 : i32
          %add3A_234 = arith.constant 1 : i32
          %add3A_235 = arith.addi %sub3A_233, %add3A_234 : i32
          %ge3A_236 = arith.cmpi sge, %while3A_173, %add3A_235 : i32
          %not3A_237 = arith.constant true
          %not3A_238 = arith.xori %ge3A_236, %not3A_237 : i1
          %and3A_239 = arith.andi %or3A_231, %not3A_238 : i1
          %convert_element_type3A_240 = arith.extui %and3A_239 : i1 to i32
          %cond3A_241 = arith.constant 0 : i32
          %cond3A_242 = arith.cmpi ne, %convert_element_type3A_240, %cond3A_241 : i32
          scf.if %cond3A_242 {
            "tpu.trace_start"() <{level = 10 : i32, message = "ep_copy_in"}> : () -> ()
            %rem3A_448 = arith.constant 2 : i32
            %rem3A_449 = arith.remui %while3A_176, %rem3A_448 : i32
            %mul3A_450 = arith.constant 128 : i32
            %mul3A_451 = arith.muli %mul3A_450, %add3A_206 : i32
            %dma_start3A_452 = arith.constant 0 : i32
            %dma_start3A_453 = arith.constant 0 : i32
            %dma_start3A_454 = tpu.memref_slice %run_scoped3A_18[%rem3A_449, %dma_start3A_452, %dma_start3A_453] : memref<2x1x128xi32, #tpu.memory_space<vmem>> -> memref<1x1x128xi32, #tpu.memory_space<vmem>>
            %dma_start3A_455 = tpu.memref_squeeze %dma_start3A_454 : memref<1x1x128xi32, #tpu.memory_space<vmem>> -> memref<1x128xi32, #tpu.memory_space<vmem>>
            %dma_start3A_456 = arith.constant 0 : i32
            %dma_start3A_457 = tpu.memref_slice %arg4[%dma_start3A_456, %mul3A_451] : memref<1x320000xi32, #tpu.memory_space<hbm>> -> memref<1x128xi32, #tpu.memory_space<hbm>>
            %dma_start3A_458 = tpu.memref_slice %run_scoped3A_19[%rem3A_449] : memref<2x!tpu.dma_semaphore, #tpu.memory_space<semaphore_mem>> -> memref<1x!tpu.dma_semaphore, #tpu.memory_space<semaphore_mem>>
            %dma_start3A_459 = tpu.memref_squeeze %dma_start3A_458 : memref<1x!tpu.dma_semaphore, #tpu.memory_space<semaphore_mem>> -> memref<!tpu.dma_semaphore, #tpu.memory_space<semaphore_mem>>
            %dma_start3A_460 = arith.constant 0 : i32
            %dma_start3A_461 = arith.constant 0 : i32
            %dma_start3A_462 = tpu.memref_slice %run_scoped3A_18[%rem3A_449, %dma_start3A_460, %dma_start3A_461] : memref<2x1x128xi32, #tpu.memory_space<vmem>> -> memref<1x1x128xi32, #tpu.memory_space<vmem>>
            %dma_start3A_463 = tpu.memref_squeeze %dma_start3A_462 : memref<1x1x128xi32, #tpu.memory_space<vmem>> -> memref<1x128xi32, #tpu.memory_space<vmem>>
            %dma_start3A_464 = arith.constant 0 : i32
            %dma_start3A_465 = tpu.memref_slice %arg4[%dma_start3A_464, %mul3A_451] : memref<1x320000xi32, #tpu.memory_space<hbm>> -> memref<1x128xi32, #tpu.memory_space<hbm>>
            tpu.enqueue_dma source(%dma_start3A_465 : memref<1x128xi32, #tpu.memory_space<hbm>>) target(%dma_start3A_463 : memref<1x128xi32, #tpu.memory_space<vmem>>) target_semaphore(%dma_start3A_459 : memref<!tpu.dma_semaphore, #tpu.memory_space<semaphore_mem>>)
            "tpu.trace_stop"() : () -> ()
          } else {
          }
          %and3A_243 = arith.constant true
          %and3A_244 = arith.andi %and3A_239, %and3A_243 : i1
          %add3A_245 = arith.constant 1 : i32
          %add3A_246 = arith.addi %while3A_176, %add3A_245 : i32
          %select_n3A_247 = arith.select %and3A_244, %add3A_246, %while3A_176 : i32
          %ne3A_248 = arith.cmpi ne, %add3A_188, %add3A_206 : i32
          %or3A_249 = arith.constant false
          %or3A_250 = arith.ori %or3A_249, %ne3A_248 : i1
          %or3A_251 = arith.constant false
          %or3A_252 = arith.ori %or3A_250, %or3A_251 : i1
          %sub3A_253 = arith.constant 2 : i32
          %sub3A_254 = arith.subi %mul3A_182, %sub3A_253 : i32
          %add3A_255 = arith.constant 1 : i32
          %add3A_256 = arith.addi %sub3A_254, %add3A_255 : i32
          %ge3A_257 = arith.cmpi sge, %while3A_173, %add3A_256 : i32
          %not3A_258 = arith.constant true
          %not3A_259 = arith.xori %ge3A_257, %not3A_258 : i1
          %and3A_260 = arith.andi %or3A_252, %not3A_259 : i1
          %ne3A_261 = arith.cmpi ne, %add3A_188, %add3A_198 : i32
          %or3A_262 = arith.constant false
          %or3A_263 = arith.ori %or3A_262, %ne3A_261 : i1
          %or3A_264 = arith.ori %or3A_263, %eq3A_184 : i1
          %convert_element_type3A_265 = arith.extui %or3A_264 : i1 to i32
          %cond3A_266 = arith.constant 0 : i32
          %cond3A_267 = arith.cmpi ne, %convert_element_type3A_265, %cond3A_266 : i32
          scf.if %cond3A_267 {
            "tpu.trace_start"() <{level = 10 : i32, message = "ep_wait_in"}> : () -> ()
            %mul3A_448 = arith.constant 128 : i32
            %mul3A_449 = arith.muli %mul3A_448, %add3A_188 : i32
            %rem3A_450 = arith.constant 2 : i32
            %rem3A_451 = arith.remui %while3A_175, %rem3A_450 : i32
            %dma_wait3A_452 = arith.constant 0 : i32
            %dma_wait3A_453 = arith.constant 0 : i32
            %dma_wait3A_454 = tpu.memref_slice %run_scoped3A[%rem3A_451, %dma_wait3A_452, %dma_wait3A_453] : memref<2x1x128xi32, #tpu.memory_space<vmem>> -> memref<1x1x128xi32, #tpu.memory_space<vmem>>
            %dma_wait3A_455 = tpu.memref_squeeze %dma_wait3A_454 : memref<1x1x128xi32, #tpu.memory_space<vmem>> -> memref<1x128xi32, #tpu.memory_space<vmem>>
            %dma_wait3A_456 = arith.constant 0 : i32
            %dma_wait3A_457 = tpu.memref_slice %arg3[%dma_wait3A_456, %mul3A_449] : memref<1x320000xi32, #tpu.memory_space<hbm>> -> memref<1x128xi32, #tpu.memory_space<hbm>>
            %dma_wait3A_458 = tpu.memref_slice %run_scoped3A_17[%rem3A_451] : memref<2x!tpu.dma_semaphore, #tpu.memory_space<semaphore_mem>> -> memref<1x!tpu.dma_semaphore, #tpu.memory_space<semaphore_mem>>
            %dma_wait3A_459 = tpu.memref_squeeze %dma_wait3A_458 : memref<1x!tpu.dma_semaphore, #tpu.memory_space<semaphore_mem>> -> memref<!tpu.dma_semaphore, #tpu.memory_space<semaphore_mem>>
            %dma_wait3A_460 = arith.constant 0 : i32
            %dma_wait3A_461 = arith.constant 0 : i32
            %dma_wait3A_462 = tpu.memref_slice %run_scoped3A[%rem3A_451, %dma_wait3A_460, %dma_wait3A_461] : memref<2x1x128xi32, #tpu.memory_space<vmem>> -> memref<1x1x128xi32, #tpu.memory_space<vmem>>
            %dma_wait3A_463 = tpu.memref_squeeze %dma_wait3A_462 : memref<1x1x128xi32, #tpu.memory_space<vmem>> -> memref<1x128xi32, #tpu.memory_space<vmem>>
            %dma_wait3A_464 = arith.constant 0 : i32
            %dma_wait3A_465 = tpu.memref_slice %arg3[%dma_wait3A_464, %mul3A_449] : memref<1x320000xi32, #tpu.memory_space<hbm>> -> memref<1x128xi32, #tpu.memory_space<hbm>>
            tpu.wait_dma2 semaphore(%dma_wait3A_459 : memref<!tpu.dma_semaphore, #tpu.memory_space<semaphore_mem>>) src(%dma_wait3A_465 : memref<1x128xi32, #tpu.memory_space<hbm>>) dst(%dma_wait3A_463 : memref<1x128xi32, #tpu.memory_space<vmem>>)
            "tpu.trace_stop"() : () -> ()
          } else {
          }
          %ne3A_268 = arith.cmpi ne, %add3A_188, %add3A_198 : i32
          %or3A_269 = arith.constant false
          %or3A_270 = arith.ori %or3A_269, %ne3A_268 : i1
          %or3A_271 = arith.ori %or3A_270, %eq3A_184 : i1
          %convert_element_type3A_272 = arith.extui %or3A_271 : i1 to i32
          %cond3A_273 = arith.constant 0 : i32
          %cond3A_274 = arith.cmpi ne, %convert_element_type3A_272, %cond3A_273 : i32
          scf.if %cond3A_274 {
            "tpu.trace_start"() <{level = 10 : i32, message = "ep_wait_in"}> : () -> ()
            %mul3A_448 = arith.constant 128 : i32
            %mul3A_449 = arith.muli %mul3A_448, %add3A_188 : i32
            %rem3A_450 = arith.constant 2 : i32
            %rem3A_451 = arith.remui %while3A_177, %rem3A_450 : i32
            %dma_wait3A_452 = arith.constant 0 : i32
            %dma_wait3A_453 = arith.constant 0 : i32
            %dma_wait3A_454 = tpu.memref_slice %run_scoped3A_18[%rem3A_451, %dma_wait3A_452, %dma_wait3A_453] : memref<2x1x128xi32, #tpu.memory_space<vmem>> -> memref<1x1x128xi32, #tpu.memory_space<vmem>>
            %dma_wait3A_455 = tpu.memref_squeeze %dma_wait3A_454 : memref<1x1x128xi32, #tpu.memory_space<vmem>> -> memref<1x128xi32, #tpu.memory_space<vmem>>
            %dma_wait3A_456 = arith.constant 0 : i32
            %dma_wait3A_457 = tpu.memref_slice %arg4[%dma_wait3A_456, %mul3A_449] : memref<1x320000xi32, #tpu.memory_space<hbm>> -> memref<1x128xi32, #tpu.memory_space<hbm>>
            %dma_wait3A_458 = tpu.memref_slice %run_scoped3A_19[%rem3A_451] : memref<2x!tpu.dma_semaphore, #tpu.memory_space<semaphore_mem>> -> memref<1x!tpu.dma_semaphore, #tpu.memory_space<semaphore_mem>>
            %dma_wait3A_459 = tpu.memref_squeeze %dma_wait3A_458 : memref<1x!tpu.dma_semaphore, #tpu.memory_space<semaphore_mem>> -> memref<!tpu.dma_semaphore, #tpu.memory_space<semaphore_mem>>
            %dma_wait3A_460 = arith.constant 0 : i32
            %dma_wait3A_461 = arith.constant 0 : i32
            %dma_wait3A_462 = tpu.memref_slice %run_scoped3A_18[%rem3A_451, %dma_wait3A_460, %dma_wait3A_461] : memref<2x1x128xi32, #tpu.memory_space<vmem>> -> memref<1x1x128xi32, #tpu.memory_space<vmem>>
            %dma_wait3A_463 = tpu.memref_squeeze %dma_wait3A_462 : memref<1x1x128xi32, #tpu.memory_space<vmem>> -> memref<1x128xi32, #tpu.memory_space<vmem>>
            %dma_wait3A_464 = arith.constant 0 : i32
            %dma_wait3A_465 = tpu.memref_slice %arg4[%dma_wait3A_464, %mul3A_449] : memref<1x320000xi32, #tpu.memory_space<hbm>> -> memref<1x128xi32, #tpu.memory_space<hbm>>
            tpu.wait_dma2 semaphore(%dma_wait3A_459 : memref<!tpu.dma_semaphore, #tpu.memory_space<semaphore_mem>>) src(%dma_wait3A_465 : memref<1x128xi32, #tpu.memory_space<hbm>>) dst(%dma_wait3A_463 : memref<1x128xi32, #tpu.memory_space<vmem>>)
            "tpu.trace_stop"() : () -> ()
          } else {
          }
          %ne3A_275 = arith.cmpi ne, %add3A_188, %add3A_198 : i32
          %or3A_276 = arith.constant false
          %or3A_277 = arith.ori %or3A_276, %ne3A_275 : i1
          %or3A_278 = arith.constant false
          %or3A_279 = arith.ori %or3A_277, %or3A_278 : i1
          %or3A_280 = arith.ori %or3A_279, %eq3A_184 : i1
          %convert_element_type3A_281 = arith.extui %or3A_280 : i1 to i32
          %cond3A_282 = arith.constant 0 : i32
          %cond3A_283 = arith.cmpi ne, %convert_element_type3A_281, %cond3A_282 : i32
          scf.if %cond3A_283 {
          } else {
          }
          %rem3A_284 = arith.constant 2 : i32
          %rem3A_285 = arith.remui %while3A_175, %rem3A_284 : i32
          %rem3A_286 = arith.constant 2 : i32
          %rem3A_287 = arith.remui %while3A_177, %rem3A_286 : i32
          %rem3A_288 = arith.constant 2 : i32
          %rem3A_289 = arith.remui %while3A_178, %rem3A_288 : i32
          %dma_start3A_290 = arith.constant 0 : i32
          %dma_start3A_291 = arith.constant 0 : i32
          "tpu.trace_start"() <{level = 10 : i32, message = "ep_run_kernel"}> : () -> ()
          %dma_start3A_292 = arith.constant 0 : i32
          %dma_start3A_293 = arith.constant 0 : i32
          %dma_start3A_294 = tpu.memref_slice %run_scoped3A[%rem3A_285, %dma_start3A_292, %dma_start3A_293] : memref<2x1x128xi32, #tpu.memory_space<vmem>> -> memref<1x1x128xi32, #tpu.memory_space<vmem>>
          %dma_start3A_295 = tpu.memref_squeeze %dma_start3A_294 : memref<1x1x128xi32, #tpu.memory_space<vmem>> -> memref<1x128xi32, #tpu.memory_space<vmem>>
          %dma_start3A_296 = arith.constant 0 : i32
          %dma_start3A_297 = tpu.memref_slice %dma_start3A_295[%dma_start3A_290, %dma_start3A_296] : memref<1x128xi32, #tpu.memory_space<vmem>> -> memref<1x128xi32, #tpu.memory_space<vmem>>
          %dma_start3A_298 = tpu.memref_squeeze %dma_start3A_297 : memref<1x128xi32, #tpu.memory_space<vmem>> -> memref<128xi32, #tpu.memory_space<vmem>>
          %dma_start3A_299 = arith.constant 0 : i32
          %dma_start3A_300 = arith.constant 0 : i32
          %dma_start3A_301 = tpu.memref_slice %arg2[%dma_start3A_299, %dma_start3A_300] : memref<10000x128xf32, #tpu.memory_space<hbm>> -> memref<10000x128xf32, #tpu.memory_space<hbm>>
          %dma_start3A_302 = tpu.memref_slice %arg7[%dma_start3A_291] : memref<2x!tpu.dma_semaphore, #tpu.memory_space<semaphore_mem>> -> memref<1x!tpu.dma_semaphore, #tpu.memory_space<semaphore_mem>>
          %dma_start3A_303 = tpu.memref_squeeze %dma_start3A_302 : memref<1x!tpu.dma_semaphore, #tpu.memory_space<semaphore_mem>> -> memref<!tpu.dma_semaphore, #tpu.memory_space<semaphore_mem>>
          tpu.enqueue_indirect_dma source(%dma_start3A_301 : memref<10000x128xf32, #tpu.memory_space<hbm>>) target(%arg6 : memref<128x128xf32, #tpu.memory_space<vmem>>) offsets(%dma_start3A_298 : memref<128xi32, #tpu.memory_space<vmem>>) semaphore(%dma_start3A_303 : memref<!tpu.dma_semaphore, #tpu.memory_space<semaphore_mem>>)
          %dma_start3A_304 = arith.constant 0 : i32
          %dma_start3A_305 = arith.constant 1 : i32
          %dma_start3A_306 = arith.constant 0 : i32
          %dma_start3A_307 = arith.constant 0 : i32
          %dma_start3A_308 = tpu.memref_slice %run_scoped3A_20[%rem3A_289, %dma_start3A_306, %dma_start3A_307] : memref<2x128x128xf32, #tpu.memory_space<vmem>> -> memref<1x128x128xf32, #tpu.memory_space<vmem>>
          %dma_start3A_309 = tpu.memref_squeeze %dma_start3A_308 : memref<1x128x128xf32, #tpu.memory_space<vmem>> -> memref<128x128xf32, #tpu.memory_space<vmem>>
          %dma_start3A_310 = arith.constant 0 : i32
          %dma_start3A_311 = arith.constant 0 : i32
          %dma_start3A_312 = tpu.memref_slice %run_scoped3A_18[%rem3A_287, %dma_start3A_310, %dma_start3A_311] : memref<2x1x128xi32, #tpu.memory_space<vmem>> -> memref<1x1x128xi32, #tpu.memory_space<vmem>>
          %dma_start3A_313 = tpu.memref_squeeze %dma_start3A_312 : memref<1x1x128xi32, #tpu.memory_space<vmem>> -> memref<1x128xi32, #tpu.memory_space<vmem>>
          %dma_start3A_314 = arith.constant 0 : i32
          %dma_start3A_315 = tpu.memref_slice %dma_start3A_313[%dma_start3A_304, %dma_start3A_314] : memref<1x128xi32, #tpu.memory_space<vmem>> -> memref<1x128xi32, #tpu.memory_space<vmem>>
          %dma_start3A_316 = tpu.memref_squeeze %dma_start3A_315 : memref<1x128xi32, #tpu.memory_space<vmem>> -> memref<128xi32, #tpu.memory_space<vmem>>
          %dma_start3A_317 = arith.constant 0 : i32
          %dma_start3A_318 = arith.constant 0 : i32
          %dma_start3A_319 = tpu.memref_slice %arg2[%dma_start3A_317, %dma_start3A_318] : memref<10000x128xf32, #tpu.memory_space<hbm>> -> memref<10000x128xf32, #tpu.memory_space<hbm>>
          %dma_start3A_320 = tpu.memref_slice %arg7[%dma_start3A_305] : memref<2x!tpu.dma_semaphore, #tpu.memory_space<semaphore_mem>> -> memref<1x!tpu.dma_semaphore, #tpu.memory_space<semaphore_mem>>
          %dma_start3A_321 = tpu.memref_squeeze %dma_start3A_320 : memref<1x!tpu.dma_semaphore, #tpu.memory_space<semaphore_mem>> -> memref<!tpu.dma_semaphore, #tpu.memory_space<semaphore_mem>>
          tpu.enqueue_indirect_dma source(%dma_start3A_319 : memref<10000x128xf32, #tpu.memory_space<hbm>>) target(%dma_start3A_309 : memref<128x128xf32, #tpu.memory_space<vmem>>) offsets(%dma_start3A_316 : memref<128xi32, #tpu.memory_space<vmem>>) semaphore(%dma_start3A_321 : memref<!tpu.dma_semaphore, #tpu.memory_space<semaphore_mem>>)
          %dma_wait3A = arith.constant 0 : i32
          %dma_wait3A_322 = arith.constant 0 : i32
          %dma_wait3A_323 = arith.constant 0 : i32
          %dma_wait3A_324 = arith.constant 0 : i32
          %dma_wait3A_325 = tpu.memref_slice %run_scoped3A[%rem3A_285, %dma_wait3A_323, %dma_wait3A_324] : memref<2x1x128xi32, #tpu.memory_space<vmem>> -> memref<1x1x128xi32, #tpu.memory_space<vmem>>
          %dma_wait3A_326 = tpu.memref_squeeze %dma_wait3A_325 : memref<1x1x128xi32, #tpu.memory_space<vmem>> -> memref<1x128xi32, #tpu.memory_space<vmem>>
          %dma_wait3A_327 = arith.constant 0 : i32
          %dma_wait3A_328 = tpu.memref_slice %dma_wait3A_326[%dma_wait3A, %dma_wait3A_327] : memref<1x128xi32, #tpu.memory_space<vmem>> -> memref<1x128xi32, #tpu.memory_space<vmem>>
          %dma_wait3A_329 = tpu.memref_squeeze %dma_wait3A_328 : memref<1x128xi32, #tpu.memory_space<vmem>> -> memref<128xi32, #tpu.memory_space<vmem>>
          %dma_wait3A_330 = arith.constant 0 : i32
          %dma_wait3A_331 = arith.constant 0 : i32
          %dma_wait3A_332 = tpu.memref_slice %arg2[%dma_wait3A_330, %dma_wait3A_331] : memref<10000x128xf32, #tpu.memory_space<hbm>> -> memref<10000x128xf32, #tpu.memory_space<hbm>>
          %dma_wait3A_333 = tpu.memref_slice %arg7[%dma_wait3A_322] : memref<2x!tpu.dma_semaphore, #tpu.memory_space<semaphore_mem>> -> memref<1x!tpu.dma_semaphore, #tpu.memory_space<semaphore_mem>>
          %dma_wait3A_334 = tpu.memref_squeeze %dma_wait3A_333 : memref<1x!tpu.dma_semaphore, #tpu.memory_space<semaphore_mem>> -> memref<!tpu.dma_semaphore, #tpu.memory_space<semaphore_mem>>
          tpu.wait_indirect_dma semaphore(%dma_wait3A_334 : memref<!tpu.dma_semaphore, #tpu.memory_space<semaphore_mem>>) src(%dma_wait3A_332 : memref<10000x128xf32, #tpu.memory_space<hbm>>) dst(%arg6 : memref<128x128xf32, #tpu.memory_space<vmem>>)
          %dma_wait3A_335 = arith.constant 0 : i32
          %dma_wait3A_336 = arith.constant 1 : i32
          %dma_wait3A_337 = arith.constant 0 : i32
          %dma_wait3A_338 = arith.constant 0 : i32
          %dma_wait3A_339 = tpu.memref_slice %run_scoped3A_20[%rem3A_289, %dma_wait3A_337, %dma_wait3A_338] : memref<2x128x128xf32, #tpu.memory_space<vmem>> -> memref<1x128x128xf32, #tpu.memory_space<vmem>>
          %dma_wait3A_340 = tpu.memref_squeeze %dma_wait3A_339 : memref<1x128x128xf32, #tpu.memory_space<vmem>> -> memref<128x128xf32, #tpu.memory_space<vmem>>
          %dma_wait3A_341 = arith.constant 0 : i32
          %dma_wait3A_342 = arith.constant 0 : i32
          %dma_wait3A_343 = tpu.memref_slice %run_scoped3A_18[%rem3A_287, %dma_wait3A_341, %dma_wait3A_342] : memref<2x1x128xi32, #tpu.memory_space<vmem>> -> memref<1x1x128xi32, #tpu.memory_space<vmem>>
          %dma_wait3A_344 = tpu.memref_squeeze %dma_wait3A_343 : memref<1x1x128xi32, #tpu.memory_space<vmem>> -> memref<1x128xi32, #tpu.memory_space<vmem>>
          %dma_wait3A_345 = arith.constant 0 : i32
          %dma_wait3A_346 = tpu.memref_slice %dma_wait3A_344[%dma_wait3A_335, %dma_wait3A_345] : memref<1x128xi32, #tpu.memory_space<vmem>> -> memref<1x128xi32, #tpu.memory_space<vmem>>
          %dma_wait3A_347 = tpu.memref_squeeze %dma_wait3A_346 : memref<1x128xi32, #tpu.memory_space<vmem>> -> memref<128xi32, #tpu.memory_space<vmem>>
          %dma_wait3A_348 = arith.constant 0 : i32
          %dma_wait3A_349 = arith.constant 0 : i32
          %dma_wait3A_350 = tpu.memref_slice %arg2[%dma_wait3A_348, %dma_wait3A_349] : memref<10000x128xf32, #tpu.memory_space<hbm>> -> memref<10000x128xf32, #tpu.memory_space<hbm>>
          %dma_wait3A_351 = tpu.memref_slice %arg7[%dma_wait3A_336] : memref<2x!tpu.dma_semaphore, #tpu.memory_space<semaphore_mem>> -> memref<1x!tpu.dma_semaphore, #tpu.memory_space<semaphore_mem>>
          %dma_wait3A_352 = tpu.memref_squeeze %dma_wait3A_351 : memref<1x!tpu.dma_semaphore, #tpu.memory_space<semaphore_mem>> -> memref<!tpu.dma_semaphore, #tpu.memory_space<semaphore_mem>>
          tpu.wait_indirect_dma semaphore(%dma_wait3A_352 : memref<!tpu.dma_semaphore, #tpu.memory_space<semaphore_mem>>) src(%dma_wait3A_350 : memref<10000x128xf32, #tpu.memory_space<hbm>>) dst(%dma_wait3A_340 : memref<128x128xf32, #tpu.memory_space<vmem>>)
          %scan3A = arith.constant 0 : i32
          %scan3A_353 = arith.constant 128 : i32
          %scan3A_354 = arith.addi %scan3A, %scan3A_353 : i32
          %scan3A_355 = arith.constant 1 : i32
          scf.for %scan3A_448 = %scan3A to %scan3A_354 step %scan3A_355  : i32 {
            %mul3A_449 = arith.constant 1 : i32
            %mul3A_450 = arith.muli %scan3A_448, %mul3A_449 : i32
            %add3A_451 = arith.constant 0 : i32
            %add3A_452 = arith.addi %add3A_451, %mul3A_450 : i32
            %get3A = arith.constant 0 : i32
            %get3A_453 = arith.constant 0 : i32
            %get3A_454 = tpu.memref_slice %run_scoped3A_20[%rem3A_289, %get3A, %get3A_453] : memref<2x128x128xf32, #tpu.memory_space<vmem>> -> memref<1x128x128xf32, #tpu.memory_space<vmem>>
            %get3A_455 = tpu.memref_squeeze %get3A_454 : memref<1x128x128xf32, #tpu.memory_space<vmem>> -> memref<128x128xf32, #tpu.memory_space<vmem>>
            %get3A_456 = arith.index_cast %add3A_452 : i32 to index
            %get3A_457 = arith.constant 0 : index
            %get3A_458 = tpu.vector_load %get3A_455[%get3A_456, %get3A_457] {strides = array<i32>} : memref<128x128xf32, #tpu.memory_space<vmem>>, vector<16xf32>,
            %get3A_459 = arith.index_cast %add3A_452 : i32 to index
            %get3A_460 = arith.constant 0 : index
            %get3A_461 = tpu.vector_load %arg6[%get3A_459, %get3A_460] {strides = array<i32>} : memref<128x128xf32, #tpu.memory_space<vmem>>, vector<16xf32>,
            %mul3A_462 = arith.mulf %get3A_458, %get3A_461 : vector<16xf32>
            %swap3A = arith.constant 0 : i32
            %swap3A_463 = arith.constant 0 : i32
            %swap3A_464 = tpu.memref_slice %run_scoped3A_20[%rem3A_289, %swap3A, %swap3A_463] : memref<2x128x128xf32, #tpu.memory_space<vmem>> -> memref<1x128x128xf32, #tpu.memory_space<vmem>>
            %swap3A_465 = tpu.memref_squeeze %swap3A_464 : memref<1x128x128xf32, #tpu.memory_space<vmem>> -> memref<128x128xf32, #tpu.memory_space<vmem>>
            %swap3A_466 = arith.index_cast %add3A_452 : i32 to index
            %swap3A_467 = arith.constant 0 : index
            %swap3A_468 = tpu.vector_load %swap3A_465[%swap3A_466, %swap3A_467] {strides = array<i32>} : memref<128x128xf32, #tpu.memory_space<vmem>>, vector<16xf32>,
            tpu.vector_store %swap3A_465[%swap3A_466, %swap3A_467], %mul3A_462 {strides = array<i32>} : memref<128x128xf32, #tpu.memory_space<vmem>>, vector<16xf32>,
            %get3A_469 = arith.constant 0 : i32
            %get3A_470 = arith.constant 0 : i32
            %get3A_471 = tpu.memref_slice %run_scoped3A_20[%rem3A_289, %get3A_469, %get3A_470] : memref<2x128x128xf32, #tpu.memory_space<vmem>> -> memref<1x128x128xf32, #tpu.memory_space<vmem>>
            %get3A_472 = tpu.memref_squeeze %get3A_471 : memref<1x128x128xf32, #tpu.memory_space<vmem>> -> memref<128x128xf32, #tpu.memory_space<vmem>>
            %get3A_473 = arith.index_cast %add3A_452 : i32 to index
            %get3A_474 = arith.constant 16 : index
            %get3A_475 = tpu.vector_load %get3A_472[%get3A_473, %get3A_474] {strides = array<i32>} : memref<128x128xf32, #tpu.memory_space<vmem>>, vector<16xf32>,
            %get3A_476 = arith.index_cast %add3A_452 : i32 to index
            %get3A_477 = arith.constant 16 : index
            %get3A_478 = tpu.vector_load %arg6[%get3A_476, %get3A_477] {strides = array<i32>} : memref<128x128xf32, #tpu.memory_space<vmem>>, vector<16xf32>,
            %mul3A_479 = arith.mulf %get3A_475, %get3A_478 : vector<16xf32>
            %swap3A_480 = arith.constant 0 : i32
            %swap3A_481 = arith.constant 0 : i32
            %swap3A_482 = tpu.memref_slice %run_scoped3A_20[%rem3A_289, %swap3A_480, %swap3A_481] : memref<2x128x128xf32, #tpu.memory_space<vmem>> -> memref<1x128x128xf32, #tpu.memory_space<vmem>>
            %swap3A_483 = tpu.memref_squeeze %swap3A_482 : memref<1x128x128xf32, #tpu.memory_space<vmem>> -> memref<128x128xf32, #tpu.memory_space<vmem>>
            %swap3A_484 = arith.index_cast %add3A_452 : i32 to index
            %swap3A_485 = arith.constant 16 : index
            %swap3A_486 = tpu.vector_load %swap3A_483[%swap3A_484, %swap3A_485] {strides = array<i32>} : memref<128x128xf32, #tpu.memory_space<vmem>>, vector<16xf32>,
            tpu.vector_store %swap3A_483[%swap3A_484, %swap3A_485], %mul3A_479 {strides = array<i32>} : memref<128x128xf32, #tpu.memory_space<vmem>>, vector<16xf32>,
            %get3A_487 = arith.constant 0 : i32
            %get3A_488 = arith.constant 0 : i32
            %get3A_489 = tpu.memref_slice %run_scoped3A_20[%rem3A_289, %get3A_487, %get3A_488] : memref<2x128x128xf32, #tpu.memory_space<vmem>> -> memref<1x128x128xf32, #tpu.memory_space<vmem>>
            %get3A_490 = tpu.memref_squeeze %get3A_489 : memref<1x128x128xf32, #tpu.memory_space<vmem>> -> memref<128x128xf32, #tpu.memory_space<vmem>>
            %get3A_491 = arith.index_cast %add3A_452 : i32 to index
            %get3A_492 = arith.constant 32 : index
            %get3A_493 = tpu.vector_load %get3A_490[%get3A_491, %get3A_492] {strides = array<i32>} : memref<128x128xf32, #tpu.memory_space<vmem>>, vector<16xf32>,
            %get3A_494 = arith.index_cast %add3A_452 : i32 to index
            %get3A_495 = arith.constant 32 : index
            %get3A_496 = tpu.vector_load %arg6[%get3A_494, %get3A_495] {strides = array<i32>} : memref<128x128xf32, #tpu.memory_space<vmem>>, vector<16xf32>,
            %mul3A_497 = arith.mulf %get3A_493, %get3A_496 : vector<16xf32>
            %swap3A_498 = arith.constant 0 : i32
            %swap3A_499 = arith.constant 0 : i32
            %swap3A_500 = tpu.memref_slice %run_scoped3A_20[%rem3A_289, %swap3A_498, %swap3A_499] : memref<2x128x128xf32, #tpu.memory_space<vmem>> -> memref<1x128x128xf32, #tpu.memory_space<vmem>>
            %swap3A_501 = tpu.memref_squeeze %swap3A_500 : memref<1x128x128xf32, #tpu.memory_space<vmem>> -> memref<128x128xf32, #tpu.memory_space<vmem>>
            %swap3A_502 = arith.index_cast %add3A_452 : i32 to index
            %swap3A_503 = arith.constant 32 : index
            %swap3A_504 = tpu.vector_load %swap3A_501[%swap3A_502, %swap3A_503] {strides = array<i32>} : memref<128x128xf32, #tpu.memory_space<vmem>>, vector<16xf32>,
            tpu.vector_store %swap3A_501[%swap3A_502, %swap3A_503], %mul3A_497 {strides = array<i32>} : memref<128x128xf32, #tpu.memory_space<vmem>>, vector<16xf32>,
            %get3A_505 = arith.constant 0 : i32
            %get3A_506 = arith.constant 0 : i32
            %get3A_507 = tpu.memref_slice %run_scoped3A_20[%rem3A_289, %get3A_505, %get3A_506] : memref<2x128x128xf32, #tpu.memory_space<vmem>> -> memref<1x128x128xf32, #tpu.memory_space<vmem>>
            %get3A_508 = tpu.memref_squeeze %get3A_507 : memref<1x128x128xf32, #tpu.memory_space<vmem>> -> memref<128x128xf32, #tpu.memory_space<vmem>>
            %get3A_509 = arith.index_cast %add3A_452 : i32 to index
            %get3A_510 = arith.constant 48 : index
            %get3A_511 = tpu.vector_load %get3A_508[%get3A_509, %get3A_510] {strides = array<i32>} : memref<128x128xf32, #tpu.memory_space<vmem>>, vector<16xf32>,
            %get3A_512 = arith.index_cast %add3A_452 : i32 to index
            %get3A_513 = arith.constant 48 : index
            %get3A_514 = tpu.vector_load %arg6[%get3A_512, %get3A_513] {strides = array<i32>} : memref<128x128xf32, #tpu.memory_space<vmem>>, vector<16xf32>,
            %mul3A_515 = arith.mulf %get3A_511, %get3A_514 : vector<16xf32>
            %swap3A_516 = arith.constant 0 : i32
            %swap3A_517 = arith.constant 0 : i32
            %swap3A_518 = tpu.memref_slice %run_scoped3A_20[%rem3A_289, %swap3A_516, %swap3A_517] : memref<2x128x128xf32, #tpu.memory_space<vmem>> -> memref<1x128x128xf32, #tpu.memory_space<vmem>>
            %swap3A_519 = tpu.memref_squeeze %swap3A_518 : memref<1x128x128xf32, #tpu.memory_space<vmem>> -> memref<128x128xf32, #tpu.memory_space<vmem>>
            %swap3A_520 = arith.index_cast %add3A_452 : i32 to index
            %swap3A_521 = arith.constant 48 : index
            %swap3A_522 = tpu.vector_load %swap3A_519[%swap3A_520, %swap3A_521] {strides = array<i32>} : memref<128x128xf32, #tpu.memory_space<vmem>>, vector<16xf32>,
            tpu.vector_store %swap3A_519[%swap3A_520, %swap3A_521], %mul3A_515 {strides = array<i32>} : memref<128x128xf32, #tpu.memory_space<vmem>>, vector<16xf32>,
            %get3A_523 = arith.constant 0 : i32
            %get3A_524 = arith.constant 0 : i32
            %get3A_525 = tpu.memref_slice %run_scoped3A_20[%rem3A_289, %get3A_523, %get3A_524] : memref<2x128x128xf32, #tpu.memory_space<vmem>> -> memref<1x128x128xf32, #tpu.memory_space<vmem>>
            %get3A_526 = tpu.memref_squeeze %get3A_525 : memref<1x128x128xf32, #tpu.memory_space<vmem>> -> memref<128x128xf32, #tpu.memory_space<vmem>>
            %get3A_527 = arith.index_cast %add3A_452 : i32 to index
            %get3A_528 = arith.constant 64 : index
            %get3A_529 = tpu.vector_load %get3A_526[%get3A_527, %get3A_528] {strides = array<i32>} : memref<128x128xf32, #tpu.memory_space<vmem>>, vector<16xf32>,
            %get3A_530 = arith.index_cast %add3A_452 : i32 to index
            %get3A_531 = arith.constant 64 : index
            %get3A_532 = tpu.vector_load %arg6[%get3A_530, %get3A_531] {strides = array<i32>} : memref<128x128xf32, #tpu.memory_space<vmem>>, vector<16xf32>,
            %mul3A_533 = arith.mulf %get3A_529, %get3A_532 : vector<16xf32>
            %swap3A_534 = arith.constant 0 : i32
            %swap3A_535 = arith.constant 0 : i32
            %swap3A_536 = tpu.memref_slice %run_scoped3A_20[%rem3A_289, %swap3A_534, %swap3A_535] : memref<2x128x128xf32, #tpu.memory_space<vmem>> -> memref<1x128x128xf32, #tpu.memory_space<vmem>>
            %swap3A_537 = tpu.memref_squeeze %swap3A_536 : memref<1x128x128xf32, #tpu.memory_space<vmem>> -> memref<128x128xf32, #tpu.memory_space<vmem>>
            %swap3A_538 = arith.index_cast %add3A_452 : i32 to index
            %swap3A_539 = arith.constant 64 : index
            %swap3A_540 = tpu.vector_load %swap3A_537[%swap3A_538, %swap3A_539] {strides = array<i32>} : memref<128x128xf32, #tpu.memory_space<vmem>>, vector<16xf32>,
            tpu.vector_store %swap3A_537[%swap3A_538, %swap3A_539], %mul3A_533 {strides = array<i32>} : memref<128x128xf32, #tpu.memory_space<vmem>>, vector<16xf32>,
            %get3A_541 = arith.constant 0 : i32
            %get3A_542 = arith.constant 0 : i32
            %get3A_543 = tpu.memref_slice %run_scoped3A_20[%rem3A_289, %get3A_541, %get3A_542] : memref<2x128x128xf32, #tpu.memory_space<vmem>> -> memref<1x128x128xf32, #tpu.memory_space<vmem>>
            %get3A_544 = tpu.memref_squeeze %get3A_543 : memref<1x128x128xf32, #tpu.memory_space<vmem>> -> memref<128x128xf32, #tpu.memory_space<vmem>>
            %get3A_545 = arith.index_cast %add3A_452 : i32 to index
            %get3A_546 = arith.constant 80 : index
            %get3A_547 = tpu.vector_load %get3A_544[%get3A_545, %get3A_546] {strides = array<i32>} : memref<128x128xf32, #tpu.memory_space<vmem>>, vector<16xf32>,
            %get3A_548 = arith.index_cast %add3A_452 : i32 to index
            %get3A_549 = arith.constant 80 : index
            %get3A_550 = tpu.vector_load %arg6[%get3A_548, %get3A_549] {strides = array<i32>} : memref<128x128xf32, #tpu.memory_space<vmem>>, vector<16xf32>,
            %mul3A_551 = arith.mulf %get3A_547, %get3A_550 : vector<16xf32>
            %swap3A_552 = arith.constant 0 : i32
            %swap3A_553 = arith.constant 0 : i32
            %swap3A_554 = tpu.memref_slice %run_scoped3A_20[%rem3A_289, %swap3A_552, %swap3A_553] : memref<2x128x128xf32, #tpu.memory_space<vmem>> -> memref<1x128x128xf32, #tpu.memory_space<vmem>>
            %swap3A_555 = tpu.memref_squeeze %swap3A_554 : memref<1x128x128xf32, #tpu.memory_space<vmem>> -> memref<128x128xf32, #tpu.memory_space<vmem>>
            %swap3A_556 = arith.index_cast %add3A_452 : i32 to index
            %swap3A_557 = arith.constant 80 : index
            %swap3A_558 = tpu.vector_load %swap3A_555[%swap3A_556, %swap3A_557] {strides = array<i32>} : memref<128x128xf32, #tpu.memory_space<vmem>>, vector<16xf32>,
            tpu.vector_store %swap3A_555[%swap3A_556, %swap3A_557], %mul3A_551 {strides = array<i32>} : memref<128x128xf32, #tpu.memory_space<vmem>>, vector<16xf32>,
            %get3A_559 = arith.constant 0 : i32
            %get3A_560 = arith.constant 0 : i32
            %get3A_561 = tpu.memref_slice %run_scoped3A_20[%rem3A_289, %get3A_559, %get3A_560] : memref<2x128x128xf32, #tpu.memory_space<vmem>> -> memref<1x128x128xf32, #tpu.memory_space<vmem>>
            %get3A_562 = tpu.memref_squeeze %get3A_561 : memref<1x128x128xf32, #tpu.memory_space<vmem>> -> memref<128x128xf32, #tpu.memory_space<vmem>>
            %get3A_563 = arith.index_cast %add3A_452 : i32 to index
            %get3A_564 = arith.constant 96 : index
            %get3A_565 = tpu.vector_load %get3A_562[%get3A_563, %get3A_564] {strides = array<i32>} : memref<128x128xf32, #tpu.memory_space<vmem>>, vector<16xf32>,
            %get3A_566 = arith.index_cast %add3A_452 : i32 to index
            %get3A_567 = arith.constant 96 : index
            %get3A_568 = tpu.vector_load %arg6[%get3A_566, %get3A_567] {strides = array<i32>} : memref<128x128xf32, #tpu.memory_space<vmem>>, vector<16xf32>,
            %mul3A_569 = arith.mulf %get3A_565, %get3A_568 : vector<16xf32>
            %swap3A_570 = arith.constant 0 : i32
            %swap3A_571 = arith.constant 0 : i32
            %swap3A_572 = tpu.memref_slice %run_scoped3A_20[%rem3A_289, %swap3A_570, %swap3A_571] : memref<2x128x128xf32, #tpu.memory_space<vmem>> -> memref<1x128x128xf32, #tpu.memory_space<vmem>>
            %swap3A_573 = tpu.memref_squeeze %swap3A_572 : memref<1x128x128xf32, #tpu.memory_space<vmem>> -> memref<128x128xf32, #tpu.memory_space<vmem>>
            %swap3A_574 = arith.index_cast %add3A_452 : i32 to index
            %swap3A_575 = arith.constant 96 : index
            %swap3A_576 = tpu.vector_load %swap3A_573[%swap3A_574, %swap3A_575] {strides = array<i32>} : memref<128x128xf32, #tpu.memory_space<vmem>>, vector<16xf32>,
            tpu.vector_store %swap3A_573[%swap3A_574, %swap3A_575], %mul3A_569 {strides = array<i32>} : memref<128x128xf32, #tpu.memory_space<vmem>>, vector<16xf32>,
            %get3A_577 = arith.constant 0 : i32
            %get3A_578 = arith.constant 0 : i32
            %get3A_579 = tpu.memref_slice %run_scoped3A_20[%rem3A_289, %get3A_577, %get3A_578] : memref<2x128x128xf32, #tpu.memory_space<vmem>> -> memref<1x128x128xf32, #tpu.memory_space<vmem>>
            %get3A_580 = tpu.memref_squeeze %get3A_579 : memref<1x128x128xf32, #tpu.memory_space<vmem>> -> memref<128x128xf32, #tpu.memory_space<vmem>>
            %get3A_581 = arith.index_cast %add3A_452 : i32 to index
            %get3A_582 = arith.constant 112 : index
            %get3A_583 = tpu.vector_load %get3A_580[%get3A_581, %get3A_582] {strides = array<i32>} : memref<128x128xf32, #tpu.memory_space<vmem>>, vector<16xf32>,
            %get3A_584 = arith.index_cast %add3A_452 : i32 to index
            %get3A_585 = arith.constant 112 : index
            %get3A_586 = tpu.vector_load %arg6[%get3A_584, %get3A_585] {strides = array<i32>} : memref<128x128xf32, #tpu.memory_space<vmem>>, vector<16xf32>,
            %mul3A_587 = arith.mulf %get3A_583, %get3A_586 : vector<16xf32>
            %swap3A_588 = arith.constant 0 : i32
            %swap3A_589 = arith.constant 0 : i32
            %swap3A_590 = tpu.memref_slice %run_scoped3A_20[%rem3A_289, %swap3A_588, %swap3A_589] : memref<2x128x128xf32, #tpu.memory_space<vmem>> -> memref<1x128x128xf32, #tpu.memory_space<vmem>>
            %swap3A_591 = tpu.memref_squeeze %swap3A_590 : memref<1x128x128xf32, #tpu.memory_space<vmem>> -> memref<128x128xf32, #tpu.memory_space<vmem>>
            %swap3A_592 = arith.index_cast %add3A_452 : i32 to index
            %swap3A_593 = arith.constant 112 : index
            %swap3A_594 = tpu.vector_load %swap3A_591[%swap3A_592, %swap3A_593] {strides = array<i32>} : memref<128x128xf32, #tpu.memory_space<vmem>>, vector<16xf32>,
            tpu.vector_store %swap3A_591[%swap3A_592, %swap3A_593], %mul3A_587 {strides = array<i32>} : memref<128x128xf32, #tpu.memory_space<vmem>>, vector<16xf32>,
          }
          %scan3A_356 = arith.constant 128 : i32
          "tpu.trace_stop"() : () -> ()
          %ne3A_357 = arith.cmpi ne, %add3A_188, %add3A_206 : i32
          %or3A_358 = arith.constant false
          %or3A_359 = arith.ori %or3A_358, %ne3A_357 : i1
          %or3A_360 = arith.ori %or3A_359, %eq3A_187 : i1
          %convert_element_type3A_361 = arith.extui %or3A_360 : i1 to i32
          %cond3A_362 = arith.constant 0 : i32
          %cond3A_363 = arith.cmpi ne, %convert_element_type3A_361, %cond3A_362 : i32
          scf.if %cond3A_363 {
          } else {
          }
          %and3A_364 = arith.constant false
          %and3A_365 = arith.andi %or3A_360, %and3A_364 : i1
          %ne3A_366 = arith.cmpi ne, %add3A_188, %add3A_206 : i32
          %or3A_367 = arith.constant false
          %or3A_368 = arith.ori %or3A_367, %ne3A_366 : i1
          %or3A_369 = arith.ori %or3A_368, %eq3A_187 : i1
          %convert_element_type3A_370 = arith.extui %or3A_369 : i1 to i32
          %cond3A_371 = arith.constant 0 : i32
          %cond3A_372 = arith.cmpi ne, %convert_element_type3A_370, %cond3A_371 : i32
          scf.if %cond3A_372 {
          } else {
          }
          %and3A_373 = arith.constant false
          %and3A_374 = arith.andi %or3A_369, %and3A_373 : i1
          %ne3A_375 = arith.cmpi ne, %add3A_188, %add3A_206 : i32
          %or3A_376 = arith.constant false
          %or3A_377 = arith.ori %or3A_376, %ne3A_375 : i1
          %or3A_378 = arith.constant false
          %or3A_379 = arith.ori %or3A_377, %or3A_378 : i1
          %or3A_380 = arith.ori %or3A_379, %eq3A_187 : i1
          %convert_element_type3A_381 = arith.extui %or3A_380 : i1 to i32
          %cond3A_382 = arith.constant 0 : i32
          %cond3A_383 = arith.cmpi ne, %convert_element_type3A_381, %cond3A_382 : i32
          scf.if %cond3A_383 {
            "tpu.trace_start"() <{level = 10 : i32, message = "ep_copy_out"}> : () -> ()
            %rem3A_448 = arith.constant 2 : i32
            %rem3A_449 = arith.remui %while3A_178, %rem3A_448 : i32
            %mul3A_450 = arith.constant 128 : i32
            %mul3A_451 = arith.muli %mul3A_450, %add3A_188 : i32
            %dma_start3A_452 = arith.constant 0 : i32
            %dma_start3A_453 = arith.constant 0 : i32
            %dma_start3A_454 = tpu.memref_slice %run_scoped3A_20[%rem3A_449, %dma_start3A_452, %dma_start3A_453] : memref<2x128x128xf32, #tpu.memory_space<vmem>> -> memref<1x128x128xf32, #tpu.memory_space<vmem>>
            %dma_start3A_455 = tpu.memref_squeeze %dma_start3A_454 : memref<1x128x128xf32, #tpu.memory_space<vmem>> -> memref<128x128xf32, #tpu.memory_space<vmem>>
            %dma_start3A_456 = arith.constant 0 : i32
            %dma_start3A_457 = tpu.memref_slice %arg5[%mul3A_451, %dma_start3A_456] : memref<320000x128xf32, #tpu.memory_space<hbm>> -> memref<128x128xf32, #tpu.memory_space<hbm>>
            %dma_start3A_458 = tpu.memref_slice %run_scoped3A_21[%rem3A_449] : memref<2x!tpu.dma_semaphore, #tpu.memory_space<semaphore_mem>> -> memref<1x!tpu.dma_semaphore, #tpu.memory_space<semaphore_mem>>
            %dma_start3A_459 = tpu.memref_squeeze %dma_start3A_458 : memref<1x!tpu.dma_semaphore, #tpu.memory_space<semaphore_mem>> -> memref<!tpu.dma_semaphore, #tpu.memory_space<semaphore_mem>>
            %dma_start3A_460 = arith.constant 0 : i32
            %dma_start3A_461 = tpu.memref_slice %arg5[%mul3A_451, %dma_start3A_460] : memref<320000x128xf32, #tpu.memory_space<hbm>> -> memref<128x128xf32, #tpu.memory_space<hbm>>
            %dma_start3A_462 = arith.constant 0 : i32
            %dma_start3A_463 = arith.constant 0 : i32
            %dma_start3A_464 = tpu.memref_slice %run_scoped3A_20[%rem3A_449, %dma_start3A_462, %dma_start3A_463] : memref<2x128x128xf32, #tpu.memory_space<vmem>> -> memref<1x128x128xf32, #tpu.memory_space<vmem>>
            %dma_start3A_465 = tpu.memref_squeeze %dma_start3A_464 : memref<1x128x128xf32, #tpu.memory_space<vmem>> -> memref<128x128xf32, #tpu.memory_space<vmem>>
            tpu.enqueue_dma source(%dma_start3A_465 : memref<128x128xf32, #tpu.memory_space<vmem>>) target(%dma_start3A_461 : memref<128x128xf32, #tpu.memory_space<hbm>>) target_semaphore(%dma_start3A_459 : memref<!tpu.dma_semaphore, #tpu.memory_space<semaphore_mem>>)
            "tpu.trace_stop"() : () -> ()
          } else {
          }
          %and3A_384 = arith.constant true
          %and3A_385 = arith.andi %or3A_380, %and3A_384 : i1
          %add3A_386 = arith.constant 1 : i32
          %add3A_387 = arith.addi %while3A_178, %add3A_386 : i32
          %select_n3A_388 = arith.select %and3A_385, %add3A_387, %while3A_178 : i32
          %ne3A_389 = arith.cmpi ne, %add3A_188, %add3A_198 : i32
          %or3A_390 = arith.constant false
          %or3A_391 = arith.ori %or3A_390, %ne3A_389 : i1
          %not3A_392 = arith.constant true
          %not3A_393 = arith.xori %eq3A_184, %not3A_392 : i1
          %and3A_394 = arith.andi %or3A_391, %not3A_393 : i1
          %convert_element_type3A_395 = arith.extui %and3A_394 : i1 to i32
          %cond3A_396 = arith.constant 0 : i32
          %cond3A_397 = arith.cmpi ne, %convert_element_type3A_395, %cond3A_396 : i32
          scf.if %cond3A_397 {
          } else {
          }
          %and3A_398 = arith.constant false
          %and3A_399 = arith.andi %and3A_394, %and3A_398 : i1
          %ne3A_400 = arith.cmpi ne, %add3A_188, %add3A_198 : i32
          %or3A_401 = arith.constant false
          %or3A_402 = arith.ori %or3A_401, %ne3A_400 : i1
          %not3A_403 = arith.constant true
          %not3A_404 = arith.xori %eq3A_184, %not3A_403 : i1
          %and3A_405 = arith.andi %or3A_402, %not3A_404 : i1
          %convert_element_type3A_406 = arith.extui %and3A_405 : i1 to i32
          %cond3A_407 = arith.constant 0 : i32
          %cond3A_408 = arith.cmpi ne, %convert_element_type3A_406, %cond3A_407 : i32
          scf.if %cond3A_408 {
          } else {
          }
          %and3A_409 = arith.constant false
          %and3A_410 = arith.andi %and3A_405, %and3A_409 : i1
          %ne3A_411 = arith.cmpi ne, %add3A_188, %add3A_198 : i32
          %or3A_412 = arith.constant false
          %or3A_413 = arith.ori %or3A_412, %ne3A_411 : i1
          %or3A_414 = arith.constant false
          %or3A_415 = arith.ori %or3A_413, %or3A_414 : i1
          %not3A_416 = arith.constant true
          %not3A_417 = arith.xori %eq3A_184, %not3A_416 : i1
          %and3A_418 = arith.andi %or3A_415, %not3A_417 : i1
          %convert_element_type3A_419 = arith.extui %and3A_418 : i1 to i32
          %cond3A_420 = arith.constant 0 : i32
          %cond3A_421 = arith.cmpi ne, %convert_element_type3A_419, %cond3A_420 : i32
          scf.if %cond3A_421 {
            "tpu.trace_start"() <{level = 10 : i32, message = "ep_wait_out"}> : () -> ()
            %rem3A_448 = arith.constant 2 : i32
            %rem3A_449 = arith.remui %while3A_179, %rem3A_448 : i32
            %mul3A_450 = arith.constant 128 : i32
            %mul3A_451 = arith.muli %mul3A_450, %add3A_198 : i32
            %dma_wait3A_452 = arith.constant 0 : i32
            %dma_wait3A_453 = arith.constant 0 : i32
            %dma_wait3A_454 = tpu.memref_slice %run_scoped3A_20[%rem3A_449, %dma_wait3A_452, %dma_wait3A_453] : memref<2x128x128xf32, #tpu.memory_space<vmem>> -> memref<1x128x128xf32, #tpu.memory_space<vmem>>
            %dma_wait3A_455 = tpu.memref_squeeze %dma_wait3A_454 : memref<1x128x128xf32, #tpu.memory_space<vmem>> -> memref<128x128xf32, #tpu.memory_space<vmem>>
            %dma_wait3A_456 = arith.constant 0 : i32
            %dma_wait3A_457 = tpu.memref_slice %arg5[%mul3A_451, %dma_wait3A_456] : memref<320000x128xf32, #tpu.memory_space<hbm>> -> memref<128x128xf32, #tpu.memory_space<hbm>>
            %dma_wait3A_458 = tpu.memref_slice %run_scoped3A_21[%rem3A_449] : memref<2x!tpu.dma_semaphore, #tpu.memory_space<semaphore_mem>> -> memref<1x!tpu.dma_semaphore, #tpu.memory_space<semaphore_mem>>
            %dma_wait3A_459 = tpu.memref_squeeze %dma_wait3A_458 : memref<1x!tpu.dma_semaphore, #tpu.memory_space<semaphore_mem>> -> memref<!tpu.dma_semaphore, #tpu.memory_space<semaphore_mem>>
            %dma_wait3A_460 = arith.constant 0 : i32
            %dma_wait3A_461 = tpu.memref_slice %arg5[%mul3A_451, %dma_wait3A_460] : memref<320000x128xf32, #tpu.memory_space<hbm>> -> memref<128x128xf32, #tpu.memory_space<hbm>>
            %dma_wait3A_462 = arith.constant 0 : i32
            %dma_wait3A_463 = arith.constant 0 : i32
            %dma_wait3A_464 = tpu.memref_slice %run_scoped3A_20[%rem3A_449, %dma_wait3A_462, %dma_wait3A_463] : memref<2x128x128xf32, #tpu.memory_space<vmem>> -> memref<1x128x128xf32, #tpu.memory_space<vmem>>
            %dma_wait3A_465 = tpu.memref_squeeze %dma_wait3A_464 : memref<1x128x128xf32, #tpu.memory_space<vmem>> -> memref<128x128xf32, #tpu.memory_space<vmem>>
            tpu.wait_dma2 semaphore(%dma_wait3A_459 : memref<!tpu.dma_semaphore, #tpu.memory_space<semaphore_mem>>) src(%dma_wait3A_465 : memref<128x128xf32, #tpu.memory_space<vmem>>) dst(%dma_wait3A_461 : memref<128x128xf32, #tpu.memory_space<hbm>>)
            "tpu.trace_stop"() : () -> ()
          } else {
          }
          %and3A_422 = arith.constant true
          %and3A_423 = arith.andi %and3A_418, %and3A_422 : i1
          %add3A_424 = arith.constant 1 : i32
          %add3A_425 = arith.addi %while3A_179, %add3A_424 : i32
          %select_n3A_426 = arith.select %and3A_423, %add3A_425, %while3A_179 : i32
          %ne3A_427 = arith.cmpi ne, %add3A_188, %add3A_206 : i32
          %or3A_428 = arith.constant false
          %or3A_429 = arith.ori %or3A_428, %ne3A_427 : i1
          %or3A_430 = arith.ori %or3A_429, %eq3A_187 : i1
          %add3A_431 = arith.constant 1 : i32
          %add3A_432 = arith.addi %while3A_175, %add3A_431 : i32
          %select_n3A_433 = arith.select %or3A_430, %add3A_432, %while3A_175 : i32
          %ne3A_434 = arith.cmpi ne, %add3A_188, %add3A_206 : i32
          %or3A_435 = arith.constant false
          %or3A_436 = arith.ori %or3A_435, %ne3A_434 : i1
          %or3A_437 = arith.ori %or3A_436, %eq3A_187 : i1
          %add3A_438 = arith.constant 1 : i32
          %add3A_439 = arith.addi %while3A_177, %add3A_438 : i32
          %select_n3A_440 = arith.select %or3A_437, %add3A_439, %while3A_177 : i32
          %add3A_441 = arith.constant 1 : i32
          %add3A_442 = arith.addi %while3A_180, %add3A_441 : i32
          %select_n3A_443 = arith.constant true
          %select_n3A_444 = arith.select %select_n3A_443, %add3A_442, %while3A_180 : i32
          %eq3A_445 = arith.cmpi eq, %select_n3A_444, %select_n3A : i32
          %select_n3A_446 = arith.constant 0 : i32
          %select_n3A_447 = arith.select %eq3A_445, %select_n3A_446, %select_n3A_444 : i32
          scf.yield %select_n3A_228, %select_n3A_433, %select_n3A_247, %select_n3A_440, %select_n3A_388, %select_n3A_426, %select_n3A_447 : i32, i32, i32, i32, i32, i32, i32
        }
        %sub3A_119 = arith.constant 1 : i32
        %sub3A_120 = arith.subi %while3A_118#6, %sub3A_119 : i32
        %select_n3A_121 = arith.constant true
        %select_n3A_122 = arith.select %select_n3A_121, %sub3A_120, %while3A_118#6 : i32
        %eq3A_123 = arith.constant -1 : i32
        %eq3A_124 = arith.cmpi eq, %select_n3A_122, %eq3A_123 : i32
        %sub3A_125 = arith.constant 1 : i32
        %sub3A_126 = arith.subi %select_n3A, %sub3A_125 : i32
        %select_n3A_127 = arith.select %eq3A_124, %sub3A_126, %select_n3A_122 : i32
        %sub3A_128 = arith.constant 1 : i32
        %sub3A_129 = arith.subi %mul3A_16, %sub3A_128 : i32
        %mul3A_130 = arith.constant 1 : i32
        %mul3A_131 = arith.muli %mul3A_130, %select_n3A : i32
        %eq3A_132 = arith.constant 0 : i32
        %eq3A_133 = arith.cmpi eq, %sub3A_129, %eq3A_132 : i32
        %sub3A_134 = arith.constant 1 : i32
        %sub3A_135 = arith.subi %mul3A_131, %sub3A_134 : i32
        %eq3A_136 = arith.cmpi eq, %sub3A_129, %sub3A_135 : i32
        %add3A_137 = arith.addi %select_n3A_127, %select_n3A_14 : i32
        %sub3A_138 = arith.constant 1 : i32
        %sub3A_139 = arith.subi %select_n3A_127, %sub3A_138 : i32
        %select_n3A_140 = arith.constant true
        %select_n3A_141 = arith.select %select_n3A_140, %sub3A_139, %select_n3A_127 : i32
        %eq3A_142 = arith.constant -1 : i32
        %eq3A_143 = arith.cmpi eq, %select_n3A_141, %eq3A_142 : i32
        %sub3A_144 = arith.constant 1 : i32
        %sub3A_145 = arith.subi %select_n3A, %sub3A_144 : i32
        %select_n3A_146 = arith.select %eq3A_143, %sub3A_145, %select_n3A_141 : i32
        %add3A_147 = arith.addi %select_n3A_146, %select_n3A_14 : i32
        %add3A_148 = arith.constant 1 : i32
        %add3A_149 = arith.addi %select_n3A_127, %add3A_148 : i32
        %select_n3A_150 = arith.constant true
        %select_n3A_151 = arith.select %select_n3A_150, %add3A_149, %select_n3A_127 : i32
        %eq3A_152 = arith.cmpi eq, %select_n3A_151, %select_n3A : i32
        %select_n3A_153 = arith.constant 0 : i32
        %select_n3A_154 = arith.select %eq3A_152, %select_n3A_153, %select_n3A_151 : i32
        %add3A_155 = arith.addi %select_n3A_154, %select_n3A_14 : i32
        %add3A_156 = arith.constant 1 : i32
        %add3A_157 = arith.addi %select_n3A_154, %add3A_156 : i32
        %select_n3A_158 = arith.constant true
        %select_n3A_159 = arith.select %select_n3A_158, %add3A_157, %select_n3A_154 : i32
        %eq3A_160 = arith.cmpi eq, %select_n3A_159, %select_n3A : i32
        %select_n3A_161 = arith.constant 0 : i32
        %select_n3A_162 = arith.select %eq3A_160, %select_n3A_161, %select_n3A_159 : i32
        %add3A_163 = arith.addi %select_n3A_162, %select_n3A_14 : i32
        %convert_element_type3A_164 = arith.extui %eq3A_136 : i1 to i32
        %cond3A_165 = arith.constant 0 : i32
        %cond3A_166 = arith.cmpi ne, %convert_element_type3A_164, %cond3A_165 : i32
        scf.if %cond3A_166 {
        } else {
        }
        %convert_element_type3A_167 = arith.extui %eq3A_136 : i1 to i32
        %cond3A_168 = arith.constant 0 : i32
        %cond3A_169 = arith.cmpi ne, %convert_element_type3A_167, %cond3A_168 : i32
        scf.if %cond3A_169 {
        } else {
        }
        %convert_element_type3A_170 = arith.extui %eq3A_136 : i1 to i32
        %cond3A_171 = arith.constant 0 : i32
        %cond3A_172 = arith.cmpi ne, %convert_element_type3A_170, %cond3A_171 : i32
        scf.if %cond3A_172 {
          "tpu.trace_start"() <{level = 10 : i32, message = "ep_finalize"}> : () -> ()
          %rem3A_173 = arith.constant 2 : i32
          %rem3A_174 = arith.remui %while3A_118#5, %rem3A_173 : i32
          %mul3A_175 = arith.constant 128 : i32
          %mul3A_176 = arith.muli %mul3A_175, %add3A_137 : i32
          %dma_wait3A = arith.constant 0 : i32
          %dma_wait3A_177 = arith.constant 0 : i32
          %dma_wait3A_178 = tpu.memref_slice %run_scoped3A_20[%rem3A_174, %dma_wait3A, %dma_wait3A_177] : memref<2x128x128xf32, #tpu.memory_space<vmem>> -> memref<1x128x128xf32, #tpu.memory_space<vmem>>
          %dma_wait3A_179 = tpu.memref_squeeze %dma_wait3A_178 : memref<1x128x128xf32, #tpu.memory_space<vmem>> -> memref<128x128xf32, #tpu.memory_space<vmem>>
          %dma_wait3A_180 = arith.constant 0 : i32
          %dma_wait3A_181 = tpu.memref_slice %arg5[%mul3A_176, %dma_wait3A_180] : memref<320000x128xf32, #tpu.memory_space<hbm>> -> memref<128x128xf32, #tpu.memory_space<hbm>>
          %dma_wait3A_182 = tpu.memref_slice %run_scoped3A_21[%rem3A_174] : memref<2x!tpu.dma_semaphore, #tpu.memory_space<semaphore_mem>> -> memref<1x!tpu.dma_semaphore, #tpu.memory_space<semaphore_mem>>
          %dma_wait3A_183 = tpu.memref_squeeze %dma_wait3A_182 : memref<1x!tpu.dma_semaphore, #tpu.memory_space<semaphore_mem>> -> memref<!tpu.dma_semaphore, #tpu.memory_space<semaphore_mem>>
          %dma_wait3A_184 = arith.constant 0 : i32
          %dma_wait3A_185 = tpu.memref_slice %arg5[%mul3A_176, %dma_wait3A_184] : memref<320000x128xf32, #tpu.memory_space<hbm>> -> memref<128x128xf32, #tpu.memory_space<hbm>>
          %dma_wait3A_186 = arith.constant 0 : i32
          %dma_wait3A_187 = arith.constant 0 : i32
          %dma_wait3A_188 = tpu.memref_slice %run_scoped3A_20[%rem3A_174, %dma_wait3A_186, %dma_wait3A_187] : memref<2x128x128xf32, #tpu.memory_space<vmem>> -> memref<1x128x128xf32, #tpu.memory_space<vmem>>
          %dma_wait3A_189 = tpu.memref_squeeze %dma_wait3A_188 : memref<1x128x128xf32, #tpu.memory_space<vmem>> -> memref<128x128xf32, #tpu.memory_space<vmem>>
          tpu.wait_dma2 semaphore(%dma_wait3A_183 : memref<!tpu.dma_semaphore, #tpu.memory_space<semaphore_mem>>) src(%dma_wait3A_189 : memref<128x128xf32, #tpu.memory_space<vmem>>) dst(%dma_wait3A_185 : memref<128x128xf32, #tpu.memory_space<hbm>>)
          "tpu.trace_stop"() : () -> ()
        } else {
        }
      } else {
      }
      tpu.yield
    }) : () -> ()
    return
  }
}

module attributes {stable_mosaic.version = 14 : i64} {
  func.func @_pool_body(%arg0: i32, %arg1: memref<2000x128xf32, #tpu.memory_space<vmem>>, %arg2: memref<128x128xf32, #tpu.memory_space<vmem>>, %arg3: memref<1x128xf32, #tpu.memory_space<vmem>>, %arg4: memref<2000x128xf32, #tpu.memory_space<vmem>>) attributes {dimension_semantics = [#tpu.dimension_semantics<arbitrary>], iteration_bounds = array<i64: 5>, scalar_prefetch = 0 : i64, scratch_operands = 0 : i64, tpu.core_type = #tpu.core_type<tc>, window_params = [{transform_indices = @transform_0, window_bounds = array<i64: 2000, 128>}, {pipeline_mode = #tpu.pipeline_mode<synchronous>, transform_indices = @transform_1, window_bounds = array<i64: 128, 128>}, {pipeline_mode = #tpu.pipeline_mode<synchronous>, transform_indices = @transform_2, window_bounds = array<i64: 1, 128>}, {transform_indices = @transform_3, window_bounds = array<i64: 2000, 128>}]} {
    %get3A = arith.constant 0 : index
    %get3A_0 = arith.constant 0 : index
    %get3A_1 = vector.load %arg1[%get3A, %get3A_0] : memref<2000x128xf32, #tpu.memory_space<vmem>>, vector<2000x128xf32>
    %get3A_2 = arith.constant 0 : index
    %get3A_3 = arith.constant 0 : index
    %get3A_4 = vector.load %arg2[%get3A_2, %get3A_3] : memref<128x128xf32, #tpu.memory_space<vmem>>, vector<128x128xf32>
    %dot_general3A = arith.constant dense<0.000000e+00> : vector<2000x128xf32>
    %dot_general3A_5 = tpu.matmul %get3A_1, %get3A_4, %dot_general3A {dimension_numbers = #tpu.dot_dimension_numbers<[1], [0], [0], [1], [0, 0, 1, 1], [], []>, precision = #tpu.contract_precision<fp32>, transpose_lhs_hint = false} : vector<2000x128xf32>, vector<128x128xf32>, vector<2000x128xf32> -> vector<2000x128xf32>
    %get3A_6 = arith.constant 0 : index
    %get3A_7 = arith.constant 0 : index
    %get3A_8 = vector.load %arg3[%get3A_6, %get3A_7] : memref<1x128xf32, #tpu.memory_space<vmem>>, vector<1x128xf32>
    %add3A = vector.broadcast %get3A_8 : vector<1x128xf32> to vector<2000x128xf32>
    %add3A_9 = arith.addf %dot_general3A_5, %add3A : vector<2000x128xf32>
    %max3A = arith.constant 0.000000e+00 : f32
    %max3A_10 = vector.broadcast %max3A : f32 to vector<2000x128xf32>
    %max3A_11 = arith.maximumf %add3A_9, %max3A_10 : vector<2000x128xf32>
    %swap3A = arith.constant 0 : index
    %swap3A_12 = arith.constant 0 : index
    %swap3A_13 = vector.load %arg4[%swap3A, %swap3A_12] : memref<2000x128xf32, #tpu.memory_space<vmem>>, vector<2000x128xf32>
    tpu.vector_store %arg4[%swap3A, %swap3A_12], %max3A_11 {strides = array<i32>} : memref<2000x128xf32, #tpu.memory_space<vmem>>, vector<2000x128xf32>,
    return
  }
  func.func @transform_0(%arg0: i32) -> (i32, i32) {
    %c0_i32 = arith.constant 0 : i32
    %c0_i32_0 = arith.constant 0 : i32
    return %arg0, %c0_i32 : i32, i32
  }
  func.func @transform_1(%arg0: i32) -> (i32, i32) {
    %c0_i32 = arith.constant 0 : i32
    %c0_i32_0 = arith.constant 0 : i32
    %c0_i32_1 = arith.constant 0 : i32
    return %c0_i32, %c0_i32_0 : i32, i32
  }
  func.func @transform_2(%arg0: i32) -> (i32, i32) {
    %c0_i32 = arith.constant 0 : i32
    %c0_i32_0 = arith.constant 0 : i32
    %c0_i32_1 = arith.constant 0 : i32
    return %c0_i32, %c0_i32_0 : i32, i32
  }
  func.func @transform_3(%arg0: i32) -> (i32, i32) {
    %c0_i32 = arith.constant 0 : i32
    %c0_i32_0 = arith.constant 0 : i32
    return %arg0, %c0_i32 : i32, i32
  }
}

module attributes {stable_mosaic.version = 14 : i64} {
  func.func @_combine_body(%arg0: i32, %arg1: memref<2000x128xf32, #tpu.memory_space<vmem>>, %arg2: memref<2000x128xf32, #tpu.memory_space<vmem>>, %arg3: memref<128x128xf32, #tpu.memory_space<vmem>>, %arg4: memref<128x128xf32, #tpu.memory_space<vmem>>, %arg5: memref<1x128xf32, #tpu.memory_space<vmem>>, %arg6: memref<2000x128xf32, #tpu.memory_space<vmem>>) attributes {dimension_semantics = [#tpu.dimension_semantics<arbitrary>], iteration_bounds = array<i64: 5>, scalar_prefetch = 0 : i64, scratch_operands = 0 : i64, tpu.core_type = #tpu.core_type<tc>, window_params = [{transform_indices = @transform_0, window_bounds = array<i64: 2000, 128>}, {transform_indices = @transform_1, window_bounds = array<i64: 2000, 128>}, {pipeline_mode = #tpu.pipeline_mode<synchronous>, transform_indices = @transform_2, window_bounds = array<i64: 128, 128>}, {pipeline_mode = #tpu.pipeline_mode<synchronous>, transform_indices = @transform_3, window_bounds = array<i64: 128, 128>}, {pipeline_mode = #tpu.pipeline_mode<synchronous>, transform_indices = @transform_4, window_bounds = array<i64: 1, 128>}, {transform_indices = @transform_5, window_bounds = array<i64: 2000, 128>}]} {
    %get3A = arith.constant 0 : index
    %get3A_0 = arith.constant 0 : index
    %get3A_1 = vector.load %arg1[%get3A, %get3A_0] : memref<2000x128xf32, #tpu.memory_space<vmem>>, vector<2000x128xf32>
    %get3A_2 = arith.constant 0 : index
    %get3A_3 = arith.constant 0 : index
    %get3A_4 = vector.load %arg3[%get3A_2, %get3A_3] : memref<128x128xf32, #tpu.memory_space<vmem>>, vector<128x128xf32>
    %dot_general3A = arith.constant dense<0.000000e+00> : vector<2000x128xf32>
    %dot_general3A_5 = tpu.matmul %get3A_1, %get3A_4, %dot_general3A {dimension_numbers = #tpu.dot_dimension_numbers<[1], [0], [0], [1], [0, 0, 1, 1], [], []>, precision = #tpu.contract_precision<fp32>, transpose_lhs_hint = false} : vector<2000x128xf32>, vector<128x128xf32>, vector<2000x128xf32> -> vector<2000x128xf32>
    %get3A_6 = arith.constant 0 : index
    %get3A_7 = arith.constant 0 : index
    %get3A_8 = vector.load %arg2[%get3A_6, %get3A_7] : memref<2000x128xf32, #tpu.memory_space<vmem>>, vector<2000x128xf32>
    %get3A_9 = arith.constant 0 : index
    %get3A_10 = arith.constant 0 : index
    %get3A_11 = vector.load %arg4[%get3A_9, %get3A_10] : memref<128x128xf32, #tpu.memory_space<vmem>>, vector<128x128xf32>
    %dot_general3A_12 = arith.constant dense<0.000000e+00> : vector<2000x128xf32>
    %dot_general3A_13 = tpu.matmul %get3A_8, %get3A_11, %dot_general3A_12 {dimension_numbers = #tpu.dot_dimension_numbers<[1], [0], [0], [1], [0, 0, 1, 1], [], []>, precision = #tpu.contract_precision<fp32>, transpose_lhs_hint = false} : vector<2000x128xf32>, vector<128x128xf32>, vector<2000x128xf32> -> vector<2000x128xf32>
    %add3A = arith.addf %dot_general3A_5, %dot_general3A_13 : vector<2000x128xf32>
    %get3A_14 = arith.constant 0 : index
    %get3A_15 = arith.constant 0 : index
    %get3A_16 = vector.load %arg5[%get3A_14, %get3A_15] : memref<1x128xf32, #tpu.memory_space<vmem>>, vector<1x128xf32>
    %add3A_17 = vector.broadcast %get3A_16 : vector<1x128xf32> to vector<2000x128xf32>
    %add3A_18 = arith.addf %add3A, %add3A_17 : vector<2000x128xf32>
    %swap3A = arith.constant 0 : index
    %swap3A_19 = arith.constant 0 : index
    %swap3A_20 = vector.load %arg6[%swap3A, %swap3A_19] : memref<2000x128xf32, #tpu.memory_space<vmem>>, vector<2000x128xf32>
    tpu.vector_store %arg6[%swap3A, %swap3A_19], %add3A_18 {strides = array<i32>} : memref<2000x128xf32, #tpu.memory_space<vmem>>, vector<2000x128xf32>,
    return
  }
  func.func @transform_0(%arg0: i32) -> (i32, i32) {
    %c0_i32 = arith.constant 0 : i32
    %c0_i32_0 = arith.constant 0 : i32
    return %arg0, %c0_i32 : i32, i32
  }
  func.func @transform_1(%arg0: i32) -> (i32, i32) {
    %c0_i32 = arith.constant 0 : i32
    %c0_i32_0 = arith.constant 0 : i32
    return %arg0, %c0_i32 : i32, i32
  }
  func.func @transform_2(%arg0: i32) -> (i32, i32) {
    %c0_i32 = arith.constant 0 : i32
    %c0_i32_0 = arith.constant 0 : i32
    %c0_i32_1 = arith.constant 0 : i32
    return %c0_i32, %c0_i32_0 : i32, i32
  }
  func.func @transform_3(%arg0: i32) -> (i32, i32) {
    %c0_i32 = arith.constant 0 : i32
    %c0_i32_0 = arith.constant 0 : i32
    %c0_i32_1 = arith.constant 0 : i32
    return %c0_i32, %c0_i32_0 : i32, i32
  }
  func.func @transform_4(%arg0: i32) -> (i32, i32) {
    %c0_i32 = arith.constant 0 : i32
    %c0_i32_0 = arith.constant 0 : i32
    %c0_i32_1 = arith.constant 0 : i32
    return %c0_i32, %c0_i32_0 : i32, i32
  }
  func.func @transform_5(%arg0: i32) -> (i32, i32) {
    %c0_i32 = arith.constant 0 : i32
    %c0_i32_0 = arith.constant 0 : i32
    return %arg0, %c0_i32 : i32, i32
  }
}

</mosaic_0001>

<sc_bundles>
// kernel: kernel.6.cloned.1.call-start
scs
__scs_entry_jumppad:
0x0: {  	(pc) =	sbr.rel $0x88, $3  }
0x1: {  	(tag) =	ssettag $0x0;
	lr =	simm.s32 $0x1  }
0x2: {  	[smem:$0x3F9A] =	sst lr;
	_ =	strace $0xD0000000  }
0x3: {  	_ = 	snop  }
0x4: {  	_ = 	snop  }
0x5: {  	_ = 	snop  }
0x6: {  	_ = 	snop  }
0x7: {  	_ = 	snop  }
__scs_overlays_trampoline_lowered:
0x8: {  	[smem:$0x3FA9] =	sst s0  }
0x9: {  	[smem:$0x3FAA] =	sst s1  }
0xa: {  	[smem:$0x3FAB] =	sst s2  }
0xb: {  	[smem:$0x3FAC] =	sst s3  }
0xc: {  	[smem:$0x3FAD] =	sst s4  }
0xd: {  	[smem:$0x3FAE] =	sst s5  }
0xe: {  	[smem:$0x3FAF] =	sst s6  }
0xf: {  	[smem:$0x3FB0] =	sst s7  }
0x10: {  	[smem:$0x3FB1] =	sst s8  }
0x11: {  	[smem:$0x3FB2] =	sst s9;
	s0 =	simm.s32 @!p0 $0x0  }
0x12: {  	s1 =	sld [smem:$0x3F98];
	s0 =	simm.s32 @p0 $0x1  }
0x13: {  	[smem:$0x3FB3] =	sst s0;
	s0 =	simm.s32 @!p1 $0x0  }
0x14: {  	s2 =	sld [smem:$0x3F97];
	s0 =	simm.s32 @p1 $0x1  }
0x15: {  	[smem:$0x3FB4] =	sst s0;
	s0 =	simm.s32 @!p2 $0x0  }
0x16: {  	s3 =	sld [smem:$0x3FDB];
	s0 =	simm.s32 @p2 $0x1  }
0x17: {  	s4 =	simm.s32 $0x1BF5;
	[smem:$0x3FB6] =	sst s0  }
0x18: {  	s0 =	sld [smem:$0x3F99];
	_ =	swait.ge [sflag:s4], $0x0  }
0x19: {  	s7 =	sld [smem:$0x3F9A]  }
0x1a: {  	s8 =	sadd.s32 $0xFFFFE003, lr  }
0x1b: {  	s9 =	sadd.s32 $0xFFFFFEF7, lr;
	s5 =	simm.s32 $0xFFFFFFFF;
	p2 =	slt.u32 s8, $0xFFFFF086  }
0x1c: {  	p1 =	slt.u32 s9, $0xF7A;
	s5 =	simm.s32 @!p2 $0x0  }
0x1d: {  	s5 =	simm.s32 @p1 $0x1;
	p0 =	seq.s32 s7, s2  }
0x1e: {  	s7 =	smul.u32 @!p0 $0xF7A, s2;
	p2 =	seq.s32 @!p0 s5, $0x0  }
0x1f: {  	s9 =	smul.u32 $0xF7A, s1;
	s8 =	simm.s32 @!p0 $0x1BF5;
	p2 =	por !p2, p0  }
0x20: {  	[sflag:s8] =	ssyncset.s32 @!p0 $0xFFFFF086;
	s6 =	sadd.s32 @!p0 s3, s7;
	s7 =	simm.s32 @!p0 $0x108  }
0x21: {  	s3 =	sadd.s32 s3, s9;
	s6 =	sadd.s32 @!p0 $0x88, s6;
	s7 =	simm.s32 @p2 $0x1082  }
0x22: {  	[simem:s7], [sflag:s8] =	dma.local @!p0 [hbm:s6], $0xF7A  }
0x23: {  	s9 =	sor.u32 $0xD0000000, s2;
	s6 =	simm.s32 $0x108;
	_ =	swait.ge @!p0 [sflag:s8], $0x0  }
0x24: {  	s3 =	sadd.s32 $0x88, s3;
	s6 =	simm.s32 @!p1 $0x1082;
	[sflag:s4] =	ssyncset.s32 $0xFFFFF086  }
0x25: {  	[simem:s6], [sflag:s4] =	dma.local [hbm:s3], $0xF7A  }
0x26: {  	[smem:$0x3F9A] =	sst s1;
	(tag) =	ssettag s2;
	_ =	strace s9  }
0x27: {  	s1 =	sld [smem:$0x3FAA]  }
0x28: {  	s2 =	sld [smem:$0x3FAB]  }
0x29: {  	s4 =	sld [smem:$0x3FAD]  }
0x2a: {  	p0 =	seq.s32 s5, $0x0;
	s5 =	sld [smem:$0x3FAE]  }
0x2b: {  	s6 =	sld [smem:$0x3FAF]  }
0x2c: {  	s7 =	sld [smem:$0x3FB0]  }
0x2d: {  	s3 =	simm.s32 $0x108;
	s8 =	sld [smem:$0x3FB1]  }
0x2e: {  	s3 =	simm.s32 @!p0 $0x1082;
	s9 =	sld [smem:$0x3FB2]  }
0x2f: {  	lr =	sadd.s32 s0, s3;
	s0 =	sld [smem:$0x3FA9]  }
0x30: {  	s3 =	sld [smem:$0x3FAC]  }
0x31: {  	[smem:$0x3FB5] =	sst s10  }
0x32: {  	s10 =	sld [smem:$0x3FB3];
	_ =	sdelay $0x3  }
0x33: {  	p0 =	seq.s32 s10, $0x1;
	s10 =	sld [smem:$0x3FB5];
	_ =	sdelay $0x3  }
0x34: {  	[smem:$0x3FB5] =	sst s10  }
0x35: {  	s10 =	sld [smem:$0x3FB4];
	_ =	sdelay $0x3  }
0x36: {  	p1 =	seq.s32 s10, $0x1;
	s10 =	sld [smem:$0x3FB5];
	_ =	sdelay $0x3  }
0x37: {  	[smem:$0x3FB5] =	sst s10  }
0x38: {  	s10 =	sld [smem:$0x3FB6]  }
0x39: {  	_ = 	snop;
	(pc) =	sbr.ind lr, $3  }
0x3a: {  	_ = 	snop  }
0x3b: {  	_ = 	snop  }
0x3c: {  	p2 =	seq.s32 s10, $0x1;
	s10 =	sld [smem:$0x3FB5]  }
0x3d: {  	_ =	shalt  }
0x3e: {  	_ =	shalt  }
0x3f: {  	_ =	shalt  }
0x40: {  	_ =	shalt  }
0x41: {  	_ =	shalt  }
0x42: {  	_ =	shalt  }
0x43: {  	_ =	shalt  }
0x44: {  	_ =	shalt  }
0x45: {  	_ =	shalt  }
0x46: {  	_ =	shalt  }
0x47: {  	_ =	shalt  }
0x48: {  	_ =	shalt  }
0x49: {  	_ =	shalt  }
0x4a: {  	_ =	shalt  }
0x4b: {  	_ =	shalt  }
0x4c: {  	_ =	shalt  }
0x4d: {  	_ =	shalt  }
0x4e: {  	_ =	shalt  }
0x4f: {  	_ =	shalt  }
0x50: {  	_ =	shalt  }
0x51: {  	_ =	shalt  }
0x52: {  	_ =	shalt  }
0x53: {  	_ =	shalt  }
0x54: {  	_ =	shalt  }
0x55: {  	_ =	shalt  }
0x56: {  	_ =	shalt  }
0x57: {  	_ =	shalt  }
0x58: {  	_ =	shalt  }
0x59: {  	_ =	shalt  }
0x5a: {  	_ =	shalt  }
0x5b: {  	_ =	shalt  }
0x5c: {  	_ =	shalt  }
0x5d: {  	_ =	shalt  }
0x5e: {  	_ =	shalt  }
0x5f: {  	_ =	shalt  }
0x60: {  	_ =	shalt  }
0x61: {  	_ =	shalt  }
0x62: {  	_ =	shalt  }
0x63: {  	_ =	shalt  }
0x64: {  	_ =	shalt  }
0x65: {  	_ =	shalt  }
0x66: {  	_ =	shalt  }
0x67: {  	_ =	shalt  }
0x68: {  	_ =	shalt  }
0x69: {  	_ =	shalt  }
0x6a: {  	_ =	shalt  }
0x6b: {  	_ =	shalt  }
0x6c: {  	_ =	shalt  }
0x6d: {  	_ =	shalt  }
0x6e: {  	_ =	shalt  }
0x6f: {  	_ =	shalt  }
0x70: {  	_ =	shalt  }
0x71: {  	_ =	shalt  }
0x72: {  	_ =	shalt  }
0x73: {  	_ =	shalt  }
0x74: {  	_ =	shalt  }
0x75: {  	_ =	shalt  }
0x76: {  	_ =	shalt  }
0x77: {  	_ =	shalt  }
0x78: {  	_ =	shalt  }
0x79: {  	_ =	shalt  }
0x7a: {  	_ =	shalt  }
0x7b: {  	_ =	shalt  }
0x7c: {  	_ =	shalt  }
0x7d: {  	_ =	shalt  }
0x7e: {  	_ =	shalt  }
0x7f: {  	_ =	shalt  }
0x80: {  	_ =	shalt  }
0x81: {  	_ =	shalt  }
0x82: {  	_ =	shalt  }
0x83: {  	_ =	shalt  }
0x84: {  	_ =	shalt  }
0x85: {  	_ =	shalt  }
0x86: {  	_ =	shalt  }
0x87: {  	_ =	shalt  }
.Lfunc_end0:
.L_simem_size_0:
called_computation_lowered:
.L_overlay_start_0:
0x88: {  	s2 =	sld [smem:$0x3FD9]  }
0x89: {  	s3 =	sld [smem:$0x3FFE];
	_ =	sdelay $0x1  }
0x8a: {  	s1 =	srdreg.scid  }
0x8b: {  	s0 =	sand.u32 $0x1, s1  }
0x8c: {  	s17 =	sshll.u32 s0, $0xA;
	s2 =	sadd.s32 s3, s2  }
0x8d: {  	s2 =	sadd.s32 s2, s17  }
0x8e: {  	[smem:$0x3FC1] =	sst s2  }
0x8f: {  	_ = 	snop  }
0x90: {  	s2 =	sld [smem:$0x3FD0];
	(tm) =	ssettm $0x1  }
0x91: {  	s18 =	sld [smem:$0x3FFB];
	_ =	sdelay $0x3  }
0x92: {  	_ =	strace s18  }
0x93: {  	s3 =	sld [smem:$0x3FFC];
	_ =	sdelay $0x3  }
0x94: {  	_ =	strace s3  }
0x95: {  	s3 =	sld [smem:$0x3FFD];
	_ =	sdelay $0x3  }
0x96: {  	_ =	strace s3  }
0x97: {  	_ =	strace $0x8FFFFFFF  }
0x98: {  	s19 =	sld [smem:$0x3FDB];
	_ =	sdelay $0x1  }
0x99: {  	s4 =	simm.s32 $_scs_section_size  }
0x9a: {  	s5 =	simm.s32 $_size__tile_overlayer_lowered;
	s6 =	simm.s32 $_tile_overlayer_lowered  }
0x9b: {  	s22 =	simm.s32 $0x1BFF;
	s21 =	sshll.u32 s6, $0x1;
	s3 =	sadd.s32 s4, s19  }
0x9c: {  	s7 =	simm.s32 $0x0;
	s20 =	sshll.u32 s5, $0x1;
	s5 =	sadd.s32 s21, s3  }
0x9d: {  	[timem:s7], [sflag:s22] =	dma.local [hbm:s5], s20  }
0x9e: {  	_ =	swait.ge [sflag:s22], s20  }
0x9f: {  	s4 =	ssub.s32 $0x0, s20;
	[sflag:s22] =	ssyncset.done $0x0  }
0xa0: {  	[sflag:s22] =	ssyncadd.s32 s4;
	_ =	sdelay $0x1  }
0xa1: {  	s23 =	simm.s32 $0x1B8B  }
0xa2: {  	_ =	swait.ge [sflag:s23], $0x1  }
0xa3: {  	[sflag:s23] =	ssyncset.done $0x0  }
0xa4: {  	s25 =	simm.s32 $0x1B8E;
	s24 =	sld [smem:$0x3FFE];
	[sflag:s23] =	ssyncadd.s32 $0xFFFFFFFF  }
0xa5: {  	s26 =	simm.s32 $execute0_lowered;
	[smem:$0x3FD2] =	sst s25  }
0xa6: {  	s5 =	sshll.u32 s26, $0x1;
	_ =	strace $0x80000046;
	[dreg:$0x1] =	wrdreg $0xFFFFFFFF  }
0xa7: {  	s28 =	simm.s32 $_size_execute0_lowered;
	s3 =	sadd.s32 s3, s5;
	[dreg:$0x0] =	wrdreg $0x0  }
0xa8: {  	s5 =	sshll.u32 s28, $0x1;
	[dreg:$0x2] =	wrdreg s3  }
0xa9: {  	[dreg:$0x3] =	wrdreg s5  }
0xaa: {  	[dreg:$0x4] =	wrdreg $0xC0  }
0xab: {  	_ =	task [dreg:s7], $0x5FFFF  }
0xac: {  	[dreg:$0x1] =	wrdreg $0xFFFFFFFF  }
0xad: {  	[dreg:$0x0] =	wrdreg $0x60  }
0xae: {  	[dreg:$0x2] =	wrdreg s24  }
0xaf: {  	[dreg:$0x3] =	wrdreg s2  }
0xb0: {  	[dreg:$0x4] =	wrdreg $0x9  }
0xb1: {  	_ =	task.clear_ibuf [dreg:s7], $0x5FFFF;
	_ =	strace $0x90000046  }
0xb2: {  	s29 =	simm.s32 $0x9;
	_ =	strace $0x8000004A  }
0xb3: {  	_ =	swait.ge [sflag:s29], $0x1  }
0xb4: {  	[sflag:s29] =	ssyncadd.s32 $0xFFFFFFFF  }
0xb5: {  	_ =	strace $0x9000004A  }
0xb6: {  	_ =	sfence  }
0xb7: {  	s30 =	sld [smem:$0x0];
	_ =	sdelay $0x2  }
0xb8: {  	s31 =	sshll.u32 s1, $0xD;
	s1 =	sshrl.u32 s1, $0x2  }
0xb9: {  	s3 =	sand.u32 $0x4000, s31;
	s1 =	sadd.s32 s1, s30  }
0xba: {  	s0 =	sor.u32 s3, s0;
	s1 =	sshll.u32 s1, $0x11  }
0xbb: {  	s0 =	sor.u32 s1, s0  }
0xbc: {  	s0 =	sadd.s32 $0x8F2B, s0  }
0xbd: {  	[sflag:s0] =	ssyncadd.remote.s32 $0x1  }
0xbe: {  	_ =	sfence.sel $0xFFFF  }
0xbf: {  	[dreg:$0x0] =	wrdreg $0xFFFFFFFF;
	(pc) =	sbr.abs _section_cstart, $3  }
0xc0: {  	[dreg:$0x1] =	wrdreg $0xFFFFFFFF  }
0xc1: {  	_ =	task.clear_ibuf [dreg:s7], $0x2FFFF;
	_ =	strace $0x9FFFFFFF  }
0xc2: {  	(tm) =	ssettm $0x7FFFFFFF  }
0xc3: {  	_ =	shalt  }
tec
execute0_lowered:
.L_overlay_start_1:
0x0: {  	(tag) =	ssettag $0x1  }
0x1: {  	s5 =	rddreg [dreg:$0x0]  }
0x2: {  	s6 =	rddreg [dreg:$0x1]  }
0x3: {  	s1 =	srdreg.scid;
	s2 =	simm.s32 $0x0;
	s11 =	simm.s32 $0x10C00  }
0x4: {  	s12 =	simm.s32 $0x40;
	s13 =	simm.s32 $0x13F00;
	s14 =	simm.s32 $0x9  }
0x5: {  	s15 =	simm.s32 $0x0;
	s4 =	sand.u32 $0x1, s1;
	[smem:$0x7FF] =	sst s2  }
0x6: {  	s1 =	stileid.u32;
	s3 =	sshll.u32 s4, $0x4;
	_ =	strace $0x80000047  }
.Ltmp0:
0x7: {  	s8 =	ssub.s32 $0x2, s4;
	s7 =	sor.u32 s1, s3;
	(pc) =	sbr.rel .LBB2_1-.Ltmp0, $4  }
0x8: {  	s4 =	sadd.s32 $0x1FC00, s5;
	s10 =	sshrl.u32 s8, $0x1;
	s9 =	smul.u32 $0x1400, s7  }
0x9: {  	s3 =	sadd.s32 $0x2AC00, s5;
	s8 =	ssub.s32 s8, s10;
	s31 =	smul.u32 $0x140, s7  }
0xa: {  	v1 =	vimm.f32 $0.0e+00;
	v2 =	vlaneseq.u32;
	s5 =	sadd.s32 $0x14C00, s5;
	s10 =	simm.s32 $0xD800;
	s7 =	smax.u32 s8, $0x1  }
0xb: {  	v3 =	vimm.s32 $0x0;
	v4 =	vimm.s32 $0x140;
	s8 =	simm.s32 $0x12580;
	s6 =	sadd.s32 s6, s9;
	s9 =	simm.s32 $0xA400;
	v0 =	vmov s31  }
.LBB2_18:
0xc: {  	s15 =	sadd.s32 $0x1, s15  }
0xd: {  	p0 =	sne.s32 s15, s7  }
.Ltmp1:
0xe: {  	_ = 	snop;
	(pc) =	sbr.rel @!p0 .LBB2_19-.Ltmp1, $4  }
0xf: {  	[hbm4b:s6+s2] =	stream.linear.scatter [tilespmem:s2], [sflag:$0x9], $0xA000, $0x38;
	[tilespmem:$0x1FF00] =	vst v63  }
0x10: {  	_ =	swait.ge [sflag:s14], $0xA000  }
0x11: {  	[sflag:s14] =	ssyncset.done $0x0  }
0x12: {  	[sflag:s14] =	ssyncadd.s32 $0xFFFF6000  }
.LBB2_1:
0x13: {  	s16 =	simm.s32 $0x0;
	s17 =	simm.s32 $0x200  }
.LBB2_2:
0x14: {  	p0 =	sne.s32 s17, $0x27E00;
	[tilespmem:s16+$0x70] =	vst v1  }
0x15: {  	[tilespmem:s16+$0x0] =	vst v1  }
0x16: {  	[tilespmem:s16+$0x10] =	vst v1  }
.Ltmp2:
0x17: {  	[tilespmem:s16+$0x20] =	vst v1;
	(pc) =	sbr.rel @p0 .LBB2_2-.Ltmp2, $4  }
0x18: {  	[tilespmem:s16+$0x30] =	vst v1  }
0x19: {  	[tilespmem:s16+$0x40] =	vst v1  }
0x1a: {  	[tilespmem:s16+$0x50] =	vst v1  }
0x1b: {  	[tilespmem:s16+$0x60] =	vst v1;
	s16 =	sshra.s32 s17, $0x2;
	s17 =	sadd.s32 $0x200, s17  }
0x1c: {  	[tilespmem:s16+$0x70] =	vst v1  }
0x1d: {  	[tilespmem:s16+$0x0] =	vst v1  }
0x1e: {  	[tilespmem:s16+$0x10] =	vst v1  }
0x1f: {  	[tilespmem:s16+$0x20] =	vst v1  }
0x20: {  	[tilespmem:s16+$0x30] =	vst v1  }
0x21: {  	[tilespmem:s16+$0x40] =	vst v1  }
0x22: {  	[tilespmem:s16+$0x50] =	vst v1;
	s17 =	simm.s32 $0x0  }
0x23: {  	[tilespmem:s16+$0x60] =	vst v1;
	s16 =	simm.s32 $0x10;
	v5 =	vor.u32 s17, v2  }
.LBB2_4:
0x24: {  	p0 =	sne.s32 s16, $0x1930  }
.Ltmp3:
0x25: {  	_ = 	snop;
	(pc) =	sbr.rel @p0 .LBB2_4-.Ltmp3, $3  }
0x26: {  	_ =	sdelay $0x1  }
0x27: {  	[tilespmem:v5+s8+$0x0] =	vst.idx.msk $0xffff, v3;
	s17 =	smov.u32 s16;
	s16 =	sadd.s32 $0x10, s16  }
0x28: {  	v5 =	vor.u32 s17, v2  }
0x29: {  	_ =	sdelay $0x2  }
.Ltmp4:
0x2a: {  	_ = 	snop;
	(pc) =	sbr.rel .LBB2_6-.Ltmp4, $4  }
0x2b: {  	[tilespmem:v5+s8+$0x0] =	vst.idx.msk $0xffff, v3;
	s16 =	simm.s32 $0x0  }
0x2c: {  	[tilespmem:s9], [sflag:$0x1] =	stream.linear.gather [hbm4b:s5+s16], $0x1900, $0x38;
	[tilespmem:$0x1FF00] =	vst v63  }
0x2d: {  	p0 =	por $0x0, $0x0;
	s17 =	simm.s32 $0x0  }
0x2e: {  	[tilespmem:s10], [sflag:$0x1] =	stream.linear.gather [hbm4b:s4+s16], $0x1900, $0x38;
	[tilespmem:$0x1FF00] =	vst v63  }
.LBB2_20:
0x2f: {  	_ =	strace $0x80000049  }
.LBB2_17:
0x30: {  	p1 =	sne.s32 s17, $0x32  }
.Ltmp5:
0x31: {  	_ = 	snop;
	(pc) =	sbr.rel @!p1 .LBB2_18-.Ltmp5, $2  }
0x32: {  	_ =	sdelay $0x2  }
0x33: {  	_ =	strace $0x90000049;
	p0 =	por !p0, !p0  }
.LBB2_6:
0x34: {  	s18 =	sand.u32 $0x1, s17;
	p1 =	seq.s32 s17, $0x31;
	s17 =	sadd.s32 $0x1, s17  }
0x35: {  	s19 =	sxor.u32 @!p1 $0x1, s18;
	s22 =	smul.u32 @!p1 $0x380, s17  }
0x36: {  	s21 =	simm.s32 $0x1;
	s20 =	smul.u32 @!p1 $0x1900, s19  }
0x37: {  	s21 =	simm.s32 @!p0 $0x0;
	s25 =	simm.s32 @!p1 $0x0;
	s18 =	sadd.s32 $0x1, s18  }
0x38: {  	s19 =	sadd.s32 @!p1 $0x1, s19;
	s24 =	sadd.s32 @!p1 s5, s22;
	s23 =	sadd.s32 @!p1 $0xA400, s20  }
0x39: {  	[tilespmem:s23], [sflag:s19] =	stream.linear.gather @!p1 [hbm4b:s24+s25], $0x1900, $0x38;
	[tilespmem:$0x1FF00] =	vst v63  }
0x3a: {  	s21 =	smul.u32 $0x6400, s21;
	s22 =	sadd.s32 @!p1 s4, s22;
	s20 =	sadd.s32 @!p1 $0xD800, s20  }
0x3b: {  	[tilespmem:s20], [sflag:s19] =	stream.linear.gather @!p1 [hbm4b:s22+s25], $0x1900, $0x38;
	[tilespmem:$0x1FF00] =	vst v63  }
0x3c: {  	s0 =	sshrl.u32 s21, $0x2;
	_ =	swait.ge [sflag:s18], $0x1900  }
0x3d: {  	s21 =	sadd.s32 $0xA440, s0;
	[sflag:s18] =	ssyncset.done $0x0  }
0x3e: {  	v6 =	vmov s21;
	[sflag:s18] =	ssyncadd.s32 $0xFFFFE700  }
0x3f: {  	_ =	swait.ge [sflag:s18], $0x1900  }
0x40: {  	[sflag:s18] =	ssyncset.done $0x0  }
0x41: {  	[sflag:s18] =	ssyncadd.s32 $0xFFFFE700  }
0x42: {  	s22 =	simm.s32 $0x0;
	_ =	strace $0x80000048  }
0x43: {  	v5 =	vld.idx.msk [tilespmem:v6+s22+$0xFFFFFFC0 ss:$0x1], $0xffff;
	_ =	sdelay $0x1  }
0x44: {  	v7 =	vld.idx.msk [tilespmem:v6+s22+$0xFFFFFFD0 ss:$0x1], $0xffff;
	_ =	sdelay $0x1  }
0x45: {  	v8 =	vld.idx.msk [tilespmem:v6+s22+$0xFFFFFFE0 ss:$0x1], $0xffff  }
0x46: {  	v9 =	vsub.s32 v5, v0  }
0x47: {  	v5 =	vld.idx.msk [tilespmem:v6+s22+$0xFFFFFFF0 ss:$0x1], $0xffff;
	vm1 =	vlt.u32 v9, $0x140  }
0x48: {  	v11 =	vsub.s32 v7, v0;
	v10 =	vsel vm1, $0x1, v3  }
0x49: {  	v7 =	vld.idx.msk [tilespmem:v6+s22+$0x0 ss:$0x1], $0xffff;
	vm2 =	vlt.u32 v11, $0x140;
	(xrf0) =	vadd.scan.msk.s32 $0xffff, v10  }
0x4a: {  	v8 =	vsub.s32 v8, v0;
	v53 =	vsel vm2, $0x1, v3  }
0x4b: {  	v12 =	vld.idx.msk [tilespmem:v6+s22+$0x10 ss:$0x1], $0xffff;
	vm3 =	vlt.u32 v8, $0x140;
	(xrf0) =	vadd.scan.msk.s32 $0xffff, v53  }
0x4c: {  	v54 =	vsel vm3, $0x1, v3;
	v13 =	vsub.s32 v5, v0  }
0x4d: {  	v14 =	vld.idx.msk [tilespmem:v6+s22+$0x20 ss:$0x1], $0xffff;
	(xrf0) =	vadd.scan.msk.s32 $0xffff, v54;
	vm4 =	vlt.u32 v13, $0x140  }
0x4e: {  	v55 =	vld.idx.msk [tilespmem:v6+s22+$0x30 ss:$0x1], $0xffff;
	v15 =	vsub.s32 v7, v0;
	v5 =	vsel vm4, $0x1, v3  }
0x4f: {  	vm5 =	vlt.u32 v15, $0x140;
	(xrf0) =	vadd.scan.msk.s32 $0xffff, v5;
	v7, _, _ =	vpop (xrf0)  }
0x50: {  	v12 =	vsub.s32 v12, v0;
	v16 =	vsel vm5, $0x1, v3;
	(v2sf) =	vpush v7, $0xF  }
0x51: {  	vm6 =	vlt.u32 v12, $0x140;
	v7, _, _ =	vpop (xrf0);
	(xrf0) =	vadd.scan.msk.s32 $0xffff, v16  }
0x52: {  	s19 =	sadd.s32 $0xD870, s0;
	v14 =	vsub.s32 v14, v0;
	v56 =	vsel vm6, $0x1, v3;
	(v2sf) =	vpush v7, $0xF  }
0x53: {  	vm7 =	vlt.u32 v14, $0x140;
	v10 =	vsub.s32 v55, v0;
	v5 =	vmov s19;
	v7, _, _ =	vpop (xrf0);
	(xrf0) =	vadd.scan.msk.s32 $0xffff, v56  }
0x54: {  	v57 =	vsel vm7, $0x1, v3;
	vm0 =	vlt.u32 v10, $0x140;
	(v2sf) =	vpush v7, $0xF  }
0x55: {  	v7 =	vsel vm0, $0x1, v3;
	(xrf0) =	vadd.scan.msk.s32 $0xffff, v57;
	v17, _, _ =	vpop (xrf0)  }
0x56: {  	(xrf0) =	vadd.scan.msk.s32 $0xffff, v7;
	(v2sf) =	vpush v17, $0xF  }
0x57: {  	v58, _, _ =	vpop (xrf0)  }
0x58: {  	v59 =	vld.idx.msk [tilespmem:v5+s22+$0xFFFFFFF0 ss:$0x1], $0xffff;
	(v2sf) =	vpush v58, $0xF  }
0x59: {  	v60 =	vld.idx.msk [tilespmem:v5+s22+$0xFFFFFFE0 ss:$0x1], $0xffff;
	v18, _, _ =	vpop (xrf0)  }
0x5a: {  	v19 =	vld.idx.msk [tilespmem:v5+s22+$0xFFFFFF90 ss:$0x1], $0xffff;
	(v2sf) =	vpush v18, $0xF  }
0x5b: {  	v61 =	vld.idx.msk [tilespmem:v5+s22+$0xFFFFFFD0 ss:$0x1], $0xffff;
	v20, _, _ =	vpop (xrf0)  }
0x5c: {  	v21 =	vld.idx.msk [tilespmem:v5+s22+$0xFFFFFFA0 ss:$0x1], $0xffff;
	(v2sf) =	vpush v20, $0xF;
	v62, _, _ =	vpop (xrf0)  }
0x5d: {  	v22 =	vld.idx.msk [tilespmem:v5+s22+$0xFFFFFFC0 ss:$0x1], $0xffff;
	(v2sf) =	vpush v62, $0xF  }
0x5e: {  	v63 =	vld.idx.msk [tilespmem:v5+s22+$0xFFFFFFB0 ss:$0x1], $0xffff  }
0x5f: {  	v7 =	vld.idx.msk [tilespmem:v5+s22+$0x0 ss:$0x1], $0xffff;
	[tilespmem:s16+$0x10C00] =	vst.msk vm1, v9;
	s23 =	spop (v2sf)  }
0x60: {  	[tilespmem:s16+$0x12580] =	vst.msk vm1, v19;
	s18 =	sadd.s32 $0x0, s23  }
0x61: {  	s24 =	spop (v2sf);
	[tilespmem:s18+$0x10C00] =	vst.msk vm2, v11  }
0x62: {  	[tilespmem:s18+$0x12580] =	vst.msk vm2, v21;
	s18 =	sadd.s32 s18, s24  }
0x63: {  	s25 =	spop (v2sf);
	[tilespmem:s18+$0x10C00] =	vst.msk vm3, v8  }
0x64: {  	[tilespmem:s18+$0x12580] =	vst.msk vm3, v63;
	s18 =	sadd.s32 s18, s25  }
0x65: {  	s26 =	spop (v2sf);
	[tilespmem:s18+$0x10C00] =	vst.msk vm4, v13  }
0x66: {  	[tilespmem:s18+$0x12580] =	vst.msk vm4, v22;
	s18 =	sadd.s32 s18, s26  }
0x67: {  	s28 =	spop (v2sf);
	[tilespmem:s18+$0x10C00] =	vst.msk vm5, v15  }
0x68: {  	[tilespmem:s18+$0x12580] =	vst.msk vm5, v61;
	s18 =	sadd.s32 s18, s28  }
0x69: {  	s29 =	spop (v2sf);
	[tilespmem:s18+$0x10C00] =	vst.msk vm6, v12  }
0x6a: {  	[tilespmem:s18+$0x12580] =	vst.msk vm6, v60;
	s18 =	sadd.s32 s18, s29  }
0x6b: {  	s30 =	spop (v2sf);
	[tilespmem:s18+$0x10C00] =	vst.msk vm7, v14  }
0x6c: {  	s31 =	spop (v2sf);
	s22 =	sadd.s32 s18, s30;
	[tilespmem:s18+$0x12580] =	vst.msk vm7, v59  }
0x6d: {  	s19 =	simm.s32 $0x400;
	s18 =	simm.s32 $0x200;
	s20 =	sadd.s32 s22, s31;
	[tilespmem:s22+$0x10C00] =	vst.msk vm0, v10  }
.LBB2_7:
0x6e: {  	p1 =	sne.s32 s19, $0x6200  }
0x6f: {  	s21 =	sshra.s32 s18, $0x2;
	[tilespmem:s22+$0x12580] =	vst.msk vm0, v7;
	s18 =	smov.u32 s19;
	s19 =	sadd.s32 $0x200, s19  }
0x70: {  	v7 =	vld.idx.msk [tilespmem:v6+s21+$0xFFFFFFC0 ss:$0x1], $0xffff;
	_ =	sdelay $0x1  }
0x71: {  	v8 =	vld.idx.msk [tilespmem:v6+s21+$0xFFFFFFD0 ss:$0x1], $0xffff;
	_ =	sdelay $0x1  }
0x72: {  	v9 =	vld.idx.msk [tilespmem:v6+s21+$0xFFFFFFE0 ss:$0x1], $0xffff;
	_ =	sdelay $0x1  }
0x73: {  	v10 =	vsub.s32 v7, v0;
	v7 =	vld.idx.msk [tilespmem:v6+s21+$0xFFFFFFF0 ss:$0x1], $0xffff  }
0x74: {  	vm1 =	vlt.u32 v10, $0x140  }
0x75: {  	v11 =	vsel vm1, $0x1, v3;
	v8 =	vsub.s32 v8, v0;
	v12 =	vld.idx.msk [tilespmem:v6+s21+$0x0 ss:$0x1], $0xffff  }
0x76: {  	vm2 =	vlt.u32 v8, $0x140;
	(xrf0) =	vadd.scan.msk.s32 $0xffff, v11  }
0x77: {  	v11 =	vsel vm2, $0x1, v3;
	v9 =	vsub.s32 v9, v0;
	v13 =	vld.idx.msk [tilespmem:v6+s21+$0x10 ss:$0x1], $0xffff  }
0x78: {  	vm3 =	vlt.u32 v9, $0x140;
	(xrf0) =	vadd.scan.msk.s32 $0xffff, v11  }
0x79: {  	v11 =	vsel vm3, $0x1, v3;
	v14 =	vsub.s32 v7, v0;
	v7 =	vld.idx.msk [tilespmem:v6+s21+$0x20 ss:$0x1], $0xffff  }
0x7a: {  	vm4 =	vlt.u32 v14, $0x140;
	v15 =	vld.idx.msk [tilespmem:v6+s21+$0x30 ss:$0x1], $0xffff;
	(xrf0) =	vadd.scan.msk.s32 $0xffff, v11  }
0x7b: {  	v11 =	vsel vm4, $0x1, v3;
	v12 =	vsub.s32 v12, v0  }
0x7c: {  	vm5 =	vlt.u32 v12, $0x140;
	v16, _, _ =	vpop (xrf0);
	(xrf0) =	vadd.scan.msk.s32 $0xffff, v11  }
0x7d: {  	v11 =	vsel vm5, $0x1, v3;
	v13 =	vsub.s32 v13, v0;
	(v2sf) =	vpush v16, $0xF  }
0x7e: {  	vm6 =	vlt.u32 v13, $0x140;
	v16, _, _ =	vpop (xrf0);
	(xrf0) =	vadd.scan.msk.s32 $0xffff, v11  }
0x7f: {  	v11 =	vsel vm6, $0x1, v3;
	v17 =	vsub.s32 v7, v0;
	(v2sf) =	vpush v16, $0xF  }
0x80: {  	vm7 =	vlt.u32 v17, $0x140;
	v15 =	vsub.s32 v15, v0;
	v7, _, _ =	vpop (xrf0);
	(xrf0) =	vadd.scan.msk.s32 $0xffff, v11  }
0x81: {  	v11 =	vsel vm7, $0x1, v3;
	vm0 =	vlt.u32 v15, $0x140;
	(v2sf) =	vpush v7, $0xF  }
0x82: {  	v7 =	vsel vm0, $0x1, v3;
	v16, _, _ =	vpop (xrf0);
	(xrf0) =	vadd.scan.msk.s32 $0xffff, v11  }
0x83: {  	(v2sf) =	vpush v16, $0xF;
	(xrf0) =	vadd.scan.msk.s32 $0xffff, v7  }
0x84: {  	v7 =	vld.idx.msk [tilespmem:v5+s21+$0x0 ss:$0x1], $0xffff;
	v11, _, _ =	vpop (xrf0)  }
0x85: {  	v16 =	vld.idx.msk [tilespmem:v5+s21+$0xFFFFFFF0 ss:$0x1], $0xffff;
	(v2sf) =	vpush v11, $0xF  }
0x86: {  	v11 =	vld.idx.msk [tilespmem:v5+s21+$0xFFFFFFE0 ss:$0x1], $0xffff;
	v18, _, _ =	vpop (xrf0)  }
0x87: {  	v19 =	vld.idx.msk [tilespmem:v5+s21+$0xFFFFFF90 ss:$0x1], $0xffff;
	(v2sf) =	vpush v18, $0xF  }
0x88: {  	v18 =	vld.idx.msk [tilespmem:v5+s21+$0xFFFFFFD0 ss:$0x1], $0xffff;
	v20, _, _ =	vpop (xrf0)  }
0x89: {  	v21 =	vld.idx.msk [tilespmem:v5+s21+$0xFFFFFFA0 ss:$0x1], $0xffff;
	(v2sf) =	vpush v20, $0xF;
	v20, _, _ =	vpop (xrf0)  }
0x8a: {  	v22 =	vld.idx.msk [tilespmem:v5+s21+$0xFFFFFFC0 ss:$0x1], $0xffff;
	(v2sf) =	vpush v20, $0xF  }
0x8b: {  	v20 =	vld.idx.msk [tilespmem:v5+s21+$0xFFFFFFB0 ss:$0x1], $0xffff  }
0x8c: {  	[tilespmem:s20+$0x10C00] =	vst.msk vm1, v10;
	s21 =	spop (v2sf)  }
0x8d: {  	[tilespmem:s20+$0x12580] =	vst.msk vm1, v19;
	s20 =	sadd.s32 s20, s21  }
0x8e: {  	[tilespmem:s20+$0x10C00] =	vst.msk vm2, v8;
	s21 =	spop (v2sf)  }
0x8f: {  	[tilespmem:s20+$0x12580] =	vst.msk vm2, v21;
	s20 =	sadd.s32 s20, s21  }
0x90: {  	[tilespmem:s20+$0x10C00] =	vst.msk vm3, v9;
	s21 =	spop (v2sf)  }
0x91: {  	[tilespmem:s20+$0x12580] =	vst.msk vm3, v20;
	s20 =	sadd.s32 s20, s21  }
0x92: {  	[tilespmem:s20+$0x10C00] =	vst.msk vm4, v14;
	s21 =	spop (v2sf)  }
0x93: {  	[tilespmem:s20+$0x12580] =	vst.msk vm4, v22;
	s20 =	sadd.s32 s20, s21  }
0x94: {  	[tilespmem:s20+$0x10C00] =	vst.msk vm5, v12;
	s21 =	spop (v2sf)  }
0x95: {  	[tilespmem:s20+$0x12580] =	vst.msk vm5, v18;
	s20 =	sadd.s32 s20, s21  }
.Ltmp6:
0x96: {  	[tilespmem:s20+$0x10C00] =	vst.msk vm6, v13;
	s21 =	spop (v2sf);
	(pc) =	sbr.rel @p1 .LBB2_7-.Ltmp6, $4  }
0x97: {  	[tilespmem:s20+$0x12580] =	vst.msk vm6, v11;
	s20 =	sadd.s32 s20, s21  }
0x98: {  	[tilespmem:s20+$0x10C00] =	vst.msk vm7, v17;
	s21 =	spop (v2sf)  }
0x99: {  	[tilespmem:s20+$0x12580] =	vst.msk vm7, v16;
	s22 =	sadd.s32 s20, s21;
	s20 =	spop (v2sf)  }
0x9a: {  	[tilespmem:s22+$0x10C00] =	vst.msk vm0, v15;
	s20 =	sadd.s32 s22, s20  }
0x9b: {  	_ =	sdelay $0x2  }
0x9c: {  	s18 =	sshra.s32 s18, $0x2;
	[tilespmem:s22+$0x12580] =	vst.msk vm0, v7  }
0x9d: {  	v7 =	vld.idx.msk [tilespmem:v6+s18+$0xFFFFFFC0 ss:$0x1], $0xffff;
	_ =	sdelay $0x1  }
0x9e: {  	v8 =	vld.idx.msk [tilespmem:v6+s18+$0xFFFFFFD0 ss:$0x1], $0xffff  }
0x9f: {  	v9 =	vld.idx.msk [tilespmem:v6+s18+$0xFFFFFFE0 ss:$0x1], $0xffff  }
0xa0: {  	v10 =	vld.idx.msk [tilespmem:v6+s18+$0xFFFFFFF0 ss:$0x1], $0xffff  }
0xa1: {  	v11 =	vld.idx.msk [tilespmem:v6+s18+$0x0 ss:$0x1], $0xffff;
	v7 =	vsub.s32 v7, v0  }
0xa2: {  	v12 =	vld.idx.msk [tilespmem:v6+s18+$0x10 ss:$0x1], $0xffff;
	vm5 =	vlt.u32 v7, $0x140  }
0xa3: {  	v14 =	vld.idx.msk [tilespmem:v6+s18+$0x20 ss:$0x1], $0xffff;
	v8 =	vsub.s32 v8, v0;
	v13 =	vsel vm5, $0x1, v3  }
0xa4: {  	v6 =	vld.idx.msk [tilespmem:v6+s18+$0x30 ss:$0x1], $0xffff;
	v9 =	vsub.s32 v9, v0;
	vm7 =	vlt.u32 v8, $0x140;
	(xrf0) =	vadd.scan.msk.s32 $0xffff, v13  }
0xa5: {  	v10 =	vsub.s32 v10, v0;
	vm6 =	vlt.u32 v9, $0x140;
	v48 =	vsel vm7, $0x1, v3  }
0xa6: {  	v11 =	vsub.s32 v11, v0;
	vm4 =	vlt.u32 v10, $0x140;
	v49 =	vsel vm6, $0x1, v3;
	(xrf0) =	vadd.scan.msk.s32 $0xffff, v48  }
0xa7: {  	v12 =	vsub.s32 v12, v0;
	vm2 =	vlt.u32 v11, $0x140;
	v50 =	vsel vm4, $0x1, v3;
	(xrf0) =	vadd.scan.msk.s32 $0xffff, v49  }
0xa8: {  	v14 =	vsub.s32 v14, v0;
	vm3 =	vlt.u32 v12, $0x140;
	v51 =	vsel vm2, $0x1, v3;
	(xrf0) =	vadd.scan.msk.s32 $0xffff, v50  }
0xa9: {  	v6 =	vsub.s32 v6, v0;
	vm1 =	vlt.u32 v14, $0x140;
	v52 =	vsel vm3, $0x1, v3;
	(xrf0) =	vadd.scan.msk.s32 $0xffff, v51  }
0xaa: {  	vm15 =	vlt.u32 v6, $0x140;
	v53 =	vsel vm1, $0x1, v3;
	v15, _, _ =	vpop (xrf0);
	(xrf0) =	vadd.scan.msk.s32 $0xffff, v52  }
0xab: {  	v54 =	vsel vm15, $0x1, v3;
	(v2sf) =	vpush v15, $0xF;
	(xrf0) =	vadd.scan.msk.s32 $0xffff, v53  }
0xac: {  	v55, _, _ =	vpop (xrf0);
	(xrf0) =	vadd.scan.msk.s32 $0xffff, v54  }
0xad: {  	v56, _, _ =	vpop (xrf0);
	(v2sf) =	vpush v55, $0xF  }
0xae: {  	v57, _, _ =	vpop (xrf0);
	(v2sf) =	vpush v56, $0xF  }
0xaf: {  	(v2sf) =	vpush v57, $0xF;
	v58, _, _ =	vpop (xrf0)  }
0xb0: {  	(v2sf) =	vpush v58, $0xF;
	v59, _, _ =	vpop (xrf0)  }
0xb1: {  	(v2sf) =	vpush v59, $0xF;
	v60, _, _ =	vpop (xrf0)  }
0xb2: {  	(v2sf) =	vpush v60, $0xF;
	v62, _, _ =	vpop (xrf0)  }
0xb3: {  	v61 =	vld.idx.msk [tilespmem:v5+s18+$0x0 ss:$0x1], $0xffff;
	(v2sf) =	vpush v62, $0xF  }
0xb4: {  	v16 =	vld.idx.msk [tilespmem:v5+s18+$0xFFFFFFF0 ss:$0x1], $0xffff  }
0xb5: {  	v63 =	vld.idx.msk [tilespmem:v5+s18+$0xFFFFFFE0 ss:$0x1], $0xffff  }
0xb6: {  	v17 =	vld.idx.msk [tilespmem:v5+s18+$0xFFFFFF90 ss:$0x1], $0xffff  }
0xb7: {  	v18 =	vld.idx.msk [tilespmem:v5+s18+$0xFFFFFFD0 ss:$0x1], $0xffff  }
0xb8: {  	v19 =	vld.idx.msk [tilespmem:v5+s18+$0xFFFFFFA0 ss:$0x1], $0xffff  }
0xb9: {  	v20 =	vld.idx.msk [tilespmem:v5+s18+$0xFFFFFFC0 ss:$0x1], $0xffff  }
0xba: {  	v5 =	vld.idx.msk [tilespmem:v5+s18+$0xFFFFFFB0 ss:$0x1], $0xffff;
	[tilespmem:s20+$0x10C00] =	vst.msk vm5, v7;
	s21 =	spop (v2sf)  }
0xbb: {  	[tilespmem:s20+$0x12580] =	vst.msk vm5, v17;
	s31 =	sadd.s32 s20, s21  }
0xbc: {  	s22 =	spop (v2sf);
	[tilespmem:s31+$0x10C00] =	vst.msk vm7, v8  }
0xbd: {  	s18 =	sadd.s32 s31, s22;
	s23 =	spop (v2sf);
	[tilespmem:s31+$0x12580] =	vst.msk vm7, v19  }
0xbe: {  	s19 =	sadd.s32 s18, s23;
	s24 =	spop (v2sf);
	[tilespmem:s18+$0x10C00] =	vst.msk vm6, v9  }
0xbf: {  	s0 =	sadd.s32 s19, s24;
	s25 =	spop (v2sf);
	[tilespmem:s18+$0x12580] =	vst.msk vm6, v5  }
0xc0: {  	s30 =	sadd.s32 s0, s25;
	[tilespmem:s19+$0x10C00] =	vst.msk vm4, v10;
	s26 =	spop (v2sf)  }
0xc1: {  	[tilespmem:s19+$0x12580] =	vst.msk vm4, v20;
	s19 =	sadd.s32 s30, s26;
	s28 =	spop (v2sf)  }
0xc2: {  	[tilespmem:s0+$0x10C00] =	vst.msk vm2, v11;
	s31 =	sadd.s32 s19, s28;
	s29 =	spop (v2sf)  }
0xc3: {  	[tilespmem:s0+$0x12580] =	vst.msk vm2, v18;
	s18 =	sadd.s32 s31, s29  }
0xc4: {  	[tilespmem:s30+$0x10C00] =	vst.msk vm3, v12;
	s0 =	sadd.s32 $0x3F, s18  }
0xc5: {  	[tilespmem:s30+$0x12580] =	vst.msk vm3, v63;
	s30 =	sand.u32 $0x3F, s0  }
0xc6: {  	p2 =	slt.s32 s0, $0x1;
	p1 =	sne.s32 s30, $0x0;
	s30 =	sshra.s32 s0, $0x1F  }
0xc7: {  	[tilespmem:s19+$0x10C00] =	vst.msk vm1, v14;
	s30 =	sshrl.u32 s30, $0x1A;
	p1 =	por !p2, !p1  }
0xc8: {  	[tilespmem:s19+$0x12580] =	vst.msk vm1, v16;
	s19 =	simm.s32 $0x1;
	s0 =	sadd.s32 s30, s0;
	p1 =	por !p1, !p1  }
0xc9: {  	s0 =	sshra.s32 s0, $0x6;
	s19 =	simm.s32 @!p1 $0x0  }
0xca: {  	v5 =	vadd.s32 s18, v2;
	s19 =	ssub.s32 s0, s19  }
0xcb: {  	p1 =	slt.s32 s19, $0x1  }
.Ltmp7:
0xcc: {  	_ = 	snop;
	(pc) =	sbr.rel @p1 .LBB2_20-.Ltmp7, $4  }
0xcd: {  	[tilespmem:s31+$0x10C00] =	vst.msk vm15, v6  }
0xce: {  	[tilespmem:s31+$0x12580] =	vst.msk vm15, v61  }
0xcf: {  	_ =	strace $0x90000048;
	[tilespmem:v5+s11+$0x0] =	vst.idx.msk $0xffff, v4  }
0xd0: {  	[tilespmem:v5+s8+$0x0] =	vst.idx.msk $0xffff, v3  }
0xd1: {  	[tilespmem:s13], [sflag:$0x3] =	stream.indirect.gather [hbm4b:s3+s12], $0x80, s8, s12, $0xb8;
	[tilespmem:$0x1FF00] =	vst v63  }
0xd2: {  	p1 =	seq.s32 s19, $0x1  }
0xd3: {  	s0 =	simm.s32 @!p1 $0x40  }
0xd4: {  	s30 =	simm.s32 @!p1 $0x125C0;
	s31 =	simm.s32 @!p1 $0x15F00;
	p2 =	slt.u32 @!p1 s19, $0x3  }
0xd5: {  	[tilespmem:s31], [sflag:$0x4] =	stream.indirect.gather @!p1 [hbm4b:s3+s0], $0x80, s30, s0, $0xb8;
	[tilespmem:$0x1FF00] =	vst v63  }
0xd6: {  	p3 =	por p2, p1  }
0xd7: {  	s0 =	simm.s32 @!p3 $0x40  }
0xd8: {  	s30 =	simm.s32 @!p3 $0x12600;
	s31 =	simm.s32 @!p3 $0x17F00;
	p4 =	seq.s32 @!p3 s19, $0x3  }
0xd9: {  	[tilespmem:s31], [sflag:$0x5] =	stream.indirect.gather @!p3 [hbm4b:s3+s0], $0x80, s30, s0, $0xb8;
	[tilespmem:$0x1FF00] =	vst v63  }
0xda: {  	p5 =	por @!p1 p4, p2  }
0xdb: {  	p5 =	por p5, p1  }
0xdc: {  	s0 =	simm.s32 @!p5 $0x40;
	s30 =	simm.s32 @!p5 $0x12640;
	s31 =	simm.s32 @!p5 $0x19F00  }
0xdd: {  	[tilespmem:s31], [sflag:$0x6] =	stream.indirect.gather @!p5 [hbm4b:s3+s0], $0x80, s30, s0, $0xb8;
	[tilespmem:$0x1FF00] =	vst v63  }
0xde: {  	p5 =	slt.u32 @!p5 s19, $0x5  }
0xdf: {  	p3 =	por @!p3 p5, p4  }
0xe0: {  	p2 =	por @!p1 p3, p2  }
0xe1: {  	p1 =	por p2, p1  }
0xe2: {  	s0 =	simm.s32 @!p1 $0x40;
	s30 =	simm.s32 @!p1 $0x12680;
	s31 =	simm.s32 @!p1 $0x1BF00  }
0xe3: {  	[tilespmem:s31], [sflag:$0x7] =	stream.indirect.gather @!p1 [hbm4b:s3+s0], $0x80, s30, s0, $0xb8;
	[tilespmem:$0x1FF00] =	vst v63  }
0xe4: {  	s31 =	sadd.s32 s22, s21  }
0xe5: {  	s0 =	sadd.s32 s23, s31  }
0xe6: {  	s0 =	sadd.s32 s24, s0  }
.Ltmp8:
0xe7: {  	s0 =	sadd.s32 s25, s0;
	(pc) =	sbr.rel .LBB2_10-.Ltmp8, $4  }
0xe8: {  	s0 =	sadd.s32 s26, s0  }
0xe9: {  	s0 =	sadd.s32 s28, s0  }
0xea: {  	s21 =	simm.s32 $0x0;
	s22 =	simm.s32 $0x13F00;
	s0 =	sadd.s32 s29, s0  }
0xeb: {  	_ =	strace $0x80000049;
	s23 =	simm.s32 $0x0;
	s20 =	sadd.s32 s20, s0  }
.LBB2_12:
0xec: {  	s24 =	simm.s32 $0x0  }
.LBB2_15:
0xed: {  	_ =	sdelay $0x2  }
0xee: {  	[tilespmem:s29+$0x70] =	vst @p1 v7  }
0xef: {  	v6 =	vld.idx.msk [tilespmem:v6+s11+$0x0], $0xffff;
	_ =	sdelay $0x4  }
0xf0: {  	v6 =	vxor.u32 $0x80000000, v6  }
0xf1: {  	(xrf0) =	vmax.scan.msk.u32 $0xffff, v6;
	_ =	sdelay $0x5  }
0xf2: {  	v6, _, _ =	vpop (xrf0)  }
0xf3: {  	(v2sf) =	vpush v6, $0xF;
	_ =	sdelay $0xe  }
0xf4: {  	s0 =	spop (v2sf)  }
0xf5: {  	s24 =	sshra.s32 s24, $0x2;
	s0 =	sshll.u32 s0, $0x9  }
0xf6: {  	v6 =	vld.idx.msk [tilespmem:v5+s24+$0x0 ss:$0x1], $0xffff;
	s0 =	sshra.s32 s0, $0x2  }
0xf7: {  	v7 =	vld [tilespmem:s0+$0x0];
	_ =	sdelay $0x4  }
0xf8: {  	v6 =	vmax.f32 v7, v6  }
0xf9: {  	v7 =	vld [tilespmem:s0+$0x10];
	[tilespmem:s0+$0x0] =	vst v6  }
0xfa: {  	v6 =	vld.idx.msk [tilespmem:v5+s24+$0x10 ss:$0x1], $0xffff;
	_ =	sdelay $0x4  }
0xfb: {  	v6 =	vmax.f32 v7, v6  }
0xfc: {  	v7 =	vld [tilespmem:s0+$0x20];
	[tilespmem:s0+$0x10] =	vst v6  }
0xfd: {  	v6 =	vld.idx.msk [tilespmem:v5+s24+$0x20 ss:$0x1], $0xffff;
	_ =	sdelay $0x4  }
0xfe: {  	v6 =	vmax.f32 v7, v6  }
0xff: {  	v7 =	vld [tilespmem:s0+$0x30];
	[tilespmem:s0+$0x20] =	vst v6  }
0x100: {  	v6 =	vld.idx.msk [tilespmem:v5+s24+$0x30 ss:$0x1], $0xffff;
	_ =	sdelay $0x4  }
0x101: {  	v6 =	vmax.f32 v7, v6  }
0x102: {  	v7 =	vld [tilespmem:s0+$0x40];
	[tilespmem:s0+$0x30] =	vst v6  }
0x103: {  	v6 =	vld.idx.msk [tilespmem:v5+s24+$0x40 ss:$0x1], $0xffff;
	_ =	sdelay $0x4  }
0x104: {  	v6 =	vmax.f32 v7, v6  }
0x105: {  	v7 =	vld [tilespmem:s0+$0x50];
	[tilespmem:s0+$0x40] =	vst v6  }
0x106: {  	v6 =	vld.idx.msk [tilespmem:v5+s24+$0x50 ss:$0x1], $0xffff;
	_ =	sdelay $0x4  }
0x107: {  	v6 =	vmax.f32 v7, v6  }
0x108: {  	v7 =	vld [tilespmem:s0+$0x60];
	[tilespmem:s0+$0x50] =	vst v6  }
0x109: {  	v6 =	vld.idx.msk [tilespmem:v5+s24+$0x60 ss:$0x1], $0xffff;
	_ =	sdelay $0x4  }
0x10a: {  	v6 =	vmax.f32 v7, v6  }
0x10b: {  	[tilespmem:s0+$0x60] =	vst v6;
	v6 =	vld [tilespmem:s0+$0x70]  }
0x10c: {  	v5 =	vld.idx.msk [tilespmem:v5+s24+$0x70 ss:$0x1], $0xffff;
	_ =	sdelay $0x4  }
0x10d: {  	v5 =	vmax.f32 v6, v5  }
0x10e: {  	[tilespmem:s0+$0x70] =	vst v5  }
.LBB2_16:
0x10f: {  	s23 =	sadd.s32 $0x1, s23  }
0x110: {  	p1 =	sne.s32 s23, s19  }
.Ltmp9:
0x111: {  	_ = 	snop;
	(pc) =	sbr.rel @!p1 .LBB2_17-.Ltmp9, $2  }
0x112: {  	_ =	sdelay $0x2  }
0x113: {  	s20 =	sadd.s32 $0xFFFFFFC0, s20;
	s21 =	sadd.s32 $0x40, s21;
	s22 =	sadd.s32 $0x2000, s22  }
.LBB2_10:
0x114: {  	s0 =	sadd.s32 $0x5, s23  }
0x115: {  	p1 =	sge.s32 s0, s19  }
0x116: {  	s24 =	smulhi.u32 @!p1 $0xAAAAAAAB, s0  }
0x117: {  	s25 =	smulhi.u32 $0xAAAAAAAB, s23  }
0x118: {  	s24 =	sshrl.u32 @!p1 s24, $0x2  }
0x119: {  	s26 =	smul.u32 @!p1 $0x6, s24;
	s24 =	sshrl.u32 s25, $0x2  }
0x11a: {  	s25 =	smul.u32 $0x6, s24  }
0x11b: {  	s31 =	sshll.u32 s23, $0x6;
	s29 =	simm.s32 @!p1 $0x40;
	s26 =	ssub.s32 @!p1 s0, s26  }
0x11c: {  	s0 =	sshll.u32 @!p1 s0, $0x8;
	s28 =	sshll.u32 @!p1 s26, $0xD;
	s25 =	ssub.s32 s23, s25  }
0x11d: {  	s0 =	sshra.s32 @!p1 s0, $0x2;
	s26 =	sadd.s32 @!p1 $0x3, s26;
	s28 =	sadd.s32 @!p1 $0x13F00, s28  }
0x11e: {  	s0 =	sadd.s32 @!p1 $0x12580, s0;
	s30 =	sadd.s32 $0x3, s25;
	s25 =	ssub.s32 s18, s31  }
0x11f: {  	[tilespmem:s28], [sflag:s26] =	stream.indirect.gather @!p1 [hbm4b:s3+s29], $0x80, s0, s29, $0x2000b8;
	[tilespmem:$0x1FF00] =	vst v63  }
0x120: {  	p1 =	slt.s32 s25, $0x1  }
.Ltmp10:
0x121: {  	_ = 	snop;
	(pc) =	sbr.rel @p1 .LBB2_16-.Ltmp10, $4  }
0x122: {  	_ = 	snop  }
0x123: {  	_ =	swait.ge [sflag:s30], $0x2000  }
0x124: {  	[sflag:s30] =	ssyncset.done $0x0  }
0x125: {  	[sflag:s30] =	ssyncadd.s32 $0xFFFFE000  }
0x126: {  	p1 =	sgt.s32 s20, $0x1;
	s0 =	smov.u32 s20  }
0x127: {  	s0 =	simm.s32 @!p1 $0x1  }
0x128: {  	s0 =	smin.u32 s0, $0x40  }
0x129: {  	s25 =	sshll.u32 s0, $0x9  }
0x12a: {  	s24 =	smul.u32 $0xFFFD0000, s24;
	p2 =	sne.s32 s25, $0x200  }
.Ltmp11:
0x12b: {  	_ = 	snop;
	(pc) =	sbr.rel @!p2 .LBB2_12-.Ltmp11, $4  }
0x12c: {  	_ = 	snop  }
0x12d: {  	s24 =	sshra.s32 s24, $0x2  }
0x12e: {  	s31 =	sadd.s32 s24, s22  }
0x12f: {  	v6 =	vmov s21;
	p1 =	por $0x0, $0x0;
	s24 =	simm.s32 $0x200;
	v5 =	vmov s31  }
0x130: {  	_ =	sdelay $0x3  }
0x131: {  	v6 =	vld.idx.msk [tilespmem:v6+s11+$0x0], $0xffff;
	_ =	sdelay $0x4  }
0x132: {  	v6 =	vxor.u32 $0x80000000, v6  }
0x133: {  	(xrf0) =	vmax.scan.msk.u32 $0xffff, v6;
	_ =	sdelay $0x5  }
0x134: {  	v6, _, _ =	vpop (xrf0)  }
0x135: {  	(v2sf) =	vpush v6, $0xF;
	_ =	sdelay $0xe  }
0x136: {  	s0 =	spop (v2sf)  }
0x137: {  	s26 =	simm.s32 $0x0;
	s0 =	sshll.u32 s0, $0x9  }
0x138: {  	v6 =	vld.idx.msk [tilespmem:v5+s26+$0x0 ss:$0x1], $0xffff;
	s29 =	sshra.s32 s0, $0x2  }
0x139: {  	v7 =	vld [tilespmem:s29+$0x0];
	_ =	sdelay $0x4  }
0x13a: {  	v6 =	vmax.f32 v7, v6  }
0x13b: {  	v7 =	vld [tilespmem:s29+$0x10];
	[tilespmem:s29+$0x0] =	vst v6  }
0x13c: {  	v6 =	vld.idx.msk [tilespmem:v5+s26+$0x10 ss:$0x1], $0xffff;
	_ =	sdelay $0x4  }
0x13d: {  	v6 =	vmax.f32 v7, v6  }
0x13e: {  	v7 =	vld [tilespmem:s29+$0x20];
	[tilespmem:s29+$0x10] =	vst v6  }
0x13f: {  	v6 =	vld.idx.msk [tilespmem:v5+s26+$0x20 ss:$0x1], $0xffff;
	_ =	sdelay $0x4  }
0x140: {  	v6 =	vmax.f32 v7, v6  }
0x141: {  	v7 =	vld [tilespmem:s29+$0x30];
	[tilespmem:s29+$0x20] =	vst v6  }
0x142: {  	v6 =	vld.idx.msk [tilespmem:v5+s26+$0x30 ss:$0x1], $0xffff;
	_ =	sdelay $0x4  }
0x143: {  	v6 =	vmax.f32 v7, v6  }
0x144: {  	v7 =	vld [tilespmem:s29+$0x40];
	[tilespmem:s29+$0x30] =	vst v6  }
0x145: {  	v6 =	vld.idx.msk [tilespmem:v5+s26+$0x40 ss:$0x1], $0xffff;
	_ =	sdelay $0x4  }
0x146: {  	v6 =	vmax.f32 v7, v6  }
0x147: {  	v7 =	vld [tilespmem:s29+$0x50];
	[tilespmem:s29+$0x40] =	vst v6  }
0x148: {  	v6 =	vld.idx.msk [tilespmem:v5+s26+$0x50 ss:$0x1], $0xffff;
	_ =	sdelay $0x4  }
0x149: {  	v6 =	vmax.f32 v7, v6  }
0x14a: {  	v7 =	vld [tilespmem:s29+$0x60];
	[tilespmem:s29+$0x50] =	vst v6  }
0x14b: {  	v6 =	vld.idx.msk [tilespmem:v5+s26+$0x60 ss:$0x1], $0xffff;
	_ =	sdelay $0x4  }
0x14c: {  	v6 =	vmax.f32 v7, v6  }
0x14d: {  	v8 =	vld [tilespmem:s29+$0x70];
	[tilespmem:s29+$0x60] =	vst v6  }
0x14e: {  	p2 =	sne.s32 s25, $0x400;
	v7 =	vld.idx.msk [tilespmem:v5+s26+$0x70 ss:$0x1], $0xffff  }
.Ltmp12:
0x14f: {  	s26 =	sadd.s32 $0x1, s21;
	(pc) =	sbr.rel @!p2 .LBB2_15-.Ltmp12, $2  }
0x150: {  	v6 =	vmov s26;
	_ =	sdelay $0x2  }
0x151: {  	s28 =	simm.s32 $0x400;
	p1 =	por $0x1, $0x1;
	v7 =	vmax.f32 v8, v7  }
.LBB2_14:
0x152: {  	[tilespmem:s29+$0x70] =	vst v7;
	s0 =	smov.u32 s28;
	s28 =	sadd.s32 $0x200, s28  }
0x153: {  	p2 =	sne.s32 s25, s28;
	v6 =	vld.idx.msk [tilespmem:v6+s11+$0x0], $0xffff;
	_ =	sdelay $0x5  }
0x154: {  	v6 =	vxor.u32 $0x80000000, v6  }
0x155: {  	(xrf0) =	vmax.scan.msk.u32 $0xffff, v6;
	_ =	sdelay $0x5  }
0x156: {  	v6, _, _ =	vpop (xrf0)  }
0x157: {  	(v2sf) =	vpush v6, $0xF;
	_ =	sdelay $0xe  }
0x158: {  	s29 =	spop (v2sf)  }
0x159: {  	s30 =	sshra.s32 s24, $0x2;
	s24 =	smov.u32 s0;
	s29 =	sshll.u32 s29, $0x9  }
0x15a: {  	s29 =	sshra.s32 s29, $0x2;
	v6 =	vld.idx.msk [tilespmem:v5+s30+$0x0 ss:$0x1], $0xffff  }
0x15b: {  	v7 =	vld [tilespmem:s29+$0x0];
	_ =	sdelay $0x4  }
0x15c: {  	v6 =	vmax.f32 v7, v6  }
0x15d: {  	[tilespmem:s29+$0x0] =	vst v6  }
0x15e: {  	v6 =	vld.idx.msk [tilespmem:v5+s30+$0x10 ss:$0x1], $0xffff  }
0x15f: {  	v7 =	vld [tilespmem:s29+$0x10];
	_ =	sdelay $0x4  }
0x160: {  	v6 =	vmax.f32 v7, v6  }
0x161: {  	[tilespmem:s29+$0x10] =	vst v6  }
0x162: {  	v6 =	vld.idx.msk [tilespmem:v5+s30+$0x20 ss:$0x1], $0xffff  }
0x163: {  	v7 =	vld [tilespmem:s29+$0x20];
	_ =	sdelay $0x4  }
0x164: {  	v6 =	vmax.f32 v7, v6  }
0x165: {  	[tilespmem:s29+$0x20] =	vst v6  }
0x166: {  	v6 =	vld.idx.msk [tilespmem:v5+s30+$0x30 ss:$0x1], $0xffff  }
0x167: {  	v7 =	vld [tilespmem:s29+$0x30];
	_ =	sdelay $0x4  }
0x168: {  	v6 =	vmax.f32 v7, v6  }
0x169: {  	[tilespmem:s29+$0x30] =	vst v6  }
0x16a: {  	v6 =	vld.idx.msk [tilespmem:v5+s30+$0x40 ss:$0x1], $0xffff  }
0x16b: {  	v7 =	vld [tilespmem:s29+$0x40];
	_ =	sdelay $0x4  }
0x16c: {  	v6 =	vmax.f32 v7, v6  }
0x16d: {  	[tilespmem:s29+$0x40] =	vst v6  }
0x16e: {  	v6 =	vld.idx.msk [tilespmem:v5+s30+$0x50 ss:$0x1], $0xffff  }
0x16f: {  	v7 =	vld [tilespmem:s29+$0x50];
	_ =	sdelay $0x4  }
0x170: {  	v6 =	vmax.f32 v7, v6  }
0x171: {  	[tilespmem:s29+$0x50] =	vst v6  }
0x172: {  	v6 =	vld.idx.msk [tilespmem:v5+s30+$0x60 ss:$0x1], $0xffff  }
0x173: {  	v7 =	vld [tilespmem:s29+$0x60];
	_ =	sdelay $0x4  }
0x174: {  	v6 =	vmax.f32 v7, v6  }
0x175: {  	[tilespmem:s29+$0x60] =	vst v6  }
0x176: {  	v7 =	vld.idx.msk [tilespmem:v5+s30+$0x70 ss:$0x1], $0xffff  }
0x177: {  	v8 =	vld [tilespmem:s29+$0x70]  }
.Ltmp13:
0x178: {  	s26 =	sadd.s32 $0x1, s26;
	(pc) =	sbr.rel @p2 .LBB2_14-.Ltmp13, $2  }
0x179: {  	v6 =	vmov s26;
	_ =	sdelay $0x2  }
0x17a: {  	v7 =	vmax.f32 v8, v7  }
.Ltmp14:
0x17b: {  	_ = 	snop;
	(pc) =	sbr.rel .LBB2_15-.Ltmp14, $1  }
0x17c: {  	_ =	sdelay $0x3  }
.LBB2_19:
0x17d: {  	_ =	sfence.sel $0x180000  }
0x17e: {  	[bflag:$0x0] =	sbarrier.arrive $0xFFFF  }
0x17f: {  	_ =	strace $0x90000047  }
0x180: {  	[bflag:$0x2] =	sbarrier.arrive $0xFFFF  }
0x181: {  	p0 =	sne.s32 s1, $0x0;
	s0 =	rddreg [dreg:$0x2]  }
0x182: {  	s0 =	sadd.s32 @!p0 $0x100000, s0  }
0x183: {  	[sflag:s0] =	ssyncadd.tile.s32 @!p0 $0x1;
	_ =	shalt  }
.Lfunc_end2:
_tile_overlayer_lowered:
.L_overlay_start_2:
0x184: {  	(tag) =	ssettag $0x2  }
0x185: {  	s0 =	rddreg [dreg:$0x0];
	s2 =	stileid.u32  }
0x186: {  	s1 =	rddreg [dreg:$0x1];
	p0 =	sne.s32 s2, $0x0  }
0x187: {  	s3 =	rddreg [dreg:$0x2];
	[bflag:$0x3] =	sbarrier.arrive $0xFFFF;
	s2 =	simm.s32 @!p0 $0x1C09  }
0x188: {  	[timem:s3], [sflag:s2] =	dma.local @!p0 [hbm:s0], s1  }
0x189: {  	s0 =	simm.s32 @!p0 $0x9  }
0x18a: {  	_ =	swait.ge @!p0 [sflag:s0], s1  }
0x18b: {  	s1 =	ssub.s32 @!p0 $0x0, s1;
	[sflag:s0] =	ssyncset.done @!p0 $0x0  }
0x18c: {  	[sflag:s0] =	ssyncadd.s32 @!p0 s1  }
0x18d: {  	[bflag:$0x3] =	sbarrier.arrive $0xFFFF  }
0x18e: {  	_ =	shalt  }

// kernel: kernel.9.cloned.1.call-start
scs
__scs_entry_jumppad:
0x0: {  	(pc) =	sbr.rel $0x88, $3  }
0x1: {  	(tag) =	ssettag $0x0;
	lr =	simm.s32 $0x1  }
0x2: {  	[smem:$0x3F9A] =	sst lr;
	_ =	strace $0xD0000000  }
0x3: {  	_ = 	snop  }
0x4: {  	_ = 	snop  }
0x5: {  	_ = 	snop  }
0x6: {  	_ = 	snop  }
0x7: {  	_ = 	snop  }
__scs_overlays_trampoline_lowered:
0x8: {  	[smem:$0x3FA9] =	sst s0  }
0x9: {  	[smem:$0x3FAA] =	sst s1  }
0xa: {  	[smem:$0x3FAB] =	sst s2  }
0xb: {  	[smem:$0x3FAC] =	sst s3  }
0xc: {  	[smem:$0x3FAD] =	sst s4  }
0xd: {  	[smem:$0x3FAE] =	sst s5  }
0xe: {  	[smem:$0x3FAF] =	sst s6  }
0xf: {  	[smem:$0x3FB0] =	sst s7  }
0x10: {  	[smem:$0x3FB1] =	sst s8  }
0x11: {  	[smem:$0x3FB2] =	sst s9;
	s0 =	simm.s32 @!p0 $0x0  }
0x12: {  	s1 =	sld [smem:$0x3F98];
	s0 =	simm.s32 @p0 $0x1  }
0x13: {  	[smem:$0x3FB3] =	sst s0;
	s0 =	simm.s32 @!p1 $0x0  }
0x14: {  	s2 =	sld [smem:$0x3F97];
	s0 =	simm.s32 @p1 $0x1  }
0x15: {  	[smem:$0x3FB4] =	sst s0;
	s0 =	simm.s32 @!p2 $0x0  }
0x16: {  	s3 =	sld [smem:$0x3FDB];
	s0 =	simm.s32 @p2 $0x1  }
0x17: {  	s4 =	simm.s32 $0x1BF5;
	[smem:$0x3FB6] =	sst s0  }
0x18: {  	s0 =	sld [smem:$0x3F99];
	_ =	swait.ge [sflag:s4], $0x0  }
0x19: {  	s7 =	sld [smem:$0x3F9A]  }
0x1a: {  	s8 =	sadd.s32 $0xFFFFE003, lr  }
0x1b: {  	s9 =	sadd.s32 $0xFFFFFEF7, lr;
	s5 =	simm.s32 $0xFFFFFFFF;
	p2 =	slt.u32 s8, $0xFFFFF086  }
0x1c: {  	p1 =	slt.u32 s9, $0xF7A;
	s5 =	simm.s32 @!p2 $0x0  }
0x1d: {  	s5 =	simm.s32 @p1 $0x1;
	p0 =	seq.s32 s7, s2  }
0x1e: {  	s7 =	smul.u32 @!p0 $0xF7A, s2;
	p2 =	seq.s32 @!p0 s5, $0x0  }
0x1f: {  	s9 =	smul.u32 $0xF7A, s1;
	s8 =	simm.s32 @!p0 $0x1BF5;
	p2 =	por !p2, p0  }
0x20: {  	[sflag:s8] =	ssyncset.s32 @!p0 $0xFFFFF086;
	s6 =	sadd.s32 @!p0 s3, s7;
	s7 =	simm.s32 @!p0 $0x108  }
0x21: {  	s3 =	sadd.s32 s3, s9;
	s6 =	sadd.s32 @!p0 $0x88, s6;
	s7 =	simm.s32 @p2 $0x1082  }
0x22: {  	[simem:s7], [sflag:s8] =	dma.local @!p0 [hbm:s6], $0xF7A  }
0x23: {  	s9 =	sor.u32 $0xD0000000, s2;
	s6 =	simm.s32 $0x108;
	_ =	swait.ge @!p0 [sflag:s8], $0x0  }
0x24: {  	s3 =	sadd.s32 $0x88, s3;
	s6 =	simm.s32 @!p1 $0x1082;
	[sflag:s4] =	ssyncset.s32 $0xFFFFF086  }
0x25: {  	[simem:s6], [sflag:s4] =	dma.local [hbm:s3], $0xF7A  }
0x26: {  	[smem:$0x3F9A] =	sst s1;
	(tag) =	ssettag s2;
	_ =	strace s9  }
0x27: {  	s1 =	sld [smem:$0x3FAA]  }
0x28: {  	s2 =	sld [smem:$0x3FAB]  }
0x29: {  	s4 =	sld [smem:$0x3FAD]  }
0x2a: {  	p0 =	seq.s32 s5, $0x0;
	s5 =	sld [smem:$0x3FAE]  }
0x2b: {  	s6 =	sld [smem:$0x3FAF]  }
0x2c: {  	s7 =	sld [smem:$0x3FB0]  }
0x2d: {  	s3 =	simm.s32 $0x108;
	s8 =	sld [smem:$0x3FB1]  }
0x2e: {  	s3 =	simm.s32 @!p0 $0x1082;
	s9 =	sld [smem:$0x3FB2]  }
0x2f: {  	lr =	sadd.s32 s0, s3;
	s0 =	sld [smem:$0x3FA9]  }
0x30: {  	s3 =	sld [smem:$0x3FAC]  }
0x31: {  	[smem:$0x3FB5] =	sst s10  }
0x32: {  	s10 =	sld [smem:$0x3FB3];
	_ =	sdelay $0x3  }
0x33: {  	p0 =	seq.s32 s10, $0x1;
	s10 =	sld [smem:$0x3FB5];
	_ =	sdelay $0x3  }
0x34: {  	[smem:$0x3FB5] =	sst s10  }
0x35: {  	s10 =	sld [smem:$0x3FB4];
	_ =	sdelay $0x3  }
0x36: {  	p1 =	seq.s32 s10, $0x1;
	s10 =	sld [smem:$0x3FB5];
	_ =	sdelay $0x3  }
0x37: {  	[smem:$0x3FB5] =	sst s10  }
0x38: {  	s10 =	sld [smem:$0x3FB6]  }
0x39: {  	_ = 	snop;
	(pc) =	sbr.ind lr, $3  }
0x3a: {  	_ = 	snop  }
0x3b: {  	_ = 	snop  }
0x3c: {  	p2 =	seq.s32 s10, $0x1;
	s10 =	sld [smem:$0x3FB5]  }
0x3d: {  	_ =	shalt  }
0x3e: {  	_ =	shalt  }
0x3f: {  	_ =	shalt  }
0x40: {  	_ =	shalt  }
0x41: {  	_ =	shalt  }
0x42: {  	_ =	shalt  }
0x43: {  	_ =	shalt  }
0x44: {  	_ =	shalt  }
0x45: {  	_ =	shalt  }
0x46: {  	_ =	shalt  }
0x47: {  	_ =	shalt  }
0x48: {  	_ =	shalt  }
0x49: {  	_ =	shalt  }
0x4a: {  	_ =	shalt  }
0x4b: {  	_ =	shalt  }
0x4c: {  	_ =	shalt  }
0x4d: {  	_ =	shalt  }
0x4e: {  	_ =	shalt  }
0x4f: {  	_ =	shalt  }
0x50: {  	_ =	shalt  }
0x51: {  	_ =	shalt  }
0x52: {  	_ =	shalt  }
0x53: {  	_ =	shalt  }
0x54: {  	_ =	shalt  }
0x55: {  	_ =	shalt  }
0x56: {  	_ =	shalt  }
0x57: {  	_ =	shalt  }
0x58: {  	_ =	shalt  }
0x59: {  	_ =	shalt  }
0x5a: {  	_ =	shalt  }
0x5b: {  	_ =	shalt  }
0x5c: {  	_ =	shalt  }
0x5d: {  	_ =	shalt  }
0x5e: {  	_ =	shalt  }
0x5f: {  	_ =	shalt  }
0x60: {  	_ =	shalt  }
0x61: {  	_ =	shalt  }
0x62: {  	_ =	shalt  }
0x63: {  	_ =	shalt  }
0x64: {  	_ =	shalt  }
0x65: {  	_ =	shalt  }
0x66: {  	_ =	shalt  }
0x67: {  	_ =	shalt  }
0x68: {  	_ =	shalt  }
0x69: {  	_ =	shalt  }
0x6a: {  	_ =	shalt  }
0x6b: {  	_ =	shalt  }
0x6c: {  	_ =	shalt  }
0x6d: {  	_ =	shalt  }
0x6e: {  	_ =	shalt  }
0x6f: {  	_ =	shalt  }
0x70: {  	_ =	shalt  }
0x71: {  	_ =	shalt  }
0x72: {  	_ =	shalt  }
0x73: {  	_ =	shalt  }
0x74: {  	_ =	shalt  }
0x75: {  	_ =	shalt  }
0x76: {  	_ =	shalt  }
0x77: {  	_ =	shalt  }
0x78: {  	_ =	shalt  }
0x79: {  	_ =	shalt  }
0x7a: {  	_ =	shalt  }
0x7b: {  	_ =	shalt  }
0x7c: {  	_ =	shalt  }
0x7d: {  	_ =	shalt  }
0x7e: {  	_ =	shalt  }
0x7f: {  	_ =	shalt  }
0x80: {  	_ =	shalt  }
0x81: {  	_ =	shalt  }
0x82: {  	_ =	shalt  }
0x83: {  	_ =	shalt  }
0x84: {  	_ =	shalt  }
0x85: {  	_ =	shalt  }
0x86: {  	_ =	shalt  }
0x87: {  	_ =	shalt  }
.Lfunc_end0:
.L_simem_size_0:
called_computation.1_lowered:
.L_overlay_start_0:
0x88: {  	s2 =	sld [smem:$0x3FD9]  }
0x89: {  	s3 =	sld [smem:$0x3FFE];
	_ =	sdelay $0x1  }
0x8a: {  	s1 =	srdreg.scid  }
0x8b: {  	s0 =	sand.u32 $0x1, s1  }
0x8c: {  	s17 =	sshll.u32 s0, $0xA;
	s2 =	sadd.s32 s3, s2  }
0x8d: {  	s2 =	sadd.s32 s2, s17  }
0x8e: {  	[smem:$0x3FC1] =	sst s2  }
0x8f: {  	_ = 	snop  }
0x90: {  	s2 =	sld [smem:$0x3FD0];
	(tm) =	ssettm $0x1  }
0x91: {  	s18 =	sld [smem:$0x3FFB];
	_ =	sdelay $0x3  }
0x92: {  	_ =	strace s18  }
0x93: {  	s3 =	sld [smem:$0x3FFC];
	_ =	sdelay $0x3  }
0x94: {  	_ =	strace s3  }
0x95: {  	s3 =	sld [smem:$0x3FFD];
	_ =	sdelay $0x3  }
0x96: {  	_ =	strace s3  }
0x97: {  	_ =	strace $0x8FFFFFFF  }
0x98: {  	s19 =	sld [smem:$0x3FDB];
	_ =	sdelay $0x1  }
0x99: {  	s4 =	simm.s32 $_scs_section_size  }
0x9a: {  	s5 =	simm.s32 $_size__tile_overlayer_lowered;
	s6 =	simm.s32 $_tile_overlayer_lowered  }
0x9b: {  	s22 =	simm.s32 $0x1BFF;
	s21 =	sshll.u32 s6, $0x1;
	s3 =	sadd.s32 s4, s19  }
0x9c: {  	s7 =	simm.s32 $0x0;
	s20 =	sshll.u32 s5, $0x1;
	s5 =	sadd.s32 s21, s3  }
0x9d: {  	[timem:s7], [sflag:s22] =	dma.local [hbm:s5], s20  }
0x9e: {  	_ =	swait.ge [sflag:s22], s20  }
0x9f: {  	s4 =	ssub.s32 $0x0, s20;
	[sflag:s22] =	ssyncset.done $0x0  }
0xa0: {  	[sflag:s22] =	ssyncadd.s32 s4;
	_ =	sdelay $0x1  }
0xa1: {  	s23 =	simm.s32 $0x1B8B  }
0xa2: {  	_ =	swait.ge [sflag:s23], $0x1  }
0xa3: {  	[sflag:s23] =	ssyncset.done $0x0  }
0xa4: {  	s25 =	simm.s32 $0x1B8E;
	s24 =	sld [smem:$0x3FFE];
	[sflag:s23] =	ssyncadd.s32 $0xFFFFFFFF  }
0xa5: {  	s26 =	simm.s32 $execute0_lowered;
	[smem:$0x3FD2] =	sst s25  }
0xa6: {  	s5 =	sshll.u32 s26, $0x1;
	_ =	strace $0x8000004B;
	[dreg:$0x1] =	wrdreg $0xFFFFFFFF  }
0xa7: {  	s28 =	simm.s32 $_size_execute0_lowered;
	s3 =	sadd.s32 s3, s5;
	[dreg:$0x0] =	wrdreg $0x0  }
0xa8: {  	s5 =	sshll.u32 s28, $0x1;
	[dreg:$0x2] =	wrdreg s3  }
0xa9: {  	[dreg:$0x3] =	wrdreg s5  }
0xaa: {  	[dreg:$0x4] =	wrdreg $0xC0  }
0xab: {  	_ =	task [dreg:s7], $0x5FFFF  }
0xac: {  	[dreg:$0x1] =	wrdreg $0xFFFFFFFF  }
0xad: {  	[dreg:$0x0] =	wrdreg $0x60  }
0xae: {  	[dreg:$0x2] =	wrdreg s24  }
0xaf: {  	[dreg:$0x3] =	wrdreg s2  }
0xb0: {  	[dreg:$0x4] =	wrdreg $0x9  }
0xb1: {  	_ =	task.clear_ibuf [dreg:s7], $0x5FFFF;
	_ =	strace $0x9000004B  }
0xb2: {  	s29 =	simm.s32 $0x9;
	_ =	strace $0x80000056  }
0xb3: {  	_ =	swait.ge [sflag:s29], $0x1  }
0xb4: {  	[sflag:s29] =	ssyncadd.s32 $0xFFFFFFFF  }
0xb5: {  	_ =	strace $0x90000056  }
0xb6: {  	_ =	sfence  }
0xb7: {  	s30 =	sld [smem:$0x0];
	_ =	sdelay $0x2  }
0xb8: {  	s31 =	sshll.u32 s1, $0xD;
	s1 =	sshrl.u32 s1, $0x2  }
0xb9: {  	s3 =	sand.u32 $0x4000, s31;
	s1 =	sadd.s32 s1, s30  }
0xba: {  	s0 =	sor.u32 s3, s0;
	s1 =	sshll.u32 s1, $0x11  }
0xbb: {  	s0 =	sor.u32 s1, s0  }
0xbc: {  	s0 =	sadd.s32 $0x8F2B, s0  }
0xbd: {  	[sflag:s0] =	ssyncadd.remote.s32 $0x1  }
0xbe: {  	_ =	sfence.sel $0xFFFF  }
0xbf: {  	[dreg:$0x0] =	wrdreg $0xFFFFFFFF;
	(pc) =	sbr.abs _section_cstart, $3  }
0xc0: {  	[dreg:$0x1] =	wrdreg $0xFFFFFFFF  }
0xc1: {  	_ =	task.clear_ibuf [dreg:s7], $0x2FFFF;
	_ =	strace $0x9FFFFFFF  }
0xc2: {  	(tm) =	ssettm $0x7FFFFFFF  }
0xc3: {  	_ =	shalt  }
tec
execute0_lowered:
.L_overlay_start_1:
0x0: {  	(tag) =	ssettag $0x1  }
0x1: {  	s0 =	srdreg.scid  }
0x2: {  	s1 =	rddreg [dreg:$0x0];
	s4 =	stileid.u32  }
0x3: {  	s2 =	rddreg [dreg:$0x1];
	s8 =	simm.s32 $0x4F;
	s0 =	sand.u32 $0x1, s0  }
0x4: {  	s15 =	simm.s32 $0x80;
	s16 =	simm.s32 $0x1;
	s3 =	sshll.u32 s0, $0x4  }
0x5: {  	s17 =	simm.s32 $0x2;
	s18 =	simm.s32 $0x0;
	s4 =	sor.u32 s4, s3  }
0x6: {  	s6 =	sadd.s32 $0xAE00, s1;
	s0 =	ssub.s32 $0x2, s0;
	s5 =	smul.u32 $0x4E, s4  }
0x7: {  	s3 =	simm.s32 $0x0;
	s9 =	sshrl.u32 s0, $0x1;
	s7 =	smul.u32 $0x4F, s4  }
0x8: {  	[smem:$0x7FF] =	sst s3;
	p0 =	slt.u32 s4, $0x4;
	s4 =	sadd.s32 $0x4, s5  }
0x9: {  	s0 =	ssub.s32 s0, s9;
	_ =	strace $0x8000004C;
	s4 =	smov.u32 @p0 s7  }
0xa: {  	s8 =	simm.s32 @!p0 $0x4E;
	s12 =	smax.u32 s0, $0x1;
	s31 =	sshll.u32 s4, $0x4  }
0xb: {  	s5 =	sadd.s32 $0x14C00, s1;
	s7 =	sadd.s32 $0x1000, s1;
	s1 =	sand.u32 $0x1FFFFFF0, s31  }
0xc: {  	s11 =	sadd.s32 $0xFFFFFFFF, s8;
	s9 =	sadd.s32 s6, s1;
	s10 =	sadd.s32 s7, s1  }
.LBB2_1:
0xd: {  	_ =	strace $0x8000004D;
	s0 =	simm.s32 $0x4000;
	s31 =	simm.s32 $0x4100  }
0xe: {  	s28 =	simm.s32 $0x0;
	s19 =	simm.s32 $0x0;
	s20 =	simm.s32 $0x0  }
0xf: {  	[tilespmem:s0], [sflag:$0x3] =	stream.linear.gather [hbm4b:s9+s3], $0x80, $0x200038;
	[tilespmem:$0xC200] =	vst v63  }
0x10: {  	s21 =	simm.s32 $0x0;
	s22 =	simm.s32 $0x1;
	s23 =	simm.s32 $0x0  }
0x11: {  	[tilespmem:s31], [sflag:$0x5] =	stream.linear.gather [hbm4b:s10+s3], $0x80, $0x200038;
	[tilespmem:$0xC200] =	vst v63  }
0x12: {  	s24 =	simm.s32 $0x1;
	s25 =	simm.s32 $0x0;
	_ =	strace $0x9000004D  }
.LBB2_2:
0x13: {  	s26 =	sadd.s32 $0x1, s28  }
0x14: {  	p0 =	seq.s32 s26, s8  }
0x15: {  	s26 =	simm.s32 @p0 $0x0;
	p0 =	sge.u32 s25, s11  }
0x16: {  	p1 =	seq.s32 @!p0 s28, s26  }
0x17: {  	p2 =	por p1, p0  }
0x18: {  	s0 =	sadd.s32 @!p2 s4, s26  }
0x19: {  	s1 =	sand.u32 @!p2 $0x1, s24;
	_ =	strace @!p2 $0x8000004E;
	s0 =	sshll.u32 @!p2 s0, $0x4  }
0x1a: {  	s30 =	simm.s32 @!p2 $0x0;
	s14 =	sshll.u32 @!p2 s1, $0x7;
	s0 =	sand.u32 @!p2 $0x1FFFFFF0, s0  }
0x1b: {  	s1 =	sadd.s32 @!p2 $0x3, s1;
	s14 =	sor.u32 @!p2 $0x4000, s14;
	s29 =	sadd.s32 @!p2 s6, s0  }
0x1c: {  	[tilespmem:s14], [sflag:s1] =	stream.linear.gather @!p2 [hbm4b:s29+s30], $0x80, $0x200038;
	[tilespmem:$0xC200] =	vst v63  }
0x1d: {  	s1 =	sand.u32 @!p2 $0x1, s22  }
0x1e: {  	s0 =	sadd.s32 @!p2 s7, s0;
	_ =	strace @!p2 $0x9000004E;
	s14 =	sshll.u32 @!p2 s1, $0x7  }
0x1f: {  	s1 =	sadd.s32 @!p2 $0x5, s1;
	_ =	strace @!p2 $0x8000004F;
	s14 =	sor.u32 @!p2 $0x4100, s14  }
0x20: {  	[tilespmem:s14], [sflag:s1] =	stream.linear.gather @!p2 [hbm4b:s0+s30], $0x80, $0x200038;
	[tilespmem:$0xC200] =	vst v63  }
0x21: {  	s1 =	sand.u32 $0x1, s23;
	_ =	strace @!p2 $0x9000004F  }
0x22: {  	s0 =	sadd.s32 $0x3, s1;
	_ =	strace $0x80000050  }
0x23: {  	_ =	swait.ge [sflag:s0], $0x80  }
0x24: {  	[sflag:s0] =	ssyncset.done $0x0  }
0x25: {  	[sflag:s0] =	ssyncadd.s32 $0xFFFFFF80  }
0x26: {  	s14 =	sand.u32 $0x1, s21;
	_ =	strace $0x90000050  }
0x27: {  	s0 =	sadd.s32 $0x5, s14;
	_ =	strace $0x80000051  }
0x28: {  	_ =	swait.ge [sflag:s0], $0x80  }
0x29: {  	[sflag:s0] =	ssyncset.done $0x0  }
0x2a: {  	s29 =	sand.u32 $0x1, s20;
	s1 =	sshll.u32 s23, $0x7;
	[sflag:s0] =	ssyncadd.s32 $0xFFFFFF80  }
0x2b: {  	s14 =	simm.s32 $0x0;
	s0 =	sand.u32 $0x80, s1;
	_ =	strace $0x90000051  }
0x2c: {  	s1 =	sshll.u32 s21, $0x7;
	s0 =	sor.u32 $0x4000, s0;
	_ =	strace $0x80000052  }
0x2d: {  	[tilespmem:s14], [sflag:$0x1] =	stream.indirect.gather [hbm4b:s5+s15], $0x80, s0, s15, $0x2000b8;
	[tilespmem:$0xC200] =	vst v63  }
0x2e: {  	s14 =	sshll.u32 s29, $0xE;
	s0 =	sand.u32 $0x80, s1  }
0x2f: {  	s30 =	sadd.s32 $0x4200, s14;
	s0 =	sor.u32 $0x4100, s0  }
0x30: {  	[tilespmem:s30], [sflag:$0x2] =	stream.indirect.gather [hbm4b:s5+s15], $0x80, s0, s15, $0x2000b8;
	[tilespmem:$0xC200] =	vst v63  }
0x31: {  	s14 =	sadd.s32 $0x4240, s14;
	_ =	swait.ge [sflag:s16], $0x4000  }
0x32: {  	v0 =	vmov s14;
	[sflag:s16] =	ssyncset.done $0x0  }
0x33: {  	[sflag:s16] =	ssyncadd.s32 $0xFFFFC000  }
0x34: {  	_ =	swait.ge [sflag:s17], $0x4000  }
0x35: {  	[sflag:s17] =	ssyncset.done $0x0  }
0x36: {  	s0 =	simm.s32 $0x0;
	[sflag:s17] =	ssyncadd.s32 $0xFFFFC000  }
0x37: {  	v1 =	vld.idx.msk [tilespmem:v0+s0+$0xFFFFFFC0 ss:$0x1], $0xffff  }
0x38: {  	v2 =	vld [tilespmem:s0+$0x0];
	_ =	sdelay $0x4  }
0x39: {  	v1 =	vmul.f32 v2, v1;
	_ =	sdelay $0x1  }
0x3a: {  	[tilespmem:v0+s0+$0xFFFFFFC0 ss:$0x1] =	vst.idx.msk $0xffff, v1  }
0x3b: {  	v1 =	vld.idx.msk [tilespmem:v0+s0+$0xFFFFFFD0 ss:$0x1], $0xffff  }
0x3c: {  	v2 =	vld [tilespmem:s0+$0x10];
	_ =	sdelay $0x4  }
0x3d: {  	v1 =	vmul.f32 v2, v1;
	_ =	sdelay $0x1  }
0x3e: {  	[tilespmem:v0+s0+$0xFFFFFFD0 ss:$0x1] =	vst.idx.msk $0xffff, v1  }
0x3f: {  	v1 =	vld.idx.msk [tilespmem:v0+s0+$0xFFFFFFE0 ss:$0x1], $0xffff  }
0x40: {  	v2 =	vld [tilespmem:s0+$0x20];
	_ =	sdelay $0x4  }
0x41: {  	v1 =	vmul.f32 v2, v1;
	_ =	sdelay $0x1  }
0x42: {  	[tilespmem:v0+s0+$0xFFFFFFE0 ss:$0x1] =	vst.idx.msk $0xffff, v1  }
0x43: {  	v1 =	vld.idx.msk [tilespmem:v0+s0+$0xFFFFFFF0 ss:$0x1], $0xffff  }
0x44: {  	v2 =	vld [tilespmem:s0+$0x30];
	_ =	sdelay $0x4  }
0x45: {  	v1 =	vmul.f32 v2, v1;
	_ =	sdelay $0x1  }
0x46: {  	[tilespmem:v0+s0+$0xFFFFFFF0 ss:$0x1] =	vst.idx.msk $0xffff, v1  }
0x47: {  	v1 =	vld.idx.msk [tilespmem:v0+s0+$0x0 ss:$0x1], $0xffff  }
0x48: {  	v2 =	vld [tilespmem:s0+$0x40];
	_ =	sdelay $0x4  }
0x49: {  	v1 =	vmul.f32 v2, v1;
	_ =	sdelay $0x1  }
0x4a: {  	[tilespmem:v0+s0+$0x0 ss:$0x1] =	vst.idx.msk $0xffff, v1  }
0x4b: {  	v1 =	vld.idx.msk [tilespmem:v0+s0+$0x10 ss:$0x1], $0xffff  }
0x4c: {  	v2 =	vld [tilespmem:s0+$0x50];
	_ =	sdelay $0x4  }
0x4d: {  	v1 =	vmul.f32 v2, v1;
	_ =	sdelay $0x1  }
0x4e: {  	[tilespmem:v0+s0+$0x10 ss:$0x1] =	vst.idx.msk $0xffff, v1  }
0x4f: {  	v1 =	vld.idx.msk [tilespmem:v0+s0+$0x20 ss:$0x1], $0xffff  }
0x50: {  	v2 =	vld [tilespmem:s0+$0x60];
	_ =	sdelay $0x4  }
0x51: {  	v1 =	vmul.f32 v2, v1;
	_ =	sdelay $0x1  }
0x52: {  	[tilespmem:v0+s0+$0x20 ss:$0x1] =	vst.idx.msk $0xffff, v1  }
0x53: {  	v1 =	vld.idx.msk [tilespmem:v0+s0+$0x30 ss:$0x1], $0xffff  }
0x54: {  	v2 =	vld [tilespmem:s0+$0x70];
	_ =	sdelay $0x1  }
0x55: {  	s31 =	simm.s32 $0x0;
	p1 =	por !p1, p0  }
0x56: {  	s13 =	smov.u32 s24;
	s31 =	simm.s32 @p1 $0x1;
	s1 =	sadd.s32 @!p2 $0x1, s24  }
0x57: {  	s31 =	simm.s32 @p0 $0x0;
	s24 =	smov.u32 @p1 s1;
	s1 =	sadd.s32 s4, s28  }
0x58: {  	s24 =	smov.u32 @p0 s13;
	s13 =	simm.s32 $0x200;
	s14 =	simm.s32 $0x400;
	v1 =	vmul.f32 v2, v1  }
.LBB2_3:
0x59: {  	p0 =	sne.s32 s14, $0xFE00  }
0x5a: {  	[tilespmem:v0+s0+$0x30 ss:$0x1] =	vst.idx.msk $0xffff, v1;
	s0 =	sshra.s32 s13, $0x2;
	s13 =	smov.u32 s14;
	s14 =	sadd.s32 $0x200, s14  }
0x5b: {  	v1 =	vld.idx.msk [tilespmem:v0+s0+$0xFFFFFFC0 ss:$0x1], $0xffff  }
0x5c: {  	v2 =	vld [tilespmem:s0+$0x0];
	_ =	sdelay $0x4  }
0x5d: {  	v1 =	vmul.f32 v2, v1;
	_ =	sdelay $0x1  }
0x5e: {  	[tilespmem:v0+s0+$0xFFFFFFC0 ss:$0x1] =	vst.idx.msk $0xffff, v1  }
0x5f: {  	v1 =	vld.idx.msk [tilespmem:v0+s0+$0xFFFFFFD0 ss:$0x1], $0xffff  }
0x60: {  	v2 =	vld [tilespmem:s0+$0x10];
	_ =	sdelay $0x4  }
0x61: {  	v1 =	vmul.f32 v2, v1;
	_ =	sdelay $0x1  }
0x62: {  	[tilespmem:v0+s0+$0xFFFFFFD0 ss:$0x1] =	vst.idx.msk $0xffff, v1  }
0x63: {  	v1 =	vld.idx.msk [tilespmem:v0+s0+$0xFFFFFFE0 ss:$0x1], $0xffff  }
0x64: {  	v2 =	vld [tilespmem:s0+$0x20];
	_ =	sdelay $0x4  }
0x65: {  	v1 =	vmul.f32 v2, v1;
	_ =	sdelay $0x1  }
0x66: {  	[tilespmem:v0+s0+$0xFFFFFFE0 ss:$0x1] =	vst.idx.msk $0xffff, v1  }
0x67: {  	v1 =	vld.idx.msk [tilespmem:v0+s0+$0xFFFFFFF0 ss:$0x1], $0xffff  }
0x68: {  	v2 =	vld [tilespmem:s0+$0x30];
	_ =	sdelay $0x4  }
0x69: {  	v1 =	vmul.f32 v2, v1;
	_ =	sdelay $0x1  }
0x6a: {  	[tilespmem:v0+s0+$0xFFFFFFF0 ss:$0x1] =	vst.idx.msk $0xffff, v1  }
0x6b: {  	v1 =	vld.idx.msk [tilespmem:v0+s0+$0x0 ss:$0x1], $0xffff  }
0x6c: {  	v2 =	vld [tilespmem:s0+$0x40];
	_ =	sdelay $0x4  }
0x6d: {  	v1 =	vmul.f32 v2, v1;
	_ =	sdelay $0x1  }
0x6e: {  	[tilespmem:v0+s0+$0x0 ss:$0x1] =	vst.idx.msk $0xffff, v1  }
0x6f: {  	v1 =	vld.idx.msk [tilespmem:v0+s0+$0x10 ss:$0x1], $0xffff  }
0x70: {  	v2 =	vld [tilespmem:s0+$0x50];
	_ =	sdelay $0x4  }
0x71: {  	v1 =	vmul.f32 v2, v1;
	_ =	sdelay $0x1  }
0x72: {  	[tilespmem:v0+s0+$0x10 ss:$0x1] =	vst.idx.msk $0xffff, v1  }
0x73: {  	v1 =	vld.idx.msk [tilespmem:v0+s0+$0x20 ss:$0x1], $0xffff  }
0x74: {  	v2 =	vld [tilespmem:s0+$0x60];
	_ =	sdelay $0x4  }
0x75: {  	v1 =	vmul.f32 v2, v1;
	_ =	sdelay $0x1  }
0x76: {  	[tilespmem:v0+s0+$0x20 ss:$0x1] =	vst.idx.msk $0xffff, v1  }
0x77: {  	v1 =	vld.idx.msk [tilespmem:v0+s0+$0x30 ss:$0x1], $0xffff  }
0x78: {  	v2 =	vld [tilespmem:s0+$0x70]  }
.Ltmp0:
0x79: {  	(pc) =	sbr.rel @p0 .LBB2_3-.Ltmp0, $2  }
0x7a: {  	_ =	sdelay $0x2  }
0x7b: {  	v1 =	vmul.f32 v2, v1  }
0x7c: {  	_ =	sdelay $0x3  }
0x7d: {  	s13 =	sshra.s32 s13, $0x2;
	[tilespmem:v0+s0+$0x30 ss:$0x1] =	vst.idx.msk $0xffff, v1  }
0x7e: {  	v1 =	vld.idx.msk [tilespmem:v0+s13+$0xFFFFFFC0 ss:$0x1], $0xffff  }
0x7f: {  	v2 =	vld [tilespmem:s13+$0x0];
	_ =	sdelay $0x4  }
0x80: {  	v1 =	vmul.f32 v2, v1;
	_ =	sdelay $0x1  }
0x81: {  	[tilespmem:v0+s13+$0xFFFFFFC0 ss:$0x1] =	vst.idx.msk $0xffff, v1  }
0x82: {  	v1 =	vld.idx.msk [tilespmem:v0+s13+$0xFFFFFFD0 ss:$0x1], $0xffff  }
0x83: {  	v57 =	vld [tilespmem:s13+$0x10];
	_ =	sdelay $0x4  }
0x84: {  	v1 =	vmul.f32 v57, v1;
	_ =	sdelay $0x1  }
0x85: {  	[tilespmem:v0+s13+$0xFFFFFFD0 ss:$0x1] =	vst.idx.msk $0xffff, v1  }
0x86: {  	v1 =	vld.idx.msk [tilespmem:v0+s13+$0xFFFFFFE0 ss:$0x1], $0xffff  }
0x87: {  	v58 =	vld [tilespmem:s13+$0x20];
	_ =	sdelay $0x4  }
0x88: {  	v1 =	vmul.f32 v58, v1;
	_ =	sdelay $0x1  }
0x89: {  	[tilespmem:v0+s13+$0xFFFFFFE0 ss:$0x1] =	vst.idx.msk $0xffff, v1  }
0x8a: {  	v1 =	vld.idx.msk [tilespmem:v0+s13+$0xFFFFFFF0 ss:$0x1], $0xffff  }
0x8b: {  	v59 =	vld [tilespmem:s13+$0x30];
	_ =	sdelay $0x4  }
0x8c: {  	v1 =	vmul.f32 v59, v1;
	_ =	sdelay $0x1  }
0x8d: {  	[tilespmem:v0+s13+$0xFFFFFFF0 ss:$0x1] =	vst.idx.msk $0xffff, v1  }
0x8e: {  	v1 =	vld.idx.msk [tilespmem:v0+s13+$0x0 ss:$0x1], $0xffff  }
0x8f: {  	v60 =	vld [tilespmem:s13+$0x40];
	_ =	sdelay $0x4  }
0x90: {  	v1 =	vmul.f32 v60, v1;
	_ =	sdelay $0x1  }
0x91: {  	[tilespmem:v0+s13+$0x0 ss:$0x1] =	vst.idx.msk $0xffff, v1  }
0x92: {  	v1 =	vld.idx.msk [tilespmem:v0+s13+$0x10 ss:$0x1], $0xffff  }
0x93: {  	v61 =	vld [tilespmem:s13+$0x50];
	_ =	sdelay $0x4  }
0x94: {  	v1 =	vmul.f32 v61, v1;
	_ =	sdelay $0x1  }
0x95: {  	[tilespmem:v0+s13+$0x10 ss:$0x1] =	vst.idx.msk $0xffff, v1  }
0x96: {  	v1 =	vld.idx.msk [tilespmem:v0+s13+$0x20 ss:$0x1], $0xffff  }
0x97: {  	v62 =	vld [tilespmem:s13+$0x60];
	_ =	sdelay $0x4  }
0x98: {  	v1 =	vmul.f32 v62, v1;
	_ =	sdelay $0x1  }
0x99: {  	[tilespmem:v0+s13+$0x20 ss:$0x1] =	vst.idx.msk $0xffff, v1  }
0x9a: {  	v1 =	vld.idx.msk [tilespmem:v0+s13+$0x30 ss:$0x1], $0xffff  }
0x9b: {  	v63 =	vld [tilespmem:s13+$0x70];
	_ =	sdelay $0x4  }
0x9c: {  	p0 =	sne.s32 s28, s26;
	p1 =	seq.s32 s25, s11;
	v1 =	vmul.f32 v63, v1  }
0x9d: {  	p0 =	por p1, p0  }
0x9e: {  	p1 =	seq.s32 s25, $0x0;
	s0 =	sshll.u32 @p0 s1, $0xB;
	[tilespmem:v0+s13+$0x30 ss:$0x1] =	vst.idx.msk $0xffff, v1  }
0x9f: {  	s1 =	sadd.s32 @p0 $0x7, s29;
	s0 =	sand.u32 @p0 $0x1FFFF800, s0;
	_ =	strace $0x90000052  }
0xa0: {  	s0 =	sadd.s32 @p0 s2, s0;
	s13 =	simm.s32 @p0 $0x0;
	_ =	strace @p0 $0x80000053  }
0xa1: {  	[hbm4b:s0+s13] =	stream.linear.scatter @p0 [tilespmem:s30], [sflag:s1], $0x4000, $0x200038;
	[tilespmem:$0xC200] =	vst v63  }
0xa2: {  	s0 =	sand.u32 @!p1 $0x1, s19;
	_ =	strace @p0 $0x90000053  }
0xa3: {  	s0 =	sadd.s32 @!p1 $0x7, s0;
	_ =	strace @!p1 $0x80000054  }
0xa4: {  	s1 =	simm.s32 $0x1;
	_ =	swait.ge @!p1 [sflag:s0], $0x4000  }
0xa5: {  	s1 =	simm.s32 @!p0 $0x0;
	p0 =	sne.s32 s25, $0x0;
	[sflag:s0] =	ssyncset.done @!p1 $0x0  }
0xa6: {  	s25 =	sadd.s32 $0x1, s25;
	[sflag:s0] =	ssyncadd.s32 @!p1 $0xFFFFC000;
	s0 =	simm.s32 $0x1  }
0xa7: {  	s0 =	simm.s32 @!p0 $0x0;
	p0 =	sne.s32 s25, s8  }
.Ltmp1:
0xa8: {  	_ = 	snop;
	(pc) =	sbr.rel @p0 .LBB2_2-.Ltmp1, $4  }
0xa9: {  	_ = 	snop  }
0xaa: {  	s22 =	sadd.s32 s22, s31  }
0xab: {  	s28 =	smov.u32 s26;
	s20 =	sadd.s32 s1, s20;
	s23 =	sadd.s32 s1, s23  }
0xac: {  	s21 =	sadd.s32 s1, s21;
	_ =	strace @!p1 $0x90000054;
	s19 =	sadd.s32 s0, s19  }
0xad: {  	s18 =	sadd.s32 $0x1, s18  }
0xae: {  	s0 =	sand.u32 $0x1, s19;
	p0 =	sne.s32 s18, s12  }
.Ltmp2:
0xaf: {  	_ =	strace $0x80000055;
	s0 =	sadd.s32 $0x7, s0;
	(pc) =	sbr.rel @p0 .LBB2_1-.Ltmp2, $4  }
0xb0: {  	_ =	swait.ge [sflag:s0], $0x4000  }
0xb1: {  	[sflag:s0] =	ssyncset.done $0x0  }
0xb2: {  	[sflag:s0] =	ssyncadd.s32 $0xFFFFC000  }
0xb3: {  	_ =	strace $0x90000055  }
0xb4: {  	_ =	sfence.sel $0x180000  }
0xb5: {  	[bflag:$0x0] =	sbarrier.arrive $0xFFFF  }
0xb6: {  	_ =	strace $0x9000004C  }
0xb7: {  	s0 =	stileid.u32;
	[bflag:$0x2] =	sbarrier.arrive $0xFFFF  }
0xb8: {  	p0 =	sne.s32 s0, $0x0;
	s0 =	rddreg [dreg:$0x2]  }
0xb9: {  	s0 =	sadd.s32 @!p0 $0x100000, s0  }
0xba: {  	[sflag:s0] =	ssyncadd.tile.s32 @!p0 $0x1;
	_ =	shalt  }
.Lfunc_end2:
_tile_overlayer_lowered:
.L_overlay_start_2:
0xbb: {  	(tag) =	ssettag $0x2  }
0xbc: {  	s0 =	rddreg [dreg:$0x0];
	s2 =	stileid.u32  }
0xbd: {  	s1 =	rddreg [dreg:$0x1];
	p0 =	sne.s32 s2, $0x0  }
0xbe: {  	s3 =	rddreg [dreg:$0x2];
	[bflag:$0x3] =	sbarrier.arrive $0xFFFF;
	s2 =	simm.s32 @!p0 $0x1C03  }
0xbf: {  	[timem:s3], [sflag:s2] =	dma.local @!p0 [hbm:s0], s1  }
0xc0: {  	s0 =	simm.s32 @!p0 $0x3  }
0xc1: {  	_ =	swait.ge @!p0 [sflag:s0], s1  }
0xc2: {  	s1 =	ssub.s32 @!p0 $0x0, s1;
	[sflag:s0] =	ssyncset.done @!p0 $0x0  }
0xc3: {  	[sflag:s0] =	ssyncadd.s32 @!p0 s1  }
0xc4: {  	[bflag:$0x3] =	sbarrier.arrive $0xFFFF  }
0xc5: {  	_ =	shalt  }

</sc_bundles>
